<compile_context>
chip_gen: v7x
topology: tpu7x:2x2x1
jax: 0.10.2.dev20260603
libtpu: 0.0.44.dev20260713+nightly
codegen_flags: <defaults>
</compile_context>

<pallas_src>
import jax
import jax.numpy as jnp
from jax import lax
from jax.experimental import pallas as pl
from jax.experimental.pallas import tpu as pltpu
from jax.experimental.pallas import tpu_sc as plsc

NX, NY, NZ = 256, 256, 1
C = 64
MAX_CAV = 4
N = 32768
UB = MAX_CAV
G = NX * NY

NC, NS, L = 2, 16, 16
NW = NC * NS
CELLS_PW = UB * G // NW
K = NX
NCH = CELLS_PW // K
B = 32
RING = 3
P = N // NS
VPC = P // L
KD = K + 16


def _body(coords_ref, pillar_ref, out_ref, cbuf, sbuf, s_sh, owner, gidx,
          cpos, table, ostage, nbref, csem, gsem, osem):
    sid = lax.axis_index("s")
    wid = sid * NC + lax.axis_index("c")
    cell_base = wid * CELLS_PW
    iota = jnp.arange(L, dtype=jnp.int32)
    zeros = jnp.zeros((L,), jnp.float32)

    neg1 = jnp.full((L,), -1, jnp.int32)

    @pl.loop(0, CELLS_PW // L, unroll=8)
    def _init(i):
        owner[pl.ds(i * L, L)] = neg1

    with jax.named_scope("phase0_index"):
        for r in range(3):
            pltpu.sync_copy(coords_ref.at[r, pl.ds(sid * P, P)],
                            cbuf.at[r])

        @pl.loop(0, VPC, unroll=4)
        def _idx(v):
            b = cbuf[0, pl.ds(v * L, L)]
            y = cbuf[1, pl.ds(v * L, L)]
            x = cbuf[2, pl.ds(v * L, L)]
            sbuf[pl.ds(v * L, L)] = b * G + y * NX + x

        pltpu.sync_copy(sbuf.at[pl.ds(0, P)], s_sh.at[pl.ds(sid * P, P)])
        plsc.subcore_barrier()

    def _fire_s(pc, par):
        pltpu.make_async_copy(s_sh.at[pl.ds(pc * P, P)],
                              sbuf.at[pl.ds(par * P, P)], csem).start()

    _fire_s(0, 0)

    with jax.named_scope("phase1_scan"):
        @pl.loop(0, NS)
        def _scan(pc):
            par = lax.rem(pc, 2)
            pltpu.make_async_copy(s_sh.at[pl.ds(0, P)],
                                  sbuf.at[pl.ds(0, P)], csem).wait()

            @pl.when(pc + 1 < NS)
            def _():
                _fire_s(pc + 1, 1 - par)

            cb = par * P

            @pl.loop(0, VPC, unroll=8)
            def _pts(v):
                svec = sbuf[pl.ds(cb + v * L, L)]
                rel = svec - cell_base
                m = (rel >= 0) & (rel < CELLS_PW)
                relc = jnp.clip(rel, 0, CELLS_PW - 1)
                ivec = pc * P + v * L + iota
                plsc.store_scatter(owner, [relc], ivec, mask=m)

    dumpK = jnp.full((L,), K, jnp.int32)

    def _build_and_fire_gathers(ch, par):
        gb = par * K

        @pl.loop(0, K // L, unroll=4)
        def _pre(u):
            spread = (ch * K + u * L + iota + wid * L) & (N - 1)
            gidx[pl.ds(gb + u * L, L)] = spread
            cpos[pl.ds(gb + u * L, L)] = dumpK

        @pl.loop(0, K // L, init_carry=jnp.int32(0))
        def _cmp(u, base):
            ov = owner[pl.ds(ch * K + u * L, L)]
            m = ov >= 0
            ones = m.astype(jnp.int32)
            pos = gb + base + plsc.cumsum(ones) - 1
            plsc.store_scatter(gidx, [pos], ov, mask=m)
            plsc.store_scatter(cpos, [pos], u * L + iota, mask=m)
            return base + jnp.sum(ones)

        n_occ = _cmp
        nb = (n_occ + (B - 1)) // B
        nbref[ch] = nb

        @pl.loop(0, nb)
        def _g(b):
            pltpu.async_copy(pillar_ref.at[gidx.at[pl.ds(gb + b * B, B)]],
                             table.at[pl.ds(gb + b * B, B)], gsem)

    def _drain_out():
        pltpu.make_async_copy(ostage.at[pl.ds(0, C), pl.ds(0, K)],
                              out_ref.at[0, :, 0, :], osem).wait()

    for r in range(RING - 1):
        _build_and_fire_gathers(r, r)

    @pl.loop(0, NCH)
    def _chunk(ch):
        par = lax.rem(ch, RING)
        ob = lax.rem(ch, 2) * C
        gb = par * K
        nb = nbref[ch]

        with jax.named_scope("wait_gathers"):
            @pl.loop(0, nb)
            def _w(b):
                pltpu.make_async_copy(
                    pillar_ref.at[gidx.at[pl.ds(0, B)]],
                    table.at[pl.ds(b * B, B)], gsem).wait()

        with jax.named_scope("build_fire_gathers"):
            @pl.when(ch + RING - 1 < NCH)
            def _():
                _build_and_fire_gathers(ch + RING - 1,
                                        lax.rem(ch + RING - 1, RING))

        with jax.named_scope("drain_out"):
            @pl.when(ch >= 2)
            def _():
                _drain_out()

        with jax.named_scope("zero_stage"):
            @pl.loop(0, C)
            def _z(c):
                @pl.loop(0, K // L, unroll=8)
                def _zv(v):
                    ostage[ob + c, pl.ds(v * L, L)] = zeros

        with jax.named_scope("transpose"):
            @pl.loop(0, nb)
            def _b(b):
                @pl.loop(0, B // L)
                def _v(v):
                    cpv = cpos[pl.ds(gb + b * B + v * L, L)]
                    rowvec = gb + b * B + v * L + iota

                    @pl.loop(0, C, unroll=4)
                    def _c(c):
                        cvec = jnp.full((L,), c, jnp.int32)
                        val = plsc.load_gather(table, [rowvec, cvec])
                        rvec = jnp.full((L,), ob + c, jnp.int32)
                        plsc.store_scatter(ostage, [rvec, cpv], val)

        cell0 = cell_base + ch * K
        bb = cell0 // G
        yrow = (cell0 - bb * G) // NX

        with jax.named_scope("fire_out"):
            pltpu.make_async_copy(
                ostage.at[pl.ds(ob, C), pl.ds(0, K)],
                out_ref.at[bb, :, yrow, :], osem).start()

    _drain_out()
    _drain_out()


@jax.jit
def _scatter_bev(coords, pillar):
    f = pl.kernel(
        _body,
        out_type=jax.ShapeDtypeStruct((UB, C, NY, NX), jnp.float32),
        mesh=plsc.VectorSubcoreMesh(core_axis_name="c", subcore_axis_name="s"),
        compiler_params=pltpu.CompilerParams(use_tc_tiling_on_sc=False,
                                             needs_layout_passes=False),
        scratch_types=[
            pltpu.VMEM((3, P), jnp.int32),
            pltpu.VMEM((2 * P,), jnp.int32),
            pltpu.VMEM_SHARED((N,), jnp.int32),
            pltpu.VMEM((CELLS_PW,), jnp.int32),
            pltpu.VMEM((RING * K,), jnp.int32),
            pltpu.VMEM((RING * K,), jnp.int32),
            pltpu.VMEM((RING * K, C), jnp.float32),
            pltpu.VMEM((2 * C, KD), jnp.float32),
            pltpu.SMEM((NCH,), jnp.int32),
            pltpu.SemaphoreType.DMA,
            pltpu.SemaphoreType.DMA,
            pltpu.SemaphoreType.DMA,
        ],
    )
    return f(coords, pillar)


def kernel(voxel_coords, record_len, pillar_features):
    del record_len
    coords = voxel_coords.astype(jnp.int32).T[jnp.array([0, 2, 3])]
    pillar = pillar_features.astype(jnp.float32)
    return _scatter_bev(coords, pillar)

# --- scband reference (transcript-rebuilt; emitter-appended) ---
"""Pipeline reference for scband-point-pillar-scatter-74792560492859 (READ-ONLY COPY).

The authoritative reference and input builder live on the scoring server;
editing this copy changes nothing except your own understanding.
"""

import jax, jax.numpy as jnp
import numpy as np

NX, NY, NZ = 256, 256, 1
C = 64
MAX_CAV = 4
N = 32768


def setup_inputs(seed: int = 0) -> dict:
    key = jax.random.key(seed)
    kb, ky, kx, kf = jax.random.split(key, 4)
    b = jax.random.randint(kb, (N,), 0, MAX_CAV)
    z = jnp.zeros((N,), dtype=jnp.int32)
    y = jax.random.randint(ky, (N,), 0, NY)
    x = jax.random.randint(kx, (N,), 0, NX)
    voxel_coords = jnp.stack([b, z, y, x], axis=1)
    record_len = jnp.array([N], dtype=jnp.int32)  # only shape[0] is used (=1 agent group)
    pillar_features = jax.random.normal(kf, (N, C), dtype=jnp.float32)
    return {"voxel_coords": voxel_coords, "record_len": record_len, "pillar_features": pillar_features}


def reference(voxel_coords, record_len, pillar_features):
    upper_batch_bound = record_len.shape[0] * MAX_CAV
    G = NX * NY
    spatial_indices = (voxel_coords[:, 0].astype(jnp.int32) * G
                       + voxel_coords[:, 2].astype(jnp.int32) * NX
                       + voxel_coords[:, 3].astype(jnp.int32))
    # zeros((UB, C, G)).view(C, -1) in torch == contiguous memory reinterpretation;
    # scatter at (c, b*G + y*NX + x) then view(C, UB, NY, NX).permute(1,0,2,3)
    buf = jnp.zeros((C, upper_batch_bound * G), dtype=pillar_features.dtype)
    pillars = pillar_features.T  # (C, N)
    buf = buf.at[:, spatial_indices].set(pillars)
    batch_spatial_features = buf.reshape(C, upper_batch_bound, NY, NX).transpose(1, 0, 2, 3)
    return batch_spatial_features

if __name__ == "__main__":
    import jax
    _d = setup_inputs()
    print(jax.jit(kernel)(*tuple(_d.values())))

</pallas_src>

<mosaic_0001>
#map = affine_map<(d0, d1) -> (0, 0)>
#map1 = affine_map<(d0, d1) -> (0, 0, 0, 0)>
module attributes {stable_mosaic.version = 14 : i64} {
  func.func @_body(%arg0: i32, %arg1: i32, %arg2: memref<3x32768xi32, #tpu.memory_space<hbm>>, %arg3: memref<32768x64xf32, #tpu.memory_space<hbm>>, %arg4: memref<4x64x256x256xf32, #tpu.memory_space<hbm>>, %arg5: memref<3x2048xi32, #tpu.memory_space<vmem>>, %arg6: memref<4096xi32, #tpu.memory_space<vmem>>, %arg7: memref<32768xi32, #tpu.memory_space<vmem_shared>>, %arg8: memref<8192xi32, #tpu.memory_space<vmem>>, %arg9: memref<768xi32, #tpu.memory_space<vmem>>, %arg10: memref<768xi32, #tpu.memory_space<vmem>>, %arg11: memref<768x64xf32, #tpu.memory_space<vmem>>, %arg12: memref<128x272xf32, #tpu.memory_space<vmem>>, %arg13: memref<32xi32, #tpu.memory_space<smem>>, %arg14: memref<!tpu.dma_semaphore, #tpu.memory_space<semaphore_mem>>, %arg15: memref<!tpu.dma_semaphore, #tpu.memory_space<semaphore_mem>>, %arg16: memref<!tpu.dma_semaphore, #tpu.memory_space<semaphore_mem>>) attributes {dimension_semantics = [#tpu.dimension_semantics<core_parallel>, #tpu.dimension_semantics<subcore_parallel>], iteration_bounds = array<i64: 2, 16>, scalar_prefetch = 0 : i64, scratch_operands = 12 : i64, tpu.core_type = #tpu.core_type<sc_vector_subcore>, window_params = [{transform_indices = #map}, {transform_indices = #map}, {transform_indices = #map1}]} {
    %mul3A = arith.constant 2 : i32
    %mul3A_0 = arith.muli %arg1, %mul3A : i32
    %add3A = arith.addi %mul3A_0, %arg0 : i32
    %mul3A_1 = arith.constant 8192 : i32
    %mul3A_2 = arith.muli %add3A, %mul3A_1 : i32
    %iota3A = tpu.iota {dimensions = array<i32: 0>} : vector<16xi32>
    %broadcast_in_dim3A = arith.constant 0.000000e+00 : f32
    %broadcast_in_dim3A_3 = vector.broadcast %broadcast_in_dim3A : f32 to vector<16xf32>
    %broadcast_in_dim3A_4 = arith.constant -1 : i32
    %broadcast_in_dim3A_5 = vector.broadcast %broadcast_in_dim3A_4 : i32 to vector<16xi32>
    %scan3A = arith.constant 0 : i32
    %scan3A_6 = arith.constant 512 : i32
    %scan3A_7 = arith.addi %scan3A, %scan3A_6 : i32
    %scan3A_8 = arith.constant 8 : i32
    scf.for %scan3A_188 = %scan3A to %scan3A_7 step %scan3A_8  : i32 {
      %mul3A_189 = arith.constant 1 : i32
      %mul3A_190 = arith.muli %scan3A_188, %mul3A_189 : i32
      %add3A_191 = arith.constant 0 : i32
      %add3A_192 = arith.addi %add3A_191, %mul3A_190 : i32
      %mul3A_193 = arith.constant 16 : i32
      %mul3A_194 = arith.muli %add3A_192, %mul3A_193 : i32
      %swap3A_195 = arith.index_cast %mul3A_194 : i32 to index
      %swap3A_196 = tpu.vector_load %arg8[%swap3A_195] {strides = array<i32>} : memref<8192xi32, #tpu.memory_space<vmem>>, vector<16xi32>,
      tpu.vector_store %arg8[%swap3A_195], %broadcast_in_dim3A_5 {strides = array<i32>} : memref<8192xi32, #tpu.memory_space<vmem>>, vector<16xi32>,
      %scan3A_197 = arith.constant 1 : i32
      %scan3A_198 = arith.addi %scan3A_188, %scan3A_197 : i32
      %mul3A_199 = arith.constant 1 : i32
      %mul3A_200 = arith.muli %scan3A_198, %mul3A_199 : i32
      %add3A_201 = arith.constant 0 : i32
      %add3A_202 = arith.addi %add3A_201, %mul3A_200 : i32
      %mul3A_203 = arith.constant 16 : i32
      %mul3A_204 = arith.muli %add3A_202, %mul3A_203 : i32
      %swap3A_205 = arith.index_cast %mul3A_204 : i32 to index
      %swap3A_206 = tpu.vector_load %arg8[%swap3A_205] {strides = array<i32>} : memref<8192xi32, #tpu.memory_space<vmem>>, vector<16xi32>,
      tpu.vector_store %arg8[%swap3A_205], %broadcast_in_dim3A_5 {strides = array<i32>} : memref<8192xi32, #tpu.memory_space<vmem>>, vector<16xi32>,
      %scan3A_207 = arith.constant 2 : i32
      %scan3A_208 = arith.addi %scan3A_188, %scan3A_207 : i32
      %mul3A_209 = arith.constant 1 : i32
      %mul3A_210 = arith.muli %scan3A_208, %mul3A_209 : i32
      %add3A_211 = arith.constant 0 : i32
      %add3A_212 = arith.addi %add3A_211, %mul3A_210 : i32
      %mul3A_213 = arith.constant 16 : i32
      %mul3A_214 = arith.muli %add3A_212, %mul3A_213 : i32
      %swap3A_215 = arith.index_cast %mul3A_214 : i32 to index
      %swap3A_216 = tpu.vector_load %arg8[%swap3A_215] {strides = array<i32>} : memref<8192xi32, #tpu.memory_space<vmem>>, vector<16xi32>,
      tpu.vector_store %arg8[%swap3A_215], %broadcast_in_dim3A_5 {strides = array<i32>} : memref<8192xi32, #tpu.memory_space<vmem>>, vector<16xi32>,
      %scan3A_217 = arith.constant 3 : i32
      %scan3A_218 = arith.addi %scan3A_188, %scan3A_217 : i32
      %mul3A_219 = arith.constant 1 : i32
      %mul3A_220 = arith.muli %scan3A_218, %mul3A_219 : i32
      %add3A_221 = arith.constant 0 : i32
      %add3A_222 = arith.addi %add3A_221, %mul3A_220 : i32
      %mul3A_223 = arith.constant 16 : i32
      %mul3A_224 = arith.muli %add3A_222, %mul3A_223 : i32
      %swap3A_225 = arith.index_cast %mul3A_224 : i32 to index
      %swap3A_226 = tpu.vector_load %arg8[%swap3A_225] {strides = array<i32>} : memref<8192xi32, #tpu.memory_space<vmem>>, vector<16xi32>,
      tpu.vector_store %arg8[%swap3A_225], %broadcast_in_dim3A_5 {strides = array<i32>} : memref<8192xi32, #tpu.memory_space<vmem>>, vector<16xi32>,
      %scan3A_227 = arith.constant 4 : i32
      %scan3A_228 = arith.addi %scan3A_188, %scan3A_227 : i32
      %mul3A_229 = arith.constant 1 : i32
      %mul3A_230 = arith.muli %scan3A_228, %mul3A_229 : i32
      %add3A_231 = arith.constant 0 : i32
      %add3A_232 = arith.addi %add3A_231, %mul3A_230 : i32
      %mul3A_233 = arith.constant 16 : i32
      %mul3A_234 = arith.muli %add3A_232, %mul3A_233 : i32
      %swap3A_235 = arith.index_cast %mul3A_234 : i32 to index
      %swap3A_236 = tpu.vector_load %arg8[%swap3A_235] {strides = array<i32>} : memref<8192xi32, #tpu.memory_space<vmem>>, vector<16xi32>,
      tpu.vector_store %arg8[%swap3A_235], %broadcast_in_dim3A_5 {strides = array<i32>} : memref<8192xi32, #tpu.memory_space<vmem>>, vector<16xi32>,
      %scan3A_237 = arith.constant 5 : i32
      %scan3A_238 = arith.addi %scan3A_188, %scan3A_237 : i32
      %mul3A_239 = arith.constant 1 : i32
      %mul3A_240 = arith.muli %scan3A_238, %mul3A_239 : i32
      %add3A_241 = arith.constant 0 : i32
      %add3A_242 = arith.addi %add3A_241, %mul3A_240 : i32
      %mul3A_243 = arith.constant 16 : i32
      %mul3A_244 = arith.muli %add3A_242, %mul3A_243 : i32
      %swap3A_245 = arith.index_cast %mul3A_244 : i32 to index
      %swap3A_246 = tpu.vector_load %arg8[%swap3A_245] {strides = array<i32>} : memref<8192xi32, #tpu.memory_space<vmem>>, vector<16xi32>,
      tpu.vector_store %arg8[%swap3A_245], %broadcast_in_dim3A_5 {strides = array<i32>} : memref<8192xi32, #tpu.memory_space<vmem>>, vector<16xi32>,
      %scan3A_247 = arith.constant 6 : i32
      %scan3A_248 = arith.addi %scan3A_188, %scan3A_247 : i32
      %mul3A_249 = arith.constant 1 : i32
      %mul3A_250 = arith.muli %scan3A_248, %mul3A_249 : i32
      %add3A_251 = arith.constant 0 : i32
      %add3A_252 = arith.addi %add3A_251, %mul3A_250 : i32
      %mul3A_253 = arith.constant 16 : i32
      %mul3A_254 = arith.muli %add3A_252, %mul3A_253 : i32
      %swap3A_255 = arith.index_cast %mul3A_254 : i32 to index
      %swap3A_256 = tpu.vector_load %arg8[%swap3A_255] {strides = array<i32>} : memref<8192xi32, #tpu.memory_space<vmem>>, vector<16xi32>,
      tpu.vector_store %arg8[%swap3A_255], %broadcast_in_dim3A_5 {strides = array<i32>} : memref<8192xi32, #tpu.memory_space<vmem>>, vector<16xi32>,
      %scan3A_257 = arith.constant 7 : i32
      %scan3A_258 = arith.addi %scan3A_188, %scan3A_257 : i32
      %mul3A_259 = arith.constant 1 : i32
      %mul3A_260 = arith.muli %scan3A_258, %mul3A_259 : i32
      %add3A_261 = arith.constant 0 : i32
      %add3A_262 = arith.addi %add3A_261, %mul3A_260 : i32
      %mul3A_263 = arith.constant 16 : i32
      %mul3A_264 = arith.muli %add3A_262, %mul3A_263 : i32
      %swap3A_265 = arith.index_cast %mul3A_264 : i32 to index
      %swap3A_266 = tpu.vector_load %arg8[%swap3A_265] {strides = array<i32>} : memref<8192xi32, #tpu.memory_space<vmem>>, vector<16xi32>,
      tpu.vector_store %arg8[%swap3A_265], %broadcast_in_dim3A_5 {strides = array<i32>} : memref<8192xi32, #tpu.memory_space<vmem>>, vector<16xi32>,
    }
    %scan3A_9 = arith.constant 512 : i32
    "tpu.trace_start"() <{level = 10 : i32, message = "phase0_index"}> : () -> ()
    %mul3A_10 = arith.constant 2048 : i32
    %mul3A_11 = arith.muli %arg1, %mul3A_10 : i32
    %run_scoped3A = arith.constant 0 : i32
    %run_scoped3A_12 = arith.constant 0 : i32
    "tpu.region"() ({
      %run_scoped3A_188 = tpu.sem_alloc : memref<!tpu.dma_semaphore, #tpu.memory_space<semaphore_mem>>
      %dma_start3A_189 = arith.constant 0 : i32
      %dma_start3A_190 = tpu.memref_slice %arg5[%run_scoped3A_12, %dma_start3A_189] : memref<3x2048xi32, #tpu.memory_space<vmem>> -> memref<1x2048xi32, #tpu.memory_space<vmem>>
      %dma_start3A_191 = tpu.memref_squeeze %dma_start3A_190 : memref<1x2048xi32, #tpu.memory_space<vmem>> -> memref<2048xi32, #tpu.memory_space<vmem>>
      %dma_start3A_192 = tpu.memref_slice %arg2[%run_scoped3A, %mul3A_11] : memref<3x32768xi32, #tpu.memory_space<hbm>> -> memref<1x2048xi32, #tpu.memory_space<hbm>>
      %dma_start3A_193 = tpu.memref_squeeze %dma_start3A_192 : memref<1x2048xi32, #tpu.memory_space<hbm>> -> memref<2048xi32, #tpu.memory_space<hbm>>
      %dma_start3A_194 = arith.constant 0 : i32
      %dma_start3A_195 = tpu.memref_slice %arg5[%run_scoped3A_12, %dma_start3A_194] : memref<3x2048xi32, #tpu.memory_space<vmem>> -> memref<1x2048xi32, #tpu.memory_space<vmem>>
      %dma_start3A_196 = tpu.memref_squeeze %dma_start3A_195 : memref<1x2048xi32, #tpu.memory_space<vmem>> -> memref<2048xi32, #tpu.memory_space<vmem>>
      %dma_start3A_197 = tpu.memref_slice %arg2[%run_scoped3A, %mul3A_11] : memref<3x32768xi32, #tpu.memory_space<hbm>> -> memref<1x2048xi32, #tpu.memory_space<hbm>>
      %dma_start3A_198 = tpu.memref_squeeze %dma_start3A_197 : memref<1x2048xi32, #tpu.memory_space<hbm>> -> memref<2048xi32, #tpu.memory_space<hbm>>
      tpu.enqueue_dma source(%dma_start3A_198 : memref<2048xi32, #tpu.memory_space<hbm>>) target(%dma_start3A_196 : memref<2048xi32, #tpu.memory_space<vmem>>) target_semaphore(%run_scoped3A_188 : memref<!tpu.dma_semaphore, #tpu.memory_space<semaphore_mem>>)
      %dma_wait3A_199 = arith.constant 0 : i32
      %dma_wait3A_200 = tpu.memref_slice %arg5[%run_scoped3A_12, %dma_wait3A_199] : memref<3x2048xi32, #tpu.memory_space<vmem>> -> memref<1x2048xi32, #tpu.memory_space<vmem>>
      %dma_wait3A_201 = tpu.memref_squeeze %dma_wait3A_200 : memref<1x2048xi32, #tpu.memory_space<vmem>> -> memref<2048xi32, #tpu.memory_space<vmem>>
      %dma_wait3A_202 = tpu.memref_slice %arg2[%run_scoped3A, %mul3A_11] : memref<3x32768xi32, #tpu.memory_space<hbm>> -> memref<1x2048xi32, #tpu.memory_space<hbm>>
      %dma_wait3A_203 = tpu.memref_squeeze %dma_wait3A_202 : memref<1x2048xi32, #tpu.memory_space<hbm>> -> memref<2048xi32, #tpu.memory_space<hbm>>
      %dma_wait3A_204 = arith.constant 0 : i32
      %dma_wait3A_205 = tpu.memref_slice %arg5[%run_scoped3A_12, %dma_wait3A_204] : memref<3x2048xi32, #tpu.memory_space<vmem>> -> memref<1x2048xi32, #tpu.memory_space<vmem>>
      %dma_wait3A_206 = tpu.memref_squeeze %dma_wait3A_205 : memref<1x2048xi32, #tpu.memory_space<vmem>> -> memref<2048xi32, #tpu.memory_space<vmem>>
      %dma_wait3A_207 = tpu.memref_slice %arg2[%run_scoped3A, %mul3A_11] : memref<3x32768xi32, #tpu.memory_space<hbm>> -> memref<1x2048xi32, #tpu.memory_space<hbm>>
      %dma_wait3A_208 = tpu.memref_squeeze %dma_wait3A_207 : memref<1x2048xi32, #tpu.memory_space<hbm>> -> memref<2048xi32, #tpu.memory_space<hbm>>
      tpu.wait_dma2 semaphore(%run_scoped3A_188 : memref<!tpu.dma_semaphore, #tpu.memory_space<semaphore_mem>>) src(%dma_wait3A_208 : memref<2048xi32, #tpu.memory_space<hbm>>) dst(%dma_wait3A_206 : memref<2048xi32, #tpu.memory_space<vmem>>)
      tpu.yield
    }) : () -> ()
    %mul3A_13 = arith.constant 2048 : i32
    %mul3A_14 = arith.muli %arg1, %mul3A_13 : i32
    %run_scoped3A_15 = arith.constant 1 : i32
    %run_scoped3A_16 = arith.constant 1 : i32
    "tpu.region"() ({
      %run_scoped3A_188 = tpu.sem_alloc : memref<!tpu.dma_semaphore, #tpu.memory_space<semaphore_mem>>
      %dma_start3A_189 = arith.constant 0 : i32
      %dma_start3A_190 = tpu.memref_slice %arg5[%run_scoped3A_16, %dma_start3A_189] : memref<3x2048xi32, #tpu.memory_space<vmem>> -> memref<1x2048xi32, #tpu.memory_space<vmem>>
      %dma_start3A_191 = tpu.memref_squeeze %dma_start3A_190 : memref<1x2048xi32, #tpu.memory_space<vmem>> -> memref<2048xi32, #tpu.memory_space<vmem>>
      %dma_start3A_192 = tpu.memref_slice %arg2[%run_scoped3A_15, %mul3A_14] : memref<3x32768xi32, #tpu.memory_space<hbm>> -> memref<1x2048xi32, #tpu.memory_space<hbm>>
      %dma_start3A_193 = tpu.memref_squeeze %dma_start3A_192 : memref<1x2048xi32, #tpu.memory_space<hbm>> -> memref<2048xi32, #tpu.memory_space<hbm>>
      %dma_start3A_194 = arith.constant 0 : i32
      %dma_start3A_195 = tpu.memref_slice %arg5[%run_scoped3A_16, %dma_start3A_194] : memref<3x2048xi32, #tpu.memory_space<vmem>> -> memref<1x2048xi32, #tpu.memory_space<vmem>>
      %dma_start3A_196 = tpu.memref_squeeze %dma_start3A_195 : memref<1x2048xi32, #tpu.memory_space<vmem>> -> memref<2048xi32, #tpu.memory_space<vmem>>
      %dma_start3A_197 = tpu.memref_slice %arg2[%run_scoped3A_15, %mul3A_14] : memref<3x32768xi32, #tpu.memory_space<hbm>> -> memref<1x2048xi32, #tpu.memory_space<hbm>>
      %dma_start3A_198 = tpu.memref_squeeze %dma_start3A_197 : memref<1x2048xi32, #tpu.memory_space<hbm>> -> memref<2048xi32, #tpu.memory_space<hbm>>
      tpu.enqueue_dma source(%dma_start3A_198 : memref<2048xi32, #tpu.memory_space<hbm>>) target(%dma_start3A_196 : memref<2048xi32, #tpu.memory_space<vmem>>) target_semaphore(%run_scoped3A_188 : memref<!tpu.dma_semaphore, #tpu.memory_space<semaphore_mem>>)
      %dma_wait3A_199 = arith.constant 0 : i32
      %dma_wait3A_200 = tpu.memref_slice %arg5[%run_scoped3A_16, %dma_wait3A_199] : memref<3x2048xi32, #tpu.memory_space<vmem>> -> memref<1x2048xi32, #tpu.memory_space<vmem>>
      %dma_wait3A_201 = tpu.memref_squeeze %dma_wait3A_200 : memref<1x2048xi32, #tpu.memory_space<vmem>> -> memref<2048xi32, #tpu.memory_space<vmem>>
      %dma_wait3A_202 = tpu.memref_slice %arg2[%run_scoped3A_15, %mul3A_14] : memref<3x32768xi32, #tpu.memory_space<hbm>> -> memref<1x2048xi32, #tpu.memory_space<hbm>>
      %dma_wait3A_203 = tpu.memref_squeeze %dma_wait3A_202 : memref<1x2048xi32, #tpu.memory_space<hbm>> -> memref<2048xi32, #tpu.memory_space<hbm>>
      %dma_wait3A_204 = arith.constant 0 : i32
      %dma_wait3A_205 = tpu.memref_slice %arg5[%run_scoped3A_16, %dma_wait3A_204] : memref<3x2048xi32, #tpu.memory_space<vmem>> -> memref<1x2048xi32, #tpu.memory_space<vmem>>
      %dma_wait3A_206 = tpu.memref_squeeze %dma_wait3A_205 : memref<1x2048xi32, #tpu.memory_space<vmem>> -> memref<2048xi32, #tpu.memory_space<vmem>>
      %dma_wait3A_207 = tpu.memref_slice %arg2[%run_scoped3A_15, %mul3A_14] : memref<3x32768xi32, #tpu.memory_space<hbm>> -> memref<1x2048xi32, #tpu.memory_space<hbm>>
      %dma_wait3A_208 = tpu.memref_squeeze %dma_wait3A_207 : memref<1x2048xi32, #tpu.memory_space<hbm>> -> memref<2048xi32, #tpu.memory_space<hbm>>
      tpu.wait_dma2 semaphore(%run_scoped3A_188 : memref<!tpu.dma_semaphore, #tpu.memory_space<semaphore_mem>>) src(%dma_wait3A_208 : memref<2048xi32, #tpu.memory_space<hbm>>) dst(%dma_wait3A_206 : memref<2048xi32, #tpu.memory_space<vmem>>)
      tpu.yield
    }) : () -> ()
    %mul3A_17 = arith.constant 2048 : i32
    %mul3A_18 = arith.muli %arg1, %mul3A_17 : i32
    %run_scoped3A_19 = arith.constant 2 : i32
    %run_scoped3A_20 = arith.constant 2 : i32
    "tpu.region"() ({
      %run_scoped3A_188 = tpu.sem_alloc : memref<!tpu.dma_semaphore, #tpu.memory_space<semaphore_mem>>
      %dma_start3A_189 = arith.constant 0 : i32
      %dma_start3A_190 = tpu.memref_slice %arg5[%run_scoped3A_20, %dma_start3A_189] : memref<3x2048xi32, #tpu.memory_space<vmem>> -> memref<1x2048xi32, #tpu.memory_space<vmem>>
      %dma_start3A_191 = tpu.memref_squeeze %dma_start3A_190 : memref<1x2048xi32, #tpu.memory_space<vmem>> -> memref<2048xi32, #tpu.memory_space<vmem>>
      %dma_start3A_192 = tpu.memref_slice %arg2[%run_scoped3A_19, %mul3A_18] : memref<3x32768xi32, #tpu.memory_space<hbm>> -> memref<1x2048xi32, #tpu.memory_space<hbm>>
      %dma_start3A_193 = tpu.memref_squeeze %dma_start3A_192 : memref<1x2048xi32, #tpu.memory_space<hbm>> -> memref<2048xi32, #tpu.memory_space<hbm>>
      %dma_start3A_194 = arith.constant 0 : i32
      %dma_start3A_195 = tpu.memref_slice %arg5[%run_scoped3A_20, %dma_start3A_194] : memref<3x2048xi32, #tpu.memory_space<vmem>> -> memref<1x2048xi32, #tpu.memory_space<vmem>>
      %dma_start3A_196 = tpu.memref_squeeze %dma_start3A_195 : memref<1x2048xi32, #tpu.memory_space<vmem>> -> memref<2048xi32, #tpu.memory_space<vmem>>
      %dma_start3A_197 = tpu.memref_slice %arg2[%run_scoped3A_19, %mul3A_18] : memref<3x32768xi32, #tpu.memory_space<hbm>> -> memref<1x2048xi32, #tpu.memory_space<hbm>>
      %dma_start3A_198 = tpu.memref_squeeze %dma_start3A_197 : memref<1x2048xi32, #tpu.memory_space<hbm>> -> memref<2048xi32, #tpu.memory_space<hbm>>
      tpu.enqueue_dma source(%dma_start3A_198 : memref<2048xi32, #tpu.memory_space<hbm>>) target(%dma_start3A_196 : memref<2048xi32, #tpu.memory_space<vmem>>) target_semaphore(%run_scoped3A_188 : memref<!tpu.dma_semaphore, #tpu.memory_space<semaphore_mem>>)
      %dma_wait3A_199 = arith.constant 0 : i32
      %dma_wait3A_200 = tpu.memref_slice %arg5[%run_scoped3A_20, %dma_wait3A_199] : memref<3x2048xi32, #tpu.memory_space<vmem>> -> memref<1x2048xi32, #tpu.memory_space<vmem>>
      %dma_wait3A_201 = tpu.memref_squeeze %dma_wait3A_200 : memref<1x2048xi32, #tpu.memory_space<vmem>> -> memref<2048xi32, #tpu.memory_space<vmem>>
      %dma_wait3A_202 = tpu.memref_slice %arg2[%run_scoped3A_19, %mul3A_18] : memref<3x32768xi32, #tpu.memory_space<hbm>> -> memref<1x2048xi32, #tpu.memory_space<hbm>>
      %dma_wait3A_203 = tpu.memref_squeeze %dma_wait3A_202 : memref<1x2048xi32, #tpu.memory_space<hbm>> -> memref<2048xi32, #tpu.memory_space<hbm>>
      %dma_wait3A_204 = arith.constant 0 : i32
      %dma_wait3A_205 = tpu.memref_slice %arg5[%run_scoped3A_20, %dma_wait3A_204] : memref<3x2048xi32, #tpu.memory_space<vmem>> -> memref<1x2048xi32, #tpu.memory_space<vmem>>
      %dma_wait3A_206 = tpu.memref_squeeze %dma_wait3A_205 : memref<1x2048xi32, #tpu.memory_space<vmem>> -> memref<2048xi32, #tpu.memory_space<vmem>>
      %dma_wait3A_207 = tpu.memref_slice %arg2[%run_scoped3A_19, %mul3A_18] : memref<3x32768xi32, #tpu.memory_space<hbm>> -> memref<1x2048xi32, #tpu.memory_space<hbm>>
      %dma_wait3A_208 = tpu.memref_squeeze %dma_wait3A_207 : memref<1x2048xi32, #tpu.memory_space<hbm>> -> memref<2048xi32, #tpu.memory_space<hbm>>
      tpu.wait_dma2 semaphore(%run_scoped3A_188 : memref<!tpu.dma_semaphore, #tpu.memory_space<semaphore_mem>>) src(%dma_wait3A_208 : memref<2048xi32, #tpu.memory_space<hbm>>) dst(%dma_wait3A_206 : memref<2048xi32, #tpu.memory_space<vmem>>)
      tpu.yield
    }) : () -> ()
    %scan3A_21 = arith.constant 0 : i32
    %scan3A_22 = arith.constant 128 : i32
    %scan3A_23 = arith.addi %scan3A_21, %scan3A_22 : i32
    %scan3A_24 = arith.constant 4 : i32
    scf.for %scan3A_188 = %scan3A_21 to %scan3A_23 step %scan3A_24  : i32 {
      %mul3A_189 = arith.constant 1 : i32
      %mul3A_190 = arith.muli %scan3A_188, %mul3A_189 : i32
      %add3A_191 = arith.constant 0 : i32
      %add3A_192 = arith.addi %add3A_191, %mul3A_190 : i32
      %mul3A_193 = arith.constant 16 : i32
      %mul3A_194 = arith.muli %add3A_192, %mul3A_193 : i32
      %get3A = arith.constant 0 : i32
      %get3A_195 = arith.index_cast %get3A : i32 to index
      %get3A_196 = arith.index_cast %mul3A_194 : i32 to index
      %get3A_197 = tpu.vector_load %arg5[%get3A_195, %get3A_196] {strides = array<i32>} : memref<3x2048xi32, #tpu.memory_space<vmem>>, vector<16xi32>,
      %mul3A_198 = arith.constant 16 : i32
      %mul3A_199 = arith.muli %add3A_192, %mul3A_198 : i32
      %get3A_200 = arith.constant 1 : i32
      %get3A_201 = arith.index_cast %get3A_200 : i32 to index
      %get3A_202 = arith.index_cast %mul3A_199 : i32 to index
      %get3A_203 = tpu.vector_load %arg5[%get3A_201, %get3A_202] {strides = array<i32>} : memref<3x2048xi32, #tpu.memory_space<vmem>>, vector<16xi32>,
      %mul3A_204 = arith.constant 16 : i32
      %mul3A_205 = arith.muli %add3A_192, %mul3A_204 : i32
      %get3A_206 = arith.constant 2 : i32
      %get3A_207 = arith.index_cast %get3A_206 : i32 to index
      %get3A_208 = arith.index_cast %mul3A_205 : i32 to index
      %get3A_209 = tpu.vector_load %arg5[%get3A_207, %get3A_208] {strides = array<i32>} : memref<3x2048xi32, #tpu.memory_space<vmem>>, vector<16xi32>,
      %mul3A_210 = arith.constant 65536 : i32
      %mul3A_211 = vector.broadcast %mul3A_210 : i32 to vector<16xi32>
      %mul3A_212 = arith.muli %get3A_197, %mul3A_211 : vector<16xi32>
      %mul3A_213 = arith.constant 256 : i32
      %mul3A_214 = vector.broadcast %mul3A_213 : i32 to vector<16xi32>
      %mul3A_215 = arith.muli %get3A_203, %mul3A_214 : vector<16xi32>
      %add3A_216 = arith.addi %mul3A_212, %mul3A_215 : vector<16xi32>
      %add3A_217 = arith.addi %add3A_216, %get3A_209 : vector<16xi32>
      %mul3A_218 = arith.constant 16 : i32
      %mul3A_219 = arith.muli %add3A_192, %mul3A_218 : i32
      %swap3A_220 = arith.index_cast %mul3A_219 : i32 to index
      %swap3A_221 = tpu.vector_load %arg6[%swap3A_220] {strides = array<i32>} : memref<4096xi32, #tpu.memory_space<vmem>>, vector<16xi32>,
      tpu.vector_store %arg6[%swap3A_220], %add3A_217 {strides = array<i32>} : memref<4096xi32, #tpu.memory_space<vmem>>, vector<16xi32>,
      %scan3A_222 = arith.constant 1 : i32
      %scan3A_223 = arith.addi %scan3A_188, %scan3A_222 : i32
      %mul3A_224 = arith.constant 1 : i32
      %mul3A_225 = arith.muli %scan3A_223, %mul3A_224 : i32
      %add3A_226 = arith.constant 0 : i32
      %add3A_227 = arith.addi %add3A_226, %mul3A_225 : i32
      %mul3A_228 = arith.constant 16 : i32
      %mul3A_229 = arith.muli %add3A_227, %mul3A_228 : i32
      %get3A_230 = arith.constant 0 : i32
      %get3A_231 = arith.index_cast %get3A_230 : i32 to index
      %get3A_232 = arith.index_cast %mul3A_229 : i32 to index
      %get3A_233 = tpu.vector_load %arg5[%get3A_231, %get3A_232] {strides = array<i32>} : memref<3x2048xi32, #tpu.memory_space<vmem>>, vector<16xi32>,
      %mul3A_234 = arith.constant 16 : i32
      %mul3A_235 = arith.muli %add3A_227, %mul3A_234 : i32
      %get3A_236 = arith.constant 1 : i32
      %get3A_237 = arith.index_cast %get3A_236 : i32 to index
      %get3A_238 = arith.index_cast %mul3A_235 : i32 to index
      %get3A_239 = tpu.vector_load %arg5[%get3A_237, %get3A_238] {strides = array<i32>} : memref<3x2048xi32, #tpu.memory_space<vmem>>, vector<16xi32>,
      %mul3A_240 = arith.constant 16 : i32
      %mul3A_241 = arith.muli %add3A_227, %mul3A_240 : i32
      %get3A_242 = arith.constant 2 : i32
      %get3A_243 = arith.index_cast %get3A_242 : i32 to index
      %get3A_244 = arith.index_cast %mul3A_241 : i32 to index
      %get3A_245 = tpu.vector_load %arg5[%get3A_243, %get3A_244] {strides = array<i32>} : memref<3x2048xi32, #tpu.memory_space<vmem>>, vector<16xi32>,
      %mul3A_246 = arith.constant 65536 : i32
      %mul3A_247 = vector.broadcast %mul3A_246 : i32 to vector<16xi32>
      %mul3A_248 = arith.muli %get3A_233, %mul3A_247 : vector<16xi32>
      %mul3A_249 = arith.constant 256 : i32
      %mul3A_250 = vector.broadcast %mul3A_249 : i32 to vector<16xi32>
      %mul3A_251 = arith.muli %get3A_239, %mul3A_250 : vector<16xi32>
      %add3A_252 = arith.addi %mul3A_248, %mul3A_251 : vector<16xi32>
      %add3A_253 = arith.addi %add3A_252, %get3A_245 : vector<16xi32>
      %mul3A_254 = arith.constant 16 : i32
      %mul3A_255 = arith.muli %add3A_227, %mul3A_254 : i32
      %swap3A_256 = arith.index_cast %mul3A_255 : i32 to index
      %swap3A_257 = tpu.vector_load %arg6[%swap3A_256] {strides = array<i32>} : memref<4096xi32, #tpu.memory_space<vmem>>, vector<16xi32>,
      tpu.vector_store %arg6[%swap3A_256], %add3A_253 {strides = array<i32>} : memref<4096xi32, #tpu.memory_space<vmem>>, vector<16xi32>,
      %scan3A_258 = arith.constant 2 : i32
      %scan3A_259 = arith.addi %scan3A_188, %scan3A_258 : i32
      %mul3A_260 = arith.constant 1 : i32
      %mul3A_261 = arith.muli %scan3A_259, %mul3A_260 : i32
      %add3A_262 = arith.constant 0 : i32
      %add3A_263 = arith.addi %add3A_262, %mul3A_261 : i32
      %mul3A_264 = arith.constant 16 : i32
      %mul3A_265 = arith.muli %add3A_263, %mul3A_264 : i32
      %get3A_266 = arith.constant 0 : i32
      %get3A_267 = arith.index_cast %get3A_266 : i32 to index
      %get3A_268 = arith.index_cast %mul3A_265 : i32 to index
      %get3A_269 = tpu.vector_load %arg5[%get3A_267, %get3A_268] {strides = array<i32>} : memref<3x2048xi32, #tpu.memory_space<vmem>>, vector<16xi32>,
      %mul3A_270 = arith.constant 16 : i32
      %mul3A_271 = arith.muli %add3A_263, %mul3A_270 : i32
      %get3A_272 = arith.constant 1 : i32
      %get3A_273 = arith.index_cast %get3A_272 : i32 to index
      %get3A_274 = arith.index_cast %mul3A_271 : i32 to index
      %get3A_275 = tpu.vector_load %arg5[%get3A_273, %get3A_274] {strides = array<i32>} : memref<3x2048xi32, #tpu.memory_space<vmem>>, vector<16xi32>,
      %mul3A_276 = arith.constant 16 : i32
      %mul3A_277 = arith.muli %add3A_263, %mul3A_276 : i32
      %get3A_278 = arith.constant 2 : i32
      %get3A_279 = arith.index_cast %get3A_278 : i32 to index
      %get3A_280 = arith.index_cast %mul3A_277 : i32 to index
      %get3A_281 = tpu.vector_load %arg5[%get3A_279, %get3A_280] {strides = array<i32>} : memref<3x2048xi32, #tpu.memory_space<vmem>>, vector<16xi32>,
      %mul3A_282 = arith.constant 65536 : i32
      %mul3A_283 = vector.broadcast %mul3A_282 : i32 to vector<16xi32>
      %mul3A_284 = arith.muli %get3A_269, %mul3A_283 : vector<16xi32>
      %mul3A_285 = arith.constant 256 : i32
      %mul3A_286 = vector.broadcast %mul3A_285 : i32 to vector<16xi32>
      %mul3A_287 = arith.muli %get3A_275, %mul3A_286 : vector<16xi32>
      %add3A_288 = arith.addi %mul3A_284, %mul3A_287 : vector<16xi32>
      %add3A_289 = arith.addi %add3A_288, %get3A_281 : vector<16xi32>
      %mul3A_290 = arith.constant 16 : i32
      %mul3A_291 = arith.muli %add3A_263, %mul3A_290 : i32
      %swap3A_292 = arith.index_cast %mul3A_291 : i32 to index
      %swap3A_293 = tpu.vector_load %arg6[%swap3A_292] {strides = array<i32>} : memref<4096xi32, #tpu.memory_space<vmem>>, vector<16xi32>,
      tpu.vector_store %arg6[%swap3A_292], %add3A_289 {strides = array<i32>} : memref<4096xi32, #tpu.memory_space<vmem>>, vector<16xi32>,
      %scan3A_294 = arith.constant 3 : i32
      %scan3A_295 = arith.addi %scan3A_188, %scan3A_294 : i32
      %mul3A_296 = arith.constant 1 : i32
      %mul3A_297 = arith.muli %scan3A_295, %mul3A_296 : i32
      %add3A_298 = arith.constant 0 : i32
      %add3A_299 = arith.addi %add3A_298, %mul3A_297 : i32
      %mul3A_300 = arith.constant 16 : i32
      %mul3A_301 = arith.muli %add3A_299, %mul3A_300 : i32
      %get3A_302 = arith.constant 0 : i32
      %get3A_303 = arith.index_cast %get3A_302 : i32 to index
      %get3A_304 = arith.index_cast %mul3A_301 : i32 to index
      %get3A_305 = tpu.vector_load %arg5[%get3A_303, %get3A_304] {strides = array<i32>} : memref<3x2048xi32, #tpu.memory_space<vmem>>, vector<16xi32>,
      %mul3A_306 = arith.constant 16 : i32
      %mul3A_307 = arith.muli %add3A_299, %mul3A_306 : i32
      %get3A_308 = arith.constant 1 : i32
      %get3A_309 = arith.index_cast %get3A_308 : i32 to index
      %get3A_310 = arith.index_cast %mul3A_307 : i32 to index
      %get3A_311 = tpu.vector_load %arg5[%get3A_309, %get3A_310] {strides = array<i32>} : memref<3x2048xi32, #tpu.memory_space<vmem>>, vector<16xi32>,
      %mul3A_312 = arith.constant 16 : i32
      %mul3A_313 = arith.muli %add3A_299, %mul3A_312 : i32
      %get3A_314 = arith.constant 2 : i32
      %get3A_315 = arith.index_cast %get3A_314 : i32 to index
      %get3A_316 = arith.index_cast %mul3A_313 : i32 to index
      %get3A_317 = tpu.vector_load %arg5[%get3A_315, %get3A_316] {strides = array<i32>} : memref<3x2048xi32, #tpu.memory_space<vmem>>, vector<16xi32>,
      %mul3A_318 = arith.constant 65536 : i32
      %mul3A_319 = vector.broadcast %mul3A_318 : i32 to vector<16xi32>
      %mul3A_320 = arith.muli %get3A_305, %mul3A_319 : vector<16xi32>
      %mul3A_321 = arith.constant 256 : i32
      %mul3A_322 = vector.broadcast %mul3A_321 : i32 to vector<16xi32>
      %mul3A_323 = arith.muli %get3A_311, %mul3A_322 : vector<16xi32>
      %add3A_324 = arith.addi %mul3A_320, %mul3A_323 : vector<16xi32>
      %add3A_325 = arith.addi %add3A_324, %get3A_317 : vector<16xi32>
      %mul3A_326 = arith.constant 16 : i32
      %mul3A_327 = arith.muli %add3A_299, %mul3A_326 : i32
      %swap3A_328 = arith.index_cast %mul3A_327 : i32 to index
      %swap3A_329 = tpu.vector_load %arg6[%swap3A_328] {strides = array<i32>} : memref<4096xi32, #tpu.memory_space<vmem>>, vector<16xi32>,
      tpu.vector_store %arg6[%swap3A_328], %add3A_325 {strides = array<i32>} : memref<4096xi32, #tpu.memory_space<vmem>>, vector<16xi32>,
    }
    %scan3A_25 = arith.constant 128 : i32
    %mul3A_26 = arith.constant 2048 : i32
    %mul3A_27 = arith.muli %arg1, %mul3A_26 : i32
    "tpu.region"() ({
      %run_scoped3A_188 = tpu.sem_alloc : memref<!tpu.dma_semaphore, #tpu.memory_space<semaphore_mem>>
      %dma_start3A_189 = arith.constant 0 : i32
      %dma_start3A_190 = tpu.memref_slice %arg6[%dma_start3A_189] : memref<4096xi32, #tpu.memory_space<vmem>> -> memref<2048xi32, #tpu.memory_space<vmem>>
      %dma_start3A_191 = tpu.memref_slice %arg7[%mul3A_27] : memref<32768xi32, #tpu.memory_space<vmem_shared>> -> memref<2048xi32, #tpu.memory_space<vmem_shared>>
      %dma_start3A_192 = tpu.memref_slice %arg7[%mul3A_27] : memref<32768xi32, #tpu.memory_space<vmem_shared>> -> memref<2048xi32, #tpu.memory_space<vmem_shared>>
      %dma_start3A_193 = arith.constant 0 : i32
      %dma_start3A_194 = tpu.memref_slice %arg6[%dma_start3A_193] : memref<4096xi32, #tpu.memory_space<vmem>> -> memref<2048xi32, #tpu.memory_space<vmem>>
      tpu.enqueue_dma source(%dma_start3A_194 : memref<2048xi32, #tpu.memory_space<vmem>>) target(%dma_start3A_192 : memref<2048xi32, #tpu.memory_space<vmem_shared>>) target_semaphore(%run_scoped3A_188 : memref<!tpu.dma_semaphore, #tpu.memory_space<semaphore_mem>>)
      %dma_wait3A_195 = arith.constant 0 : i32
      %dma_wait3A_196 = tpu.memref_slice %arg6[%dma_wait3A_195] : memref<4096xi32, #tpu.memory_space<vmem>> -> memref<2048xi32, #tpu.memory_space<vmem>>
      %dma_wait3A_197 = tpu.memref_slice %arg7[%mul3A_27] : memref<32768xi32, #tpu.memory_space<vmem_shared>> -> memref<2048xi32, #tpu.memory_space<vmem_shared>>
      %dma_wait3A_198 = tpu.memref_slice %arg7[%mul3A_27] : memref<32768xi32, #tpu.memory_space<vmem_shared>> -> memref<2048xi32, #tpu.memory_space<vmem_shared>>
      %dma_wait3A_199 = arith.constant 0 : i32
      %dma_wait3A_200 = tpu.memref_slice %arg6[%dma_wait3A_199] : memref<4096xi32, #tpu.memory_space<vmem>> -> memref<2048xi32, #tpu.memory_space<vmem>>
      tpu.wait_dma2 semaphore(%run_scoped3A_188 : memref<!tpu.dma_semaphore, #tpu.memory_space<semaphore_mem>>) src(%dma_wait3A_200 : memref<2048xi32, #tpu.memory_space<vmem>>) dst(%dma_wait3A_198 : memref<2048xi32, #tpu.memory_space<vmem_shared>>)
      tpu.yield
    }) : () -> ()
    %barrier3A = arith.constant 0 : index
    tpu.barrier barrier_id(%barrier3A)
    "tpu.trace_stop"() : () -> ()
    %dma_start3A = arith.constant 0 : i32
    %dma_start3A_28 = tpu.memref_slice %arg6[%dma_start3A] : memref<4096xi32, #tpu.memory_space<vmem>> -> memref<2048xi32, #tpu.memory_space<vmem>>
    %dma_start3A_29 = arith.constant 0 : i32
    %dma_start3A_30 = tpu.memref_slice %arg7[%dma_start3A_29] : memref<32768xi32, #tpu.memory_space<vmem_shared>> -> memref<2048xi32, #tpu.memory_space<vmem_shared>>
    %dma_start3A_31 = arith.constant 0 : i32
    %dma_start3A_32 = tpu.memref_slice %arg6[%dma_start3A_31] : memref<4096xi32, #tpu.memory_space<vmem>> -> memref<2048xi32, #tpu.memory_space<vmem>>
    %dma_start3A_33 = arith.constant 0 : i32
    %dma_start3A_34 = tpu.memref_slice %arg7[%dma_start3A_33] : memref<32768xi32, #tpu.memory_space<vmem_shared>> -> memref<2048xi32, #tpu.memory_space<vmem_shared>>
    tpu.enqueue_dma source(%dma_start3A_34 : memref<2048xi32, #tpu.memory_space<vmem_shared>>) target(%dma_start3A_32 : memref<2048xi32, #tpu.memory_space<vmem>>) target_semaphore(%arg14 : memref<!tpu.dma_semaphore, #tpu.memory_space<semaphore_mem>>)
    "tpu.trace_start"() <{level = 10 : i32, message = "phase1_scan"}> : () -> ()
    %scan3A_35 = arith.constant 0 : i32
    %scan3A_36 = arith.constant 16 : i32
    %scan3A_37 = arith.addi %scan3A_35, %scan3A_36 : i32
    %scan3A_38 = arith.constant 1 : i32
    scf.for %scan3A_188 = %scan3A_35 to %scan3A_37 step %scan3A_38  : i32 {
      %mul3A_189 = arith.constant 1 : i32
      %mul3A_190 = arith.muli %scan3A_188, %mul3A_189 : i32
      %add3A_191 = arith.constant 0 : i32
      %add3A_192 = arith.addi %add3A_191, %mul3A_190 : i32
      %rem3A_193 = arith.constant 2 : i32
      %rem3A_194 = arith.remsi %add3A_192, %rem3A_193 : i32
      %dma_wait3A_195 = arith.constant 0 : i32
      %dma_wait3A_196 = tpu.memref_slice %arg6[%dma_wait3A_195] : memref<4096xi32, #tpu.memory_space<vmem>> -> memref<2048xi32, #tpu.memory_space<vmem>>
      %dma_wait3A_197 = arith.constant 0 : i32
      %dma_wait3A_198 = tpu.memref_slice %arg7[%dma_wait3A_197] : memref<32768xi32, #tpu.memory_space<vmem_shared>> -> memref<2048xi32, #tpu.memory_space<vmem_shared>>
      %dma_wait3A_199 = arith.constant 0 : i32
      %dma_wait3A_200 = tpu.memref_slice %arg6[%dma_wait3A_199] : memref<4096xi32, #tpu.memory_space<vmem>> -> memref<2048xi32, #tpu.memory_space<vmem>>
      %dma_wait3A_201 = arith.constant 0 : i32
      %dma_wait3A_202 = tpu.memref_slice %arg7[%dma_wait3A_201] : memref<32768xi32, #tpu.memory_space<vmem_shared>> -> memref<2048xi32, #tpu.memory_space<vmem_shared>>
      tpu.wait_dma2 semaphore(%arg14 : memref<!tpu.dma_semaphore, #tpu.memory_space<semaphore_mem>>) src(%dma_wait3A_202 : memref<2048xi32, #tpu.memory_space<vmem_shared>>) dst(%dma_wait3A_200 : memref<2048xi32, #tpu.memory_space<vmem>>)
      %add3A_203 = arith.constant 1 : i32
      %add3A_204 = arith.addi %add3A_192, %add3A_203 : i32
      %lt3A = arith.constant 16 : i32
      %lt3A_205 = arith.cmpi slt, %add3A_204, %lt3A : i32
      %convert_element_type3A = arith.extui %lt3A_205 : i1 to i32
      %cond3A = arith.constant 0 : i32
      %cond3A_206 = arith.cmpi ne, %convert_element_type3A, %cond3A : i32
      scf.if %cond3A_206 {
        %add3A_214 = arith.constant 1 : i32
        %add3A_215 = arith.addi %add3A_192, %add3A_214 : i32
        %sub3A_216 = arith.constant 1 : i32
        %sub3A_217 = arith.subi %sub3A_216, %rem3A_194 : i32
        %mul3A_218 = arith.constant 2048 : i32
        %mul3A_219 = arith.muli %add3A_215, %mul3A_218 : i32
        %mul3A_220 = arith.constant 2048 : i32
        %mul3A_221 = arith.muli %sub3A_217, %mul3A_220 : i32
        %dma_start3A_222 = tpu.memref_slice %arg6[%mul3A_221] : memref<4096xi32, #tpu.memory_space<vmem>> -> memref<2048xi32, #tpu.memory_space<vmem>>
        %dma_start3A_223 = tpu.memref_slice %arg7[%mul3A_219] : memref<32768xi32, #tpu.memory_space<vmem_shared>> -> memref<2048xi32, #tpu.memory_space<vmem_shared>>
        %dma_start3A_224 = tpu.memref_slice %arg6[%mul3A_221] : memref<4096xi32, #tpu.memory_space<vmem>> -> memref<2048xi32, #tpu.memory_space<vmem>>
        %dma_start3A_225 = tpu.memref_slice %arg7[%mul3A_219] : memref<32768xi32, #tpu.memory_space<vmem_shared>> -> memref<2048xi32, #tpu.memory_space<vmem_shared>>
        tpu.enqueue_dma source(%dma_start3A_225 : memref<2048xi32, #tpu.memory_space<vmem_shared>>) target(%dma_start3A_224 : memref<2048xi32, #tpu.memory_space<vmem>>) target_semaphore(%arg14 : memref<!tpu.dma_semaphore, #tpu.memory_space<semaphore_mem>>)
      } else {
      }
      %mul3A_207 = arith.constant 2048 : i32
      %mul3A_208 = arith.muli %rem3A_194, %mul3A_207 : i32
      %scan3A_209 = arith.constant 0 : i32
      %scan3A_210 = arith.constant 128 : i32
      %scan3A_211 = arith.addi %scan3A_209, %scan3A_210 : i32
      %scan3A_212 = arith.constant 8 : i32
      scf.for %scan3A_214 = %scan3A_209 to %scan3A_211 step %scan3A_212  : i32 {
        %mul3A_215 = arith.constant 1 : i32
        %mul3A_216 = arith.muli %scan3A_214, %mul3A_215 : i32
        %add3A_217 = arith.constant 0 : i32
        %add3A_218 = arith.addi %add3A_217, %mul3A_216 : i32
        %mul3A_219 = arith.constant 16 : i32
        %mul3A_220 = arith.muli %add3A_218, %mul3A_219 : i32
        %add3A_221 = arith.addi %mul3A_208, %mul3A_220 : i32
        %get3A = arith.index_cast %add3A_221 : i32 to index
        %get3A_222 = tpu.vector_load %arg6[%get3A] {strides = array<i32>} : memref<4096xi32, #tpu.memory_space<vmem>>, vector<16xi32>,
        %sub3A_223 = vector.broadcast %mul3A_2 : i32 to vector<16xi32>
        %sub3A_224 = arith.subi %get3A_222, %sub3A_223 : vector<16xi32>
        %ge3A = arith.constant 0 : i32
        %ge3A_225 = vector.broadcast %ge3A : i32 to vector<16xi32>
        %ge3A_226 = arith.cmpi sge, %sub3A_224, %ge3A_225 : vector<16xi32>
        %lt3A_227 = arith.constant 8192 : i32
        %lt3A_228 = vector.broadcast %lt3A_227 : i32 to vector<16xi32>
        %lt3A_229 = arith.cmpi slt, %sub3A_224, %lt3A_228 : vector<16xi32>
        %and3A_230 = arith.andi %ge3A_226, %lt3A_229 : vector<16xi1>
        %jit3A_231 = arith.constant 0 : i32
        %jit3A_232 = arith.constant 8191 : i32
        %max3A = vector.broadcast %jit3A_231 : i32 to vector<16xi32>
        %max3A_233 = arith.maxsi %max3A, %sub3A_224 : vector<16xi32>
        %min3A = vector.broadcast %jit3A_232 : i32 to vector<16xi32>
        %min3A_234 = arith.minsi %min3A, %max3A_233 : vector<16xi32>
        %mul3A_235 = arith.constant 2048 : i32
        %mul3A_236 = arith.muli %add3A_192, %mul3A_235 : i32
        %mul3A_237 = arith.constant 16 : i32
        %mul3A_238 = arith.muli %add3A_218, %mul3A_237 : i32
        %add3A_239 = arith.addi %mul3A_236, %mul3A_238 : i32
        %add3A_240 = vector.broadcast %add3A_239 : i32 to vector<16xi32>
        %add3A_241 = arith.addi %add3A_240, %iota3A : vector<16xi32>
        tpu.vector_store_idx %arg8[%min3A_234], %add3A_241 masked %and3A_230 : memref<8192xi32, #tpu.memory_space<vmem>>[vector<16xi32>], vector<16xi32>, vector<16xi1>
        %scan3A_242 = arith.constant 1 : i32
        %scan3A_243 = arith.addi %scan3A_214, %scan3A_242 : i32
        %mul3A_244 = arith.constant 1 : i32
        %mul3A_245 = arith.muli %scan3A_243, %mul3A_244 : i32
        %add3A_246 = arith.constant 0 : i32
        %add3A_247 = arith.addi %add3A_246, %mul3A_245 : i32
        %mul3A_248 = arith.constant 16 : i32
        %mul3A_249 = arith.muli %add3A_247, %mul3A_248 : i32
        %add3A_250 = arith.addi %mul3A_208, %mul3A_249 : i32
        %get3A_251 = arith.index_cast %add3A_250 : i32 to index
        %get3A_252 = tpu.vector_load %arg6[%get3A_251] {strides = array<i32>} : memref<4096xi32, #tpu.memory_space<vmem>>, vector<16xi32>,
        %sub3A_253 = vector.broadcast %mul3A_2 : i32 to vector<16xi32>
        %sub3A_254 = arith.subi %get3A_252, %sub3A_253 : vector<16xi32>
        %ge3A_255 = arith.constant 0 : i32
        %ge3A_256 = vector.broadcast %ge3A_255 : i32 to vector<16xi32>
        %ge3A_257 = arith.cmpi sge, %sub3A_254, %ge3A_256 : vector<16xi32>
        %lt3A_258 = arith.constant 8192 : i32
        %lt3A_259 = vector.broadcast %lt3A_258 : i32 to vector<16xi32>
        %lt3A_260 = arith.cmpi slt, %sub3A_254, %lt3A_259 : vector<16xi32>
        %and3A_261 = arith.andi %ge3A_257, %lt3A_260 : vector<16xi1>
        %jit3A_262 = arith.constant 0 : i32
        %jit3A_263 = arith.constant 8191 : i32
        %max3A_264 = vector.broadcast %jit3A_262 : i32 to vector<16xi32>
        %max3A_265 = arith.maxsi %max3A_264, %sub3A_254 : vector<16xi32>
        %min3A_266 = vector.broadcast %jit3A_263 : i32 to vector<16xi32>
        %min3A_267 = arith.minsi %min3A_266, %max3A_265 : vector<16xi32>
        %mul3A_268 = arith.constant 2048 : i32
        %mul3A_269 = arith.muli %add3A_192, %mul3A_268 : i32
        %mul3A_270 = arith.constant 16 : i32
        %mul3A_271 = arith.muli %add3A_247, %mul3A_270 : i32
        %add3A_272 = arith.addi %mul3A_269, %mul3A_271 : i32
        %add3A_273 = vector.broadcast %add3A_272 : i32 to vector<16xi32>
        %add3A_274 = arith.addi %add3A_273, %iota3A : vector<16xi32>
        tpu.vector_store_idx %arg8[%min3A_267], %add3A_274 masked %and3A_261 : memref<8192xi32, #tpu.memory_space<vmem>>[vector<16xi32>], vector<16xi32>, vector<16xi1>
        %scan3A_275 = arith.constant 2 : i32
        %scan3A_276 = arith.addi %scan3A_214, %scan3A_275 : i32
        %mul3A_277 = arith.constant 1 : i32
        %mul3A_278 = arith.muli %scan3A_276, %mul3A_277 : i32
        %add3A_279 = arith.constant 0 : i32
        %add3A_280 = arith.addi %add3A_279, %mul3A_278 : i32
        %mul3A_281 = arith.constant 16 : i32
        %mul3A_282 = arith.muli %add3A_280, %mul3A_281 : i32
        %add3A_283 = arith.addi %mul3A_208, %mul3A_282 : i32
        %get3A_284 = arith.index_cast %add3A_283 : i32 to index
        %get3A_285 = tpu.vector_load %arg6[%get3A_284] {strides = array<i32>} : memref<4096xi32, #tpu.memory_space<vmem>>, vector<16xi32>,
        %sub3A_286 = vector.broadcast %mul3A_2 : i32 to vector<16xi32>
        %sub3A_287 = arith.subi %get3A_285, %sub3A_286 : vector<16xi32>
        %ge3A_288 = arith.constant 0 : i32
        %ge3A_289 = vector.broadcast %ge3A_288 : i32 to vector<16xi32>
        %ge3A_290 = arith.cmpi sge, %sub3A_287, %ge3A_289 : vector<16xi32>
        %lt3A_291 = arith.constant 8192 : i32
        %lt3A_292 = vector.broadcast %lt3A_291 : i32 to vector<16xi32>
        %lt3A_293 = arith.cmpi slt, %sub3A_287, %lt3A_292 : vector<16xi32>
        %and3A_294 = arith.andi %ge3A_290, %lt3A_293 : vector<16xi1>
        %jit3A_295 = arith.constant 0 : i32
        %jit3A_296 = arith.constant 8191 : i32
        %max3A_297 = vector.broadcast %jit3A_295 : i32 to vector<16xi32>
        %max3A_298 = arith.maxsi %max3A_297, %sub3A_287 : vector<16xi32>
        %min3A_299 = vector.broadcast %jit3A_296 : i32 to vector<16xi32>
        %min3A_300 = arith.minsi %min3A_299, %max3A_298 : vector<16xi32>
        %mul3A_301 = arith.constant 2048 : i32
        %mul3A_302 = arith.muli %add3A_192, %mul3A_301 : i32
        %mul3A_303 = arith.constant 16 : i32
        %mul3A_304 = arith.muli %add3A_280, %mul3A_303 : i32
        %add3A_305 = arith.addi %mul3A_302, %mul3A_304 : i32
        %add3A_306 = vector.broadcast %add3A_305 : i32 to vector<16xi32>
        %add3A_307 = arith.addi %add3A_306, %iota3A : vector<16xi32>
        tpu.vector_store_idx %arg8[%min3A_300], %add3A_307 masked %and3A_294 : memref<8192xi32, #tpu.memory_space<vmem>>[vector<16xi32>], vector<16xi32>, vector<16xi1>
        %scan3A_308 = arith.constant 3 : i32
        %scan3A_309 = arith.addi %scan3A_214, %scan3A_308 : i32
        %mul3A_310 = arith.constant 1 : i32
        %mul3A_311 = arith.muli %scan3A_309, %mul3A_310 : i32
        %add3A_312 = arith.constant 0 : i32
        %add3A_313 = arith.addi %add3A_312, %mul3A_311 : i32
        %mul3A_314 = arith.constant 16 : i32
        %mul3A_315 = arith.muli %add3A_313, %mul3A_314 : i32
        %add3A_316 = arith.addi %mul3A_208, %mul3A_315 : i32
        %get3A_317 = arith.index_cast %add3A_316 : i32 to index
        %get3A_318 = tpu.vector_load %arg6[%get3A_317] {strides = array<i32>} : memref<4096xi32, #tpu.memory_space<vmem>>, vector<16xi32>,
        %sub3A_319 = vector.broadcast %mul3A_2 : i32 to vector<16xi32>
        %sub3A_320 = arith.subi %get3A_318, %sub3A_319 : vector<16xi32>
        %ge3A_321 = arith.constant 0 : i32
        %ge3A_322 = vector.broadcast %ge3A_321 : i32 to vector<16xi32>
        %ge3A_323 = arith.cmpi sge, %sub3A_320, %ge3A_322 : vector<16xi32>
        %lt3A_324 = arith.constant 8192 : i32
        %lt3A_325 = vector.broadcast %lt3A_324 : i32 to vector<16xi32>
        %lt3A_326 = arith.cmpi slt, %sub3A_320, %lt3A_325 : vector<16xi32>
        %and3A_327 = arith.andi %ge3A_323, %lt3A_326 : vector<16xi1>
        %jit3A_328 = arith.constant 0 : i32
        %jit3A_329 = arith.constant 8191 : i32
        %max3A_330 = vector.broadcast %jit3A_328 : i32 to vector<16xi32>
        %max3A_331 = arith.maxsi %max3A_330, %sub3A_320 : vector<16xi32>
        %min3A_332 = vector.broadcast %jit3A_329 : i32 to vector<16xi32>
        %min3A_333 = arith.minsi %min3A_332, %max3A_331 : vector<16xi32>
        %mul3A_334 = arith.constant 2048 : i32
        %mul3A_335 = arith.muli %add3A_192, %mul3A_334 : i32
        %mul3A_336 = arith.constant 16 : i32
        %mul3A_337 = arith.muli %add3A_313, %mul3A_336 : i32
        %add3A_338 = arith.addi %mul3A_335, %mul3A_337 : i32
        %add3A_339 = vector.broadcast %add3A_338 : i32 to vector<16xi32>
        %add3A_340 = arith.addi %add3A_339, %iota3A : vector<16xi32>
        tpu.vector_store_idx %arg8[%min3A_333], %add3A_340 masked %and3A_327 : memref<8192xi32, #tpu.memory_space<vmem>>[vector<16xi32>], vector<16xi32>, vector<16xi1>
        %scan3A_341 = arith.constant 4 : i32
        %scan3A_342 = arith.addi %scan3A_214, %scan3A_341 : i32
        %mul3A_343 = arith.constant 1 : i32
        %mul3A_344 = arith.muli %scan3A_342, %mul3A_343 : i32
        %add3A_345 = arith.constant 0 : i32
        %add3A_346 = arith.addi %add3A_345, %mul3A_344 : i32
        %mul3A_347 = arith.constant 16 : i32
        %mul3A_348 = arith.muli %add3A_346, %mul3A_347 : i32
        %add3A_349 = arith.addi %mul3A_208, %mul3A_348 : i32
        %get3A_350 = arith.index_cast %add3A_349 : i32 to index
        %get3A_351 = tpu.vector_load %arg6[%get3A_350] {strides = array<i32>} : memref<4096xi32, #tpu.memory_space<vmem>>, vector<16xi32>,
        %sub3A_352 = vector.broadcast %mul3A_2 : i32 to vector<16xi32>
        %sub3A_353 = arith.subi %get3A_351, %sub3A_352 : vector<16xi32>
        %ge3A_354 = arith.constant 0 : i32
        %ge3A_355 = vector.broadcast %ge3A_354 : i32 to vector<16xi32>
        %ge3A_356 = arith.cmpi sge, %sub3A_353, %ge3A_355 : vector<16xi32>
        %lt3A_357 = arith.constant 8192 : i32
        %lt3A_358 = vector.broadcast %lt3A_357 : i32 to vector<16xi32>
        %lt3A_359 = arith.cmpi slt, %sub3A_353, %lt3A_358 : vector<16xi32>
        %and3A_360 = arith.andi %ge3A_356, %lt3A_359 : vector<16xi1>
        %jit3A_361 = arith.constant 0 : i32
        %jit3A_362 = arith.constant 8191 : i32
        %max3A_363 = vector.broadcast %jit3A_361 : i32 to vector<16xi32>
        %max3A_364 = arith.maxsi %max3A_363, %sub3A_353 : vector<16xi32>
        %min3A_365 = vector.broadcast %jit3A_362 : i32 to vector<16xi32>
        %min3A_366 = arith.minsi %min3A_365, %max3A_364 : vector<16xi32>
        %mul3A_367 = arith.constant 2048 : i32
        %mul3A_368 = arith.muli %add3A_192, %mul3A_367 : i32
        %mul3A_369 = arith.constant 16 : i32
        %mul3A_370 = arith.muli %add3A_346, %mul3A_369 : i32
        %add3A_371 = arith.addi %mul3A_368, %mul3A_370 : i32
        %add3A_372 = vector.broadcast %add3A_371 : i32 to vector<16xi32>
        %add3A_373 = arith.addi %add3A_372, %iota3A : vector<16xi32>
        tpu.vector_store_idx %arg8[%min3A_366], %add3A_373 masked %and3A_360 : memref<8192xi32, #tpu.memory_space<vmem>>[vector<16xi32>], vector<16xi32>, vector<16xi1>
        %scan3A_374 = arith.constant 5 : i32
        %scan3A_375 = arith.addi %scan3A_214, %scan3A_374 : i32
        %mul3A_376 = arith.constant 1 : i32
        %mul3A_377 = arith.muli %scan3A_375, %mul3A_376 : i32
        %add3A_378 = arith.constant 0 : i32
        %add3A_379 = arith.addi %add3A_378, %mul3A_377 : i32
        %mul3A_380 = arith.constant 16 : i32
        %mul3A_381 = arith.muli %add3A_379, %mul3A_380 : i32
        %add3A_382 = arith.addi %mul3A_208, %mul3A_381 : i32
        %get3A_383 = arith.index_cast %add3A_382 : i32 to index
        %get3A_384 = tpu.vector_load %arg6[%get3A_383] {strides = array<i32>} : memref<4096xi32, #tpu.memory_space<vmem>>, vector<16xi32>,
        %sub3A_385 = vector.broadcast %mul3A_2 : i32 to vector<16xi32>
        %sub3A_386 = arith.subi %get3A_384, %sub3A_385 : vector<16xi32>
        %ge3A_387 = arith.constant 0 : i32
        %ge3A_388 = vector.broadcast %ge3A_387 : i32 to vector<16xi32>
        %ge3A_389 = arith.cmpi sge, %sub3A_386, %ge3A_388 : vector<16xi32>
        %lt3A_390 = arith.constant 8192 : i32
        %lt3A_391 = vector.broadcast %lt3A_390 : i32 to vector<16xi32>
        %lt3A_392 = arith.cmpi slt, %sub3A_386, %lt3A_391 : vector<16xi32>
        %and3A_393 = arith.andi %ge3A_389, %lt3A_392 : vector<16xi1>
        %jit3A_394 = arith.constant 0 : i32
        %jit3A_395 = arith.constant 8191 : i32
        %max3A_396 = vector.broadcast %jit3A_394 : i32 to vector<16xi32>
        %max3A_397 = arith.maxsi %max3A_396, %sub3A_386 : vector<16xi32>
        %min3A_398 = vector.broadcast %jit3A_395 : i32 to vector<16xi32>
        %min3A_399 = arith.minsi %min3A_398, %max3A_397 : vector<16xi32>
        %mul3A_400 = arith.constant 2048 : i32
        %mul3A_401 = arith.muli %add3A_192, %mul3A_400 : i32
        %mul3A_402 = arith.constant 16 : i32
        %mul3A_403 = arith.muli %add3A_379, %mul3A_402 : i32
        %add3A_404 = arith.addi %mul3A_401, %mul3A_403 : i32
        %add3A_405 = vector.broadcast %add3A_404 : i32 to vector<16xi32>
        %add3A_406 = arith.addi %add3A_405, %iota3A : vector<16xi32>
        tpu.vector_store_idx %arg8[%min3A_399], %add3A_406 masked %and3A_393 : memref<8192xi32, #tpu.memory_space<vmem>>[vector<16xi32>], vector<16xi32>, vector<16xi1>
        %scan3A_407 = arith.constant 6 : i32
        %scan3A_408 = arith.addi %scan3A_214, %scan3A_407 : i32
        %mul3A_409 = arith.constant 1 : i32
        %mul3A_410 = arith.muli %scan3A_408, %mul3A_409 : i32
        %add3A_411 = arith.constant 0 : i32
        %add3A_412 = arith.addi %add3A_411, %mul3A_410 : i32
        %mul3A_413 = arith.constant 16 : i32
        %mul3A_414 = arith.muli %add3A_412, %mul3A_413 : i32
        %add3A_415 = arith.addi %mul3A_208, %mul3A_414 : i32
        %get3A_416 = arith.index_cast %add3A_415 : i32 to index
        %get3A_417 = tpu.vector_load %arg6[%get3A_416] {strides = array<i32>} : memref<4096xi32, #tpu.memory_space<vmem>>, vector<16xi32>,
        %sub3A_418 = vector.broadcast %mul3A_2 : i32 to vector<16xi32>
        %sub3A_419 = arith.subi %get3A_417, %sub3A_418 : vector<16xi32>
        %ge3A_420 = arith.constant 0 : i32
        %ge3A_421 = vector.broadcast %ge3A_420 : i32 to vector<16xi32>
        %ge3A_422 = arith.cmpi sge, %sub3A_419, %ge3A_421 : vector<16xi32>
        %lt3A_423 = arith.constant 8192 : i32
        %lt3A_424 = vector.broadcast %lt3A_423 : i32 to vector<16xi32>
        %lt3A_425 = arith.cmpi slt, %sub3A_419, %lt3A_424 : vector<16xi32>
        %and3A_426 = arith.andi %ge3A_422, %lt3A_425 : vector<16xi1>
        %jit3A_427 = arith.constant 0 : i32
        %jit3A_428 = arith.constant 8191 : i32
        %max3A_429 = vector.broadcast %jit3A_427 : i32 to vector<16xi32>
        %max3A_430 = arith.maxsi %max3A_429, %sub3A_419 : vector<16xi32>
        %min3A_431 = vector.broadcast %jit3A_428 : i32 to vector<16xi32>
        %min3A_432 = arith.minsi %min3A_431, %max3A_430 : vector<16xi32>
        %mul3A_433 = arith.constant 2048 : i32
        %mul3A_434 = arith.muli %add3A_192, %mul3A_433 : i32
        %mul3A_435 = arith.constant 16 : i32
        %mul3A_436 = arith.muli %add3A_412, %mul3A_435 : i32
        %add3A_437 = arith.addi %mul3A_434, %mul3A_436 : i32
        %add3A_438 = vector.broadcast %add3A_437 : i32 to vector<16xi32>
        %add3A_439 = arith.addi %add3A_438, %iota3A : vector<16xi32>
        tpu.vector_store_idx %arg8[%min3A_432], %add3A_439 masked %and3A_426 : memref<8192xi32, #tpu.memory_space<vmem>>[vector<16xi32>], vector<16xi32>, vector<16xi1>
        %scan3A_440 = arith.constant 7 : i32
        %scan3A_441 = arith.addi %scan3A_214, %scan3A_440 : i32
        %mul3A_442 = arith.constant 1 : i32
        %mul3A_443 = arith.muli %scan3A_441, %mul3A_442 : i32
        %add3A_444 = arith.constant 0 : i32
        %add3A_445 = arith.addi %add3A_444, %mul3A_443 : i32
        %mul3A_446 = arith.constant 16 : i32
        %mul3A_447 = arith.muli %add3A_445, %mul3A_446 : i32
        %add3A_448 = arith.addi %mul3A_208, %mul3A_447 : i32
        %get3A_449 = arith.index_cast %add3A_448 : i32 to index
        %get3A_450 = tpu.vector_load %arg6[%get3A_449] {strides = array<i32>} : memref<4096xi32, #tpu.memory_space<vmem>>, vector<16xi32>,
        %sub3A_451 = vector.broadcast %mul3A_2 : i32 to vector<16xi32>
        %sub3A_452 = arith.subi %get3A_450, %sub3A_451 : vector<16xi32>
        %ge3A_453 = arith.constant 0 : i32
        %ge3A_454 = vector.broadcast %ge3A_453 : i32 to vector<16xi32>
        %ge3A_455 = arith.cmpi sge, %sub3A_452, %ge3A_454 : vector<16xi32>
        %lt3A_456 = arith.constant 8192 : i32
        %lt3A_457 = vector.broadcast %lt3A_456 : i32 to vector<16xi32>
        %lt3A_458 = arith.cmpi slt, %sub3A_452, %lt3A_457 : vector<16xi32>
        %and3A_459 = arith.andi %ge3A_455, %lt3A_458 : vector<16xi1>
        %jit3A_460 = arith.constant 0 : i32
        %jit3A_461 = arith.constant 8191 : i32
        %max3A_462 = vector.broadcast %jit3A_460 : i32 to vector<16xi32>
        %max3A_463 = arith.maxsi %max3A_462, %sub3A_452 : vector<16xi32>
        %min3A_464 = vector.broadcast %jit3A_461 : i32 to vector<16xi32>
        %min3A_465 = arith.minsi %min3A_464, %max3A_463 : vector<16xi32>
        %mul3A_466 = arith.constant 2048 : i32
        %mul3A_467 = arith.muli %add3A_192, %mul3A_466 : i32
        %mul3A_468 = arith.constant 16 : i32
        %mul3A_469 = arith.muli %add3A_445, %mul3A_468 : i32
        %add3A_470 = arith.addi %mul3A_467, %mul3A_469 : i32
        %add3A_471 = vector.broadcast %add3A_470 : i32 to vector<16xi32>
        %add3A_472 = arith.addi %add3A_471, %iota3A : vector<16xi32>
        tpu.vector_store_idx %arg8[%min3A_465], %add3A_472 masked %and3A_459 : memref<8192xi32, #tpu.memory_space<vmem>>[vector<16xi32>], vector<16xi32>, vector<16xi1>
      }
      %scan3A_213 = arith.constant 128 : i32
    }
    %scan3A_39 = arith.constant 16 : i32
    %broadcast_in_dim3A_40 = arith.constant 256 : i32
    "tpu.trace_stop"() : () -> ()
    %broadcast_in_dim3A_41 = vector.broadcast %broadcast_in_dim3A_40 : i32 to vector<16xi32>
    %scan3A_42 = arith.constant 0 : i32
    %scan3A_43 = arith.constant 16 : i32
    %scan3A_44 = arith.addi %scan3A_42, %scan3A_43 : i32
    %scan3A_45 = arith.constant 4 : i32
    scf.for %scan3A_188 = %scan3A_42 to %scan3A_44 step %scan3A_45  : i32 {
      %mul3A_189 = arith.constant 1 : i32
      %mul3A_190 = arith.muli %scan3A_188, %mul3A_189 : i32
      %add3A_191 = arith.constant 0 : i32
      %add3A_192 = arith.addi %add3A_191, %mul3A_190 : i32
      %mul3A_193 = arith.constant 16 : i32
      %mul3A_194 = arith.muli %add3A_192, %mul3A_193 : i32
      %add3A_195 = arith.constant 0 : i32
      %add3A_196 = arith.addi %add3A_195, %mul3A_194 : i32
      %add3A_197 = vector.broadcast %add3A_196 : i32 to vector<16xi32>
      %add3A_198 = arith.addi %add3A_197, %iota3A : vector<16xi32>
      %mul3A_199 = arith.constant 16 : i32
      %mul3A_200 = arith.muli %add3A, %mul3A_199 : i32
      %add3A_201 = vector.broadcast %mul3A_200 : i32 to vector<16xi32>
      %add3A_202 = arith.addi %add3A_198, %add3A_201 : vector<16xi32>
      %and3A_203 = arith.constant 32767 : i32
      %and3A_204 = vector.broadcast %and3A_203 : i32 to vector<16xi32>
      %and3A_205 = arith.andi %add3A_202, %and3A_204 : vector<16xi32>
      %mul3A_206 = arith.constant 16 : i32
      %mul3A_207 = arith.muli %add3A_192, %mul3A_206 : i32
      %add3A_208 = arith.constant 0 : i32
      %add3A_209 = arith.addi %add3A_208, %mul3A_207 : i32
      %swap3A_210 = arith.index_cast %add3A_209 : i32 to index
      %swap3A_211 = tpu.vector_load %arg9[%swap3A_210] {strides = array<i32>} : memref<768xi32, #tpu.memory_space<vmem>>, vector<16xi32>,
      tpu.vector_store %arg9[%swap3A_210], %and3A_205 {strides = array<i32>} : memref<768xi32, #tpu.memory_space<vmem>>, vector<16xi32>,
      %mul3A_212 = arith.constant 16 : i32
      %mul3A_213 = arith.muli %add3A_192, %mul3A_212 : i32
      %add3A_214 = arith.constant 0 : i32
      %add3A_215 = arith.addi %add3A_214, %mul3A_213 : i32
      %swap3A_216 = arith.index_cast %add3A_215 : i32 to index
      %swap3A_217 = tpu.vector_load %arg10[%swap3A_216] {strides = array<i32>} : memref<768xi32, #tpu.memory_space<vmem>>, vector<16xi32>,
      tpu.vector_store %arg10[%swap3A_216], %broadcast_in_dim3A_41 {strides = array<i32>} : memref<768xi32, #tpu.memory_space<vmem>>, vector<16xi32>,
      %scan3A_218 = arith.constant 1 : i32
      %scan3A_219 = arith.addi %scan3A_188, %scan3A_218 : i32
      %mul3A_220 = arith.constant 1 : i32
      %mul3A_221 = arith.muli %scan3A_219, %mul3A_220 : i32
      %add3A_222 = arith.constant 0 : i32
      %add3A_223 = arith.addi %add3A_222, %mul3A_221 : i32
      %mul3A_224 = arith.constant 16 : i32
      %mul3A_225 = arith.muli %add3A_223, %mul3A_224 : i32
      %add3A_226 = arith.constant 0 : i32
      %add3A_227 = arith.addi %add3A_226, %mul3A_225 : i32
      %add3A_228 = vector.broadcast %add3A_227 : i32 to vector<16xi32>
      %add3A_229 = arith.addi %add3A_228, %iota3A : vector<16xi32>
      %mul3A_230 = arith.constant 16 : i32
      %mul3A_231 = arith.muli %add3A, %mul3A_230 : i32
      %add3A_232 = vector.broadcast %mul3A_231 : i32 to vector<16xi32>
      %add3A_233 = arith.addi %add3A_229, %add3A_232 : vector<16xi32>
      %and3A_234 = arith.constant 32767 : i32
      %and3A_235 = vector.broadcast %and3A_234 : i32 to vector<16xi32>
      %and3A_236 = arith.andi %add3A_233, %and3A_235 : vector<16xi32>
      %mul3A_237 = arith.constant 16 : i32
      %mul3A_238 = arith.muli %add3A_223, %mul3A_237 : i32
      %add3A_239 = arith.constant 0 : i32
      %add3A_240 = arith.addi %add3A_239, %mul3A_238 : i32
      %swap3A_241 = arith.index_cast %add3A_240 : i32 to index
      %swap3A_242 = tpu.vector_load %arg9[%swap3A_241] {strides = array<i32>} : memref<768xi32, #tpu.memory_space<vmem>>, vector<16xi32>,
      tpu.vector_store %arg9[%swap3A_241], %and3A_236 {strides = array<i32>} : memref<768xi32, #tpu.memory_space<vmem>>, vector<16xi32>,
      %mul3A_243 = arith.constant 16 : i32
      %mul3A_244 = arith.muli %add3A_223, %mul3A_243 : i32
      %add3A_245 = arith.constant 0 : i32
      %add3A_246 = arith.addi %add3A_245, %mul3A_244 : i32
      %swap3A_247 = arith.index_cast %add3A_246 : i32 to index
      %swap3A_248 = tpu.vector_load %arg10[%swap3A_247] {strides = array<i32>} : memref<768xi32, #tpu.memory_space<vmem>>, vector<16xi32>,
      tpu.vector_store %arg10[%swap3A_247], %broadcast_in_dim3A_41 {strides = array<i32>} : memref<768xi32, #tpu.memory_space<vmem>>, vector<16xi32>,
      %scan3A_249 = arith.constant 2 : i32
      %scan3A_250 = arith.addi %scan3A_188, %scan3A_249 : i32
      %mul3A_251 = arith.constant 1 : i32
      %mul3A_252 = arith.muli %scan3A_250, %mul3A_251 : i32
      %add3A_253 = arith.constant 0 : i32
      %add3A_254 = arith.addi %add3A_253, %mul3A_252 : i32
      %mul3A_255 = arith.constant 16 : i32
      %mul3A_256 = arith.muli %add3A_254, %mul3A_255 : i32
      %add3A_257 = arith.constant 0 : i32
      %add3A_258 = arith.addi %add3A_257, %mul3A_256 : i32
      %add3A_259 = vector.broadcast %add3A_258 : i32 to vector<16xi32>
      %add3A_260 = arith.addi %add3A_259, %iota3A : vector<16xi32>
      %mul3A_261 = arith.constant 16 : i32
      %mul3A_262 = arith.muli %add3A, %mul3A_261 : i32
      %add3A_263 = vector.broadcast %mul3A_262 : i32 to vector<16xi32>
      %add3A_264 = arith.addi %add3A_260, %add3A_263 : vector<16xi32>
      %and3A_265 = arith.constant 32767 : i32
      %and3A_266 = vector.broadcast %and3A_265 : i32 to vector<16xi32>
      %and3A_267 = arith.andi %add3A_264, %and3A_266 : vector<16xi32>
      %mul3A_268 = arith.constant 16 : i32
      %mul3A_269 = arith.muli %add3A_254, %mul3A_268 : i32
      %add3A_270 = arith.constant 0 : i32
      %add3A_271 = arith.addi %add3A_270, %mul3A_269 : i32
      %swap3A_272 = arith.index_cast %add3A_271 : i32 to index
      %swap3A_273 = tpu.vector_load %arg9[%swap3A_272] {strides = array<i32>} : memref<768xi32, #tpu.memory_space<vmem>>, vector<16xi32>,
      tpu.vector_store %arg9[%swap3A_272], %and3A_267 {strides = array<i32>} : memref<768xi32, #tpu.memory_space<vmem>>, vector<16xi32>,
      %mul3A_274 = arith.constant 16 : i32
      %mul3A_275 = arith.muli %add3A_254, %mul3A_274 : i32
      %add3A_276 = arith.constant 0 : i32
      %add3A_277 = arith.addi %add3A_276, %mul3A_275 : i32
      %swap3A_278 = arith.index_cast %add3A_277 : i32 to index
      %swap3A_279 = tpu.vector_load %arg10[%swap3A_278] {strides = array<i32>} : memref<768xi32, #tpu.memory_space<vmem>>, vector<16xi32>,
      tpu.vector_store %arg10[%swap3A_278], %broadcast_in_dim3A_41 {strides = array<i32>} : memref<768xi32, #tpu.memory_space<vmem>>, vector<16xi32>,
      %scan3A_280 = arith.constant 3 : i32
      %scan3A_281 = arith.addi %scan3A_188, %scan3A_280 : i32
      %mul3A_282 = arith.constant 1 : i32
      %mul3A_283 = arith.muli %scan3A_281, %mul3A_282 : i32
      %add3A_284 = arith.constant 0 : i32
      %add3A_285 = arith.addi %add3A_284, %mul3A_283 : i32
      %mul3A_286 = arith.constant 16 : i32
      %mul3A_287 = arith.muli %add3A_285, %mul3A_286 : i32
      %add3A_288 = arith.constant 0 : i32
      %add3A_289 = arith.addi %add3A_288, %mul3A_287 : i32
      %add3A_290 = vector.broadcast %add3A_289 : i32 to vector<16xi32>
      %add3A_291 = arith.addi %add3A_290, %iota3A : vector<16xi32>
      %mul3A_292 = arith.constant 16 : i32
      %mul3A_293 = arith.muli %add3A, %mul3A_292 : i32
      %add3A_294 = vector.broadcast %mul3A_293 : i32 to vector<16xi32>
      %add3A_295 = arith.addi %add3A_291, %add3A_294 : vector<16xi32>
      %and3A_296 = arith.constant 32767 : i32
      %and3A_297 = vector.broadcast %and3A_296 : i32 to vector<16xi32>
      %and3A_298 = arith.andi %add3A_295, %and3A_297 : vector<16xi32>
      %mul3A_299 = arith.constant 16 : i32
      %mul3A_300 = arith.muli %add3A_285, %mul3A_299 : i32
      %add3A_301 = arith.constant 0 : i32
      %add3A_302 = arith.addi %add3A_301, %mul3A_300 : i32
      %swap3A_303 = arith.index_cast %add3A_302 : i32 to index
      %swap3A_304 = tpu.vector_load %arg9[%swap3A_303] {strides = array<i32>} : memref<768xi32, #tpu.memory_space<vmem>>, vector<16xi32>,
      tpu.vector_store %arg9[%swap3A_303], %and3A_298 {strides = array<i32>} : memref<768xi32, #tpu.memory_space<vmem>>, vector<16xi32>,
      %mul3A_305 = arith.constant 16 : i32
      %mul3A_306 = arith.muli %add3A_285, %mul3A_305 : i32
      %add3A_307 = arith.constant 0 : i32
      %add3A_308 = arith.addi %add3A_307, %mul3A_306 : i32
      %swap3A_309 = arith.index_cast %add3A_308 : i32 to index
      %swap3A_310 = tpu.vector_load %arg10[%swap3A_309] {strides = array<i32>} : memref<768xi32, #tpu.memory_space<vmem>>, vector<16xi32>,
      tpu.vector_store %arg10[%swap3A_309], %broadcast_in_dim3A_41 {strides = array<i32>} : memref<768xi32, #tpu.memory_space<vmem>>, vector<16xi32>,
    }
    %scan3A_46 = arith.constant 16 : i32
    %scan3A_47 = arith.constant 0 : i32
    %scan3A_48 = arith.constant 0 : i32
    %scan3A_49 = arith.constant 16 : i32
    %scan3A_50 = arith.addi %scan3A_48, %scan3A_49 : i32
    %scan3A_51 = arith.constant 1 : i32
    %scan3A_52 = scf.for %scan3A_188 = %scan3A_48 to %scan3A_50 step %scan3A_51 iter_args(%scan3A_189 = %scan3A_47) -> (i32)  : i32 {
      %mul3A_190 = arith.constant 1 : i32
      %mul3A_191 = arith.muli %scan3A_188, %mul3A_190 : i32
      %add3A_192 = arith.constant 0 : i32
      %add3A_193 = arith.addi %add3A_192, %mul3A_191 : i32
      %mul3A_194 = arith.constant 16 : i32
      %mul3A_195 = arith.muli %add3A_193, %mul3A_194 : i32
      %add3A_196 = arith.constant 0 : i32
      %add3A_197 = arith.addi %add3A_196, %mul3A_195 : i32
      %get3A = arith.index_cast %add3A_197 : i32 to index
      %get3A_198 = tpu.vector_load %arg8[%get3A] {strides = array<i32>} : memref<8192xi32, #tpu.memory_space<vmem>>, vector<16xi32>,
      %ge3A = arith.constant 0 : i32
      %ge3A_199 = vector.broadcast %ge3A : i32 to vector<16xi32>
      %ge3A_200 = arith.cmpi sge, %get3A_198, %ge3A_199 : vector<16xi32>
      %convert_element_type3A = arith.extui %ge3A_200 : vector<16xi1> to vector<16xi32>
      %add3A_201 = arith.constant 0 : i32
      %add3A_202 = arith.addi %add3A_201, %scan3A_189 : i32
      %broadcast_in_dim3A_203 = arith.constant true
      %broadcast_in_dim3A_204 = vector.broadcast %broadcast_in_dim3A_203 : i1 to vector<16xi1>
      %masked_cumsum3A = tpu.scan <sum>, %convert_element_type3A masked %broadcast_in_dim3A_204 : vector<16xi32>, vector<16xi1> -> vector<16xi32>
      %add3A_205 = vector.broadcast %add3A_202 : i32 to vector<16xi32>
      %add3A_206 = arith.addi %add3A_205, %masked_cumsum3A : vector<16xi32>
      %sub3A_207 = arith.constant 1 : i32
      %sub3A_208 = vector.broadcast %sub3A_207 : i32 to vector<16xi32>
      %sub3A_209 = arith.subi %add3A_206, %sub3A_208 : vector<16xi32>
      tpu.vector_store_idx %arg9[%sub3A_209], %get3A_198 masked %ge3A_200 : memref<768xi32, #tpu.memory_space<vmem>>[vector<16xi32>], vector<16xi32>, vector<16xi1>
      %mul3A_210 = arith.constant 16 : i32
      %mul3A_211 = arith.muli %add3A_193, %mul3A_210 : i32
      %add3A_212 = vector.broadcast %mul3A_211 : i32 to vector<16xi32>
      %add3A_213 = arith.addi %add3A_212, %iota3A : vector<16xi32>
      tpu.vector_store_idx %arg10[%sub3A_209], %add3A_213 masked %ge3A_200 : memref<768xi32, #tpu.memory_space<vmem>>[vector<16xi32>], vector<16xi32>, vector<16xi1>
      %reduce_sum3A = arith.constant true
      %reduce_sum3A_214 = vector.broadcast %reduce_sum3A : i1 to vector<16xi1>
      %reduce_sum3A_215 = tpu.scan <sum>, %convert_element_type3A masked %reduce_sum3A_214 : vector<16xi32>, vector<16xi1> -> vector<16xi32>
      %reduce_sum3A_216 = vector.extract %reduce_sum3A_215[15] : i32 from vector<16xi32>
      %add3A_217 = arith.addi %scan3A_189, %reduce_sum3A_216 : i32
      scf.yield %add3A_217 : i32
    }
    %scan3A_53 = arith.constant 16 : i32
    %add3A_54 = arith.constant 31 : i32
    %add3A_55 = arith.addi %scan3A_52, %add3A_54 : i32
    %jit3A = arith.constant 32 : i32
    %div3A = arith.divsi %add3A_55, %jit3A : i32
    %sign3A = arith.constant 0 : i32
    %sign3A_56 = arith.cmpi sgt, %add3A_55, %sign3A : i32
    %sign3A_57 = arith.extui %sign3A_56 : i1 to i32
    %sign3A_58 = arith.constant 0 : i32
    %sign3A_59 = arith.cmpi slt, %add3A_55, %sign3A_58 : i32
    %sign3A_60 = arith.extui %sign3A_59 : i1 to i32
    %sign3A_61 = arith.subi %sign3A_57, %sign3A_60 : i32
    %sign3A_62 = arith.constant 0 : i32
    %sign3A_63 = arith.cmpi sgt, %jit3A, %sign3A_62 : i32
    %sign3A_64 = arith.extui %sign3A_63 : i1 to i32
    %sign3A_65 = arith.constant 0 : i32
    %sign3A_66 = arith.cmpi slt, %jit3A, %sign3A_65 : i32
    %sign3A_67 = arith.extui %sign3A_66 : i1 to i32
    %sign3A_68 = arith.subi %sign3A_64, %sign3A_67 : i32
    %ne3A = arith.cmpi ne, %sign3A_61, %sign3A_68 : i32
    %rem3A = arith.remsi %add3A_55, %jit3A : i32
    %ne3A_69 = arith.constant 0 : i32
    %ne3A_70 = arith.cmpi ne, %rem3A, %ne3A_69 : i32
    %and3A = arith.andi %ne3A, %ne3A_70 : i1
    %sub3A = arith.constant 1 : i32
    %sub3A_71 = arith.subi %div3A, %sub3A : i32
    %select_n3A = arith.select %and3A, %sub3A_71, %div3A : i32
    %swap3A = arith.constant 0 : i32
    %swap3A_72 = arith.index_cast %swap3A : i32 to index
    %swap3A_73 = memref.load %arg13[%swap3A_72] : memref<32xi32, #tpu.memory_space<smem>>
    memref.store %select_n3A, %arg13[%swap3A_72] : memref<32xi32, #tpu.memory_space<smem>>
    %sub3A_74 = arith.constant 0 : i32
    %sub3A_75 = arith.subi %select_n3A, %sub3A_74 : i32
    %sub3A_76 = arith.constant 1 : i32
    %sub3A_77 = arith.constant 1 : i32
    %sub3A_78 = arith.subi %sub3A_76, %sub3A_77 : i32
    %add3A_79 = arith.addi %sub3A_75, %sub3A_78 : i32
    %div3A_80 = arith.constant 1 : i32
    %div3A_81 = arith.divsi %add3A_79, %div3A_80 : i32
    %while3A = arith.constant 1 : i32
    %while3A_82 = arith.constant 0 : i32
    %while3A_83 = arith.constant 0 : i32
    %while3A_84 = arith.subi %div3A_81, %while3A_83 : i32
    %while3A_85 = arith.addi %while3A_83, %while3A_84 : i32
    %while3A_86 = arith.constant 1 : i32
    %while3A_87 = arith.divsi %while3A_84, %while3A_86 : i32
    %while3A_88 = arith.muli %while3A_87, %while3A_86 : i32
    %while3A_89 = arith.addi %while3A_83, %while3A_88 : i32
    %while3A_90 = arith.constant 1 : i32
    scf.for %while3A_188 = %while3A_83 to %while3A_89 step %while3A_90  : i32 {
      %mul3A_189 = arith.muli %while3A_188, %while3A : i32
      %add3A_190 = arith.addi %while3A_82, %mul3A_189 : i32
      %mul3A_191 = arith.constant 32 : i32
      %mul3A_192 = arith.muli %add3A_190, %mul3A_191 : i32
      %add3A_193 = arith.constant 0 : i32
      %add3A_194 = arith.addi %add3A_193, %mul3A_192 : i32
      %mul3A_195 = arith.constant 32 : i32
      %mul3A_196 = arith.muli %add3A_190, %mul3A_195 : i32
      %add3A_197 = arith.constant 0 : i32
      %add3A_198 = arith.addi %add3A_197, %mul3A_196 : i32
      %dma_start3A_199 = arith.constant 0 : i32
      %dma_start3A_200 = tpu.memref_slice %arg11[%add3A_198, %dma_start3A_199] : memref<768x64xf32, #tpu.memory_space<vmem>> -> memref<32x64xf32, #tpu.memory_space<vmem>>
      %dma_start3A_201 = tpu.memref_slice %arg9[%add3A_194] : memref<768xi32, #tpu.memory_space<vmem>> -> memref<32xi32, #tpu.memory_space<vmem>>
      %dma_start3A_202 = arith.constant 0 : i32
      %dma_start3A_203 = arith.constant 0 : i32
      %dma_start3A_204 = tpu.memref_slice %arg3[%dma_start3A_202, %dma_start3A_203] : memref<32768x64xf32, #tpu.memory_space<hbm>> -> memref<32768x64xf32, #tpu.memory_space<hbm>>
      tpu.enqueue_indirect_dma source(%dma_start3A_204 : memref<32768x64xf32, #tpu.memory_space<hbm>>) target(%dma_start3A_200 : memref<32x64xf32, #tpu.memory_space<vmem>>) offsets(%dma_start3A_201 : memref<32xi32, #tpu.memory_space<vmem>>) semaphore(%arg15 : memref<!tpu.dma_semaphore, #tpu.memory_space<semaphore_mem>>)
    }
    %while3A_91 = arith.constant 1 : i32
    scf.for %while3A_188 = %while3A_89 to %while3A_85 step %while3A_91  : i32 {
      %mul3A_189 = arith.muli %while3A_188, %while3A : i32
      %add3A_190 = arith.addi %while3A_82, %mul3A_189 : i32
      %mul3A_191 = arith.constant 32 : i32
      %mul3A_192 = arith.muli %add3A_190, %mul3A_191 : i32
      %add3A_193 = arith.constant 0 : i32
      %add3A_194 = arith.addi %add3A_193, %mul3A_192 : i32
      %mul3A_195 = arith.constant 32 : i32
      %mul3A_196 = arith.muli %add3A_190, %mul3A_195 : i32
      %add3A_197 = arith.constant 0 : i32
      %add3A_198 = arith.addi %add3A_197, %mul3A_196 : i32
      %dma_start3A_199 = arith.constant 0 : i32
      %dma_start3A_200 = tpu.memref_slice %arg11[%add3A_198, %dma_start3A_199] : memref<768x64xf32, #tpu.memory_space<vmem>> -> memref<32x64xf32, #tpu.memory_space<vmem>>
      %dma_start3A_201 = tpu.memref_slice %arg9[%add3A_194] : memref<768xi32, #tpu.memory_space<vmem>> -> memref<32xi32, #tpu.memory_space<vmem>>
      %dma_start3A_202 = arith.constant 0 : i32
      %dma_start3A_203 = arith.constant 0 : i32
      %dma_start3A_204 = tpu.memref_slice %arg3[%dma_start3A_202, %dma_start3A_203] : memref<32768x64xf32, #tpu.memory_space<hbm>> -> memref<32768x64xf32, #tpu.memory_space<hbm>>
      tpu.enqueue_indirect_dma source(%dma_start3A_204 : memref<32768x64xf32, #tpu.memory_space<hbm>>) target(%dma_start3A_200 : memref<32x64xf32, #tpu.memory_space<vmem>>) offsets(%dma_start3A_201 : memref<32xi32, #tpu.memory_space<vmem>>) semaphore(%arg15 : memref<!tpu.dma_semaphore, #tpu.memory_space<semaphore_mem>>)
    }
    %scan3A_92 = arith.constant 0 : i32
    %scan3A_93 = arith.constant 16 : i32
    %scan3A_94 = arith.addi %scan3A_92, %scan3A_93 : i32
    %scan3A_95 = arith.constant 4 : i32
    scf.for %scan3A_188 = %scan3A_92 to %scan3A_94 step %scan3A_95  : i32 {
      %mul3A_189 = arith.constant 1 : i32
      %mul3A_190 = arith.muli %scan3A_188, %mul3A_189 : i32
      %add3A_191 = arith.constant 0 : i32
      %add3A_192 = arith.addi %add3A_191, %mul3A_190 : i32
      %mul3A_193 = arith.constant 16 : i32
      %mul3A_194 = arith.muli %add3A_192, %mul3A_193 : i32
      %add3A_195 = arith.constant 256 : i32
      %add3A_196 = arith.addi %add3A_195, %mul3A_194 : i32
      %add3A_197 = vector.broadcast %add3A_196 : i32 to vector<16xi32>
      %add3A_198 = arith.addi %add3A_197, %iota3A : vector<16xi32>
      %mul3A_199 = arith.constant 16 : i32
      %mul3A_200 = arith.muli %add3A, %mul3A_199 : i32
      %add3A_201 = vector.broadcast %mul3A_200 : i32 to vector<16xi32>
      %add3A_202 = arith.addi %add3A_198, %add3A_201 : vector<16xi32>
      %and3A_203 = arith.constant 32767 : i32
      %and3A_204 = vector.broadcast %and3A_203 : i32 to vector<16xi32>
      %and3A_205 = arith.andi %add3A_202, %and3A_204 : vector<16xi32>
      %mul3A_206 = arith.constant 16 : i32
      %mul3A_207 = arith.muli %add3A_192, %mul3A_206 : i32
      %add3A_208 = arith.constant 256 : i32
      %add3A_209 = arith.addi %add3A_208, %mul3A_207 : i32
      %swap3A_210 = arith.index_cast %add3A_209 : i32 to index
      %swap3A_211 = tpu.vector_load %arg9[%swap3A_210] {strides = array<i32>} : memref<768xi32, #tpu.memory_space<vmem>>, vector<16xi32>,
      tpu.vector_store %arg9[%swap3A_210], %and3A_205 {strides = array<i32>} : memref<768xi32, #tpu.memory_space<vmem>>, vector<16xi32>,
      %mul3A_212 = arith.constant 16 : i32
      %mul3A_213 = arith.muli %add3A_192, %mul3A_212 : i32
      %add3A_214 = arith.constant 256 : i32
      %add3A_215 = arith.addi %add3A_214, %mul3A_213 : i32
      %swap3A_216 = arith.index_cast %add3A_215 : i32 to index
      %swap3A_217 = tpu.vector_load %arg10[%swap3A_216] {strides = array<i32>} : memref<768xi32, #tpu.memory_space<vmem>>, vector<16xi32>,
      tpu.vector_store %arg10[%swap3A_216], %broadcast_in_dim3A_41 {strides = array<i32>} : memref<768xi32, #tpu.memory_space<vmem>>, vector<16xi32>,
      %scan3A_218 = arith.constant 1 : i32
      %scan3A_219 = arith.addi %scan3A_188, %scan3A_218 : i32
      %mul3A_220 = arith.constant 1 : i32
      %mul3A_221 = arith.muli %scan3A_219, %mul3A_220 : i32
      %add3A_222 = arith.constant 0 : i32
      %add3A_223 = arith.addi %add3A_222, %mul3A_221 : i32
      %mul3A_224 = arith.constant 16 : i32
      %mul3A_225 = arith.muli %add3A_223, %mul3A_224 : i32
      %add3A_226 = arith.constant 256 : i32
      %add3A_227 = arith.addi %add3A_226, %mul3A_225 : i32
      %add3A_228 = vector.broadcast %add3A_227 : i32 to vector<16xi32>
      %add3A_229 = arith.addi %add3A_228, %iota3A : vector<16xi32>
      %mul3A_230 = arith.constant 16 : i32
      %mul3A_231 = arith.muli %add3A, %mul3A_230 : i32
      %add3A_232 = vector.broadcast %mul3A_231 : i32 to vector<16xi32>
      %add3A_233 = arith.addi %add3A_229, %add3A_232 : vector<16xi32>
      %and3A_234 = arith.constant 32767 : i32
      %and3A_235 = vector.broadcast %and3A_234 : i32 to vector<16xi32>
      %and3A_236 = arith.andi %add3A_233, %and3A_235 : vector<16xi32>
      %mul3A_237 = arith.constant 16 : i32
      %mul3A_238 = arith.muli %add3A_223, %mul3A_237 : i32
      %add3A_239 = arith.constant 256 : i32
      %add3A_240 = arith.addi %add3A_239, %mul3A_238 : i32
      %swap3A_241 = arith.index_cast %add3A_240 : i32 to index
      %swap3A_242 = tpu.vector_load %arg9[%swap3A_241] {strides = array<i32>} : memref<768xi32, #tpu.memory_space<vmem>>, vector<16xi32>,
      tpu.vector_store %arg9[%swap3A_241], %and3A_236 {strides = array<i32>} : memref<768xi32, #tpu.memory_space<vmem>>, vector<16xi32>,
      %mul3A_243 = arith.constant 16 : i32
      %mul3A_244 = arith.muli %add3A_223, %mul3A_243 : i32
      %add3A_245 = arith.constant 256 : i32
      %add3A_246 = arith.addi %add3A_245, %mul3A_244 : i32
      %swap3A_247 = arith.index_cast %add3A_246 : i32 to index
      %swap3A_248 = tpu.vector_load %arg10[%swap3A_247] {strides = array<i32>} : memref<768xi32, #tpu.memory_space<vmem>>, vector<16xi32>,
      tpu.vector_store %arg10[%swap3A_247], %broadcast_in_dim3A_41 {strides = array<i32>} : memref<768xi32, #tpu.memory_space<vmem>>, vector<16xi32>,
      %scan3A_249 = arith.constant 2 : i32
      %scan3A_250 = arith.addi %scan3A_188, %scan3A_249 : i32
      %mul3A_251 = arith.constant 1 : i32
      %mul3A_252 = arith.muli %scan3A_250, %mul3A_251 : i32
      %add3A_253 = arith.constant 0 : i32
      %add3A_254 = arith.addi %add3A_253, %mul3A_252 : i32
      %mul3A_255 = arith.constant 16 : i32
      %mul3A_256 = arith.muli %add3A_254, %mul3A_255 : i32
      %add3A_257 = arith.constant 256 : i32
      %add3A_258 = arith.addi %add3A_257, %mul3A_256 : i32
      %add3A_259 = vector.broadcast %add3A_258 : i32 to vector<16xi32>
      %add3A_260 = arith.addi %add3A_259, %iota3A : vector<16xi32>
      %mul3A_261 = arith.constant 16 : i32
      %mul3A_262 = arith.muli %add3A, %mul3A_261 : i32
      %add3A_263 = vector.broadcast %mul3A_262 : i32 to vector<16xi32>
      %add3A_264 = arith.addi %add3A_260, %add3A_263 : vector<16xi32>
      %and3A_265 = arith.constant 32767 : i32
      %and3A_266 = vector.broadcast %and3A_265 : i32 to vector<16xi32>
      %and3A_267 = arith.andi %add3A_264, %and3A_266 : vector<16xi32>
      %mul3A_268 = arith.constant 16 : i32
      %mul3A_269 = arith.muli %add3A_254, %mul3A_268 : i32
      %add3A_270 = arith.constant 256 : i32
      %add3A_271 = arith.addi %add3A_270, %mul3A_269 : i32
      %swap3A_272 = arith.index_cast %add3A_271 : i32 to index
      %swap3A_273 = tpu.vector_load %arg9[%swap3A_272] {strides = array<i32>} : memref<768xi32, #tpu.memory_space<vmem>>, vector<16xi32>,
      tpu.vector_store %arg9[%swap3A_272], %and3A_267 {strides = array<i32>} : memref<768xi32, #tpu.memory_space<vmem>>, vector<16xi32>,
      %mul3A_274 = arith.constant 16 : i32
      %mul3A_275 = arith.muli %add3A_254, %mul3A_274 : i32
      %add3A_276 = arith.constant 256 : i32
      %add3A_277 = arith.addi %add3A_276, %mul3A_275 : i32
      %swap3A_278 = arith.index_cast %add3A_277 : i32 to index
      %swap3A_279 = tpu.vector_load %arg10[%swap3A_278] {strides = array<i32>} : memref<768xi32, #tpu.memory_space<vmem>>, vector<16xi32>,
      tpu.vector_store %arg10[%swap3A_278], %broadcast_in_dim3A_41 {strides = array<i32>} : memref<768xi32, #tpu.memory_space<vmem>>, vector<16xi32>,
      %scan3A_280 = arith.constant 3 : i32
      %scan3A_281 = arith.addi %scan3A_188, %scan3A_280 : i32
      %mul3A_282 = arith.constant 1 : i32
      %mul3A_283 = arith.muli %scan3A_281, %mul3A_282 : i32
      %add3A_284 = arith.constant 0 : i32
      %add3A_285 = arith.addi %add3A_284, %mul3A_283 : i32
      %mul3A_286 = arith.constant 16 : i32
      %mul3A_287 = arith.muli %add3A_285, %mul3A_286 : i32
      %add3A_288 = arith.constant 256 : i32
      %add3A_289 = arith.addi %add3A_288, %mul3A_287 : i32
      %add3A_290 = vector.broadcast %add3A_289 : i32 to vector<16xi32>
      %add3A_291 = arith.addi %add3A_290, %iota3A : vector<16xi32>
      %mul3A_292 = arith.constant 16 : i32
      %mul3A_293 = arith.muli %add3A, %mul3A_292 : i32
      %add3A_294 = vector.broadcast %mul3A_293 : i32 to vector<16xi32>
      %add3A_295 = arith.addi %add3A_291, %add3A_294 : vector<16xi32>
      %and3A_296 = arith.constant 32767 : i32
      %and3A_297 = vector.broadcast %and3A_296 : i32 to vector<16xi32>
      %and3A_298 = arith.andi %add3A_295, %and3A_297 : vector<16xi32>
      %mul3A_299 = arith.constant 16 : i32
      %mul3A_300 = arith.muli %add3A_285, %mul3A_299 : i32
      %add3A_301 = arith.constant 256 : i32
      %add3A_302 = arith.addi %add3A_301, %mul3A_300 : i32
      %swap3A_303 = arith.index_cast %add3A_302 : i32 to index
      %swap3A_304 = tpu.vector_load %arg9[%swap3A_303] {strides = array<i32>} : memref<768xi32, #tpu.memory_space<vmem>>, vector<16xi32>,
      tpu.vector_store %arg9[%swap3A_303], %and3A_298 {strides = array<i32>} : memref<768xi32, #tpu.memory_space<vmem>>, vector<16xi32>,
      %mul3A_305 = arith.constant 16 : i32
      %mul3A_306 = arith.muli %add3A_285, %mul3A_305 : i32
      %add3A_307 = arith.constant 256 : i32
      %add3A_308 = arith.addi %add3A_307, %mul3A_306 : i32
      %swap3A_309 = arith.index_cast %add3A_308 : i32 to index
      %swap3A_310 = tpu.vector_load %arg10[%swap3A_309] {strides = array<i32>} : memref<768xi32, #tpu.memory_space<vmem>>, vector<16xi32>,
      tpu.vector_store %arg10[%swap3A_309], %broadcast_in_dim3A_41 {strides = array<i32>} : memref<768xi32, #tpu.memory_space<vmem>>, vector<16xi32>,
    }
    %scan3A_96 = arith.constant 16 : i32
    %scan3A_97 = arith.constant 0 : i32
    %scan3A_98 = arith.constant 0 : i32
    %scan3A_99 = arith.constant 16 : i32
    %scan3A_100 = arith.addi %scan3A_98, %scan3A_99 : i32
    %scan3A_101 = arith.constant 1 : i32
    %scan3A_102 = scf.for %scan3A_188 = %scan3A_98 to %scan3A_100 step %scan3A_101 iter_args(%scan3A_189 = %scan3A_97) -> (i32)  : i32 {
      %mul3A_190 = arith.constant 1 : i32
      %mul3A_191 = arith.muli %scan3A_188, %mul3A_190 : i32
      %add3A_192 = arith.constant 0 : i32
      %add3A_193 = arith.addi %add3A_192, %mul3A_191 : i32
      %mul3A_194 = arith.constant 16 : i32
      %mul3A_195 = arith.muli %add3A_193, %mul3A_194 : i32
      %add3A_196 = arith.constant 256 : i32
      %add3A_197 = arith.addi %add3A_196, %mul3A_195 : i32
      %get3A = arith.index_cast %add3A_197 : i32 to index
      %get3A_198 = tpu.vector_load %arg8[%get3A] {strides = array<i32>} : memref<8192xi32, #tpu.memory_space<vmem>>, vector<16xi32>,
      %ge3A = arith.constant 0 : i32
      %ge3A_199 = vector.broadcast %ge3A : i32 to vector<16xi32>
      %ge3A_200 = arith.cmpi sge, %get3A_198, %ge3A_199 : vector<16xi32>
      %convert_element_type3A = arith.extui %ge3A_200 : vector<16xi1> to vector<16xi32>
      %add3A_201 = arith.constant 256 : i32
      %add3A_202 = arith.addi %add3A_201, %scan3A_189 : i32
      %broadcast_in_dim3A_203 = arith.constant true
      %broadcast_in_dim3A_204 = vector.broadcast %broadcast_in_dim3A_203 : i1 to vector<16xi1>
      %masked_cumsum3A = tpu.scan <sum>, %convert_element_type3A masked %broadcast_in_dim3A_204 : vector<16xi32>, vector<16xi1> -> vector<16xi32>
      %add3A_205 = vector.broadcast %add3A_202 : i32 to vector<16xi32>
      %add3A_206 = arith.addi %add3A_205, %masked_cumsum3A : vector<16xi32>
      %sub3A_207 = arith.constant 1 : i32
      %sub3A_208 = vector.broadcast %sub3A_207 : i32 to vector<16xi32>
      %sub3A_209 = arith.subi %add3A_206, %sub3A_208 : vector<16xi32>
      tpu.vector_store_idx %arg9[%sub3A_209], %get3A_198 masked %ge3A_200 : memref<768xi32, #tpu.memory_space<vmem>>[vector<16xi32>], vector<16xi32>, vector<16xi1>
      %mul3A_210 = arith.constant 16 : i32
      %mul3A_211 = arith.muli %add3A_193, %mul3A_210 : i32
      %add3A_212 = vector.broadcast %mul3A_211 : i32 to vector<16xi32>
      %add3A_213 = arith.addi %add3A_212, %iota3A : vector<16xi32>
      tpu.vector_store_idx %arg10[%sub3A_209], %add3A_213 masked %ge3A_200 : memref<768xi32, #tpu.memory_space<vmem>>[vector<16xi32>], vector<16xi32>, vector<16xi1>
      %reduce_sum3A = arith.constant true
      %reduce_sum3A_214 = vector.broadcast %reduce_sum3A : i1 to vector<16xi1>
      %reduce_sum3A_215 = tpu.scan <sum>, %convert_element_type3A masked %reduce_sum3A_214 : vector<16xi32>, vector<16xi1> -> vector<16xi32>
      %reduce_sum3A_216 = vector.extract %reduce_sum3A_215[15] : i32 from vector<16xi32>
      %add3A_217 = arith.addi %scan3A_189, %reduce_sum3A_216 : i32
      scf.yield %add3A_217 : i32
    }
    %scan3A_103 = arith.constant 16 : i32
    %add3A_104 = arith.constant 31 : i32
    %add3A_105 = arith.addi %scan3A_102, %add3A_104 : i32
    %jit3A_106 = arith.constant 32 : i32
    %div3A_107 = arith.divsi %add3A_105, %jit3A_106 : i32
    %sign3A_108 = arith.constant 0 : i32
    %sign3A_109 = arith.cmpi sgt, %add3A_105, %sign3A_108 : i32
    %sign3A_110 = arith.extui %sign3A_109 : i1 to i32
    %sign3A_111 = arith.constant 0 : i32
    %sign3A_112 = arith.cmpi slt, %add3A_105, %sign3A_111 : i32
    %sign3A_113 = arith.extui %sign3A_112 : i1 to i32
    %sign3A_114 = arith.subi %sign3A_110, %sign3A_113 : i32
    %sign3A_115 = arith.constant 0 : i32
    %sign3A_116 = arith.cmpi sgt, %jit3A_106, %sign3A_115 : i32
    %sign3A_117 = arith.extui %sign3A_116 : i1 to i32
    %sign3A_118 = arith.constant 0 : i32
    %sign3A_119 = arith.cmpi slt, %jit3A_106, %sign3A_118 : i32
    %sign3A_120 = arith.extui %sign3A_119 : i1 to i32
    %sign3A_121 = arith.subi %sign3A_117, %sign3A_120 : i32
    %ne3A_122 = arith.cmpi ne, %sign3A_114, %sign3A_121 : i32
    %rem3A_123 = arith.remsi %add3A_105, %jit3A_106 : i32
    %ne3A_124 = arith.constant 0 : i32
    %ne3A_125 = arith.cmpi ne, %rem3A_123, %ne3A_124 : i32
    %and3A_126 = arith.andi %ne3A_122, %ne3A_125 : i1
    %sub3A_127 = arith.constant 1 : i32
    %sub3A_128 = arith.subi %div3A_107, %sub3A_127 : i32
    %select_n3A_129 = arith.select %and3A_126, %sub3A_128, %div3A_107 : i32
    %swap3A_130 = arith.constant 1 : i32
    %swap3A_131 = arith.index_cast %swap3A_130 : i32 to index
    %swap3A_132 = memref.load %arg13[%swap3A_131] : memref<32xi32, #tpu.memory_space<smem>>
    memref.store %select_n3A_129, %arg13[%swap3A_131] : memref<32xi32, #tpu.memory_space<smem>>
    %sub3A_133 = arith.constant 0 : i32
    %sub3A_134 = arith.subi %select_n3A_129, %sub3A_133 : i32
    %sub3A_135 = arith.constant 1 : i32
    %sub3A_136 = arith.constant 1 : i32
    %sub3A_137 = arith.subi %sub3A_135, %sub3A_136 : i32
    %add3A_138 = arith.addi %sub3A_134, %sub3A_137 : i32
    %div3A_139 = arith.constant 1 : i32
    %div3A_140 = arith.divsi %add3A_138, %div3A_139 : i32
    %while3A_141 = arith.constant 1 : i32
    %while3A_142 = arith.constant 0 : i32
    %while3A_143 = arith.constant 0 : i32
    %while3A_144 = arith.subi %div3A_140, %while3A_143 : i32
    %while3A_145 = arith.addi %while3A_143, %while3A_144 : i32
    %while3A_146 = arith.constant 1 : i32
    %while3A_147 = arith.divsi %while3A_144, %while3A_146 : i32
    %while3A_148 = arith.muli %while3A_147, %while3A_146 : i32
    %while3A_149 = arith.addi %while3A_143, %while3A_148 : i32
    %while3A_150 = arith.constant 1 : i32
    scf.for %while3A_188 = %while3A_143 to %while3A_149 step %while3A_150  : i32 {
      %mul3A_189 = arith.muli %while3A_188, %while3A_141 : i32
      %add3A_190 = arith.addi %while3A_142, %mul3A_189 : i32
      %mul3A_191 = arith.constant 32 : i32
      %mul3A_192 = arith.muli %add3A_190, %mul3A_191 : i32
      %add3A_193 = arith.constant 256 : i32
      %add3A_194 = arith.addi %add3A_193, %mul3A_192 : i32
      %mul3A_195 = arith.constant 32 : i32
      %mul3A_196 = arith.muli %add3A_190, %mul3A_195 : i32
      %add3A_197 = arith.constant 256 : i32
      %add3A_198 = arith.addi %add3A_197, %mul3A_196 : i32
      %dma_start3A_199 = arith.constant 0 : i32
      %dma_start3A_200 = tpu.memref_slice %arg11[%add3A_198, %dma_start3A_199] : memref<768x64xf32, #tpu.memory_space<vmem>> -> memref<32x64xf32, #tpu.memory_space<vmem>>
      %dma_start3A_201 = tpu.memref_slice %arg9[%add3A_194] : memref<768xi32, #tpu.memory_space<vmem>> -> memref<32xi32, #tpu.memory_space<vmem>>
      %dma_start3A_202 = arith.constant 0 : i32
      %dma_start3A_203 = arith.constant 0 : i32
      %dma_start3A_204 = tpu.memref_slice %arg3[%dma_start3A_202, %dma_start3A_203] : memref<32768x64xf32, #tpu.memory_space<hbm>> -> memref<32768x64xf32, #tpu.memory_space<hbm>>
      tpu.enqueue_indirect_dma source(%dma_start3A_204 : memref<32768x64xf32, #tpu.memory_space<hbm>>) target(%dma_start3A_200 : memref<32x64xf32, #tpu.memory_space<vmem>>) offsets(%dma_start3A_201 : memref<32xi32, #tpu.memory_space<vmem>>) semaphore(%arg15 : memref<!tpu.dma_semaphore, #tpu.memory_space<semaphore_mem>>)
    }
    %while3A_151 = arith.constant 1 : i32
    scf.for %while3A_188 = %while3A_149 to %while3A_145 step %while3A_151  : i32 {
      %mul3A_189 = arith.muli %while3A_188, %while3A_141 : i32
      %add3A_190 = arith.addi %while3A_142, %mul3A_189 : i32
      %mul3A_191 = arith.constant 32 : i32
      %mul3A_192 = arith.muli %add3A_190, %mul3A_191 : i32
      %add3A_193 = arith.constant 256 : i32
      %add3A_194 = arith.addi %add3A_193, %mul3A_192 : i32
      %mul3A_195 = arith.constant 32 : i32
      %mul3A_196 = arith.muli %add3A_190, %mul3A_195 : i32
      %add3A_197 = arith.constant 256 : i32
      %add3A_198 = arith.addi %add3A_197, %mul3A_196 : i32
      %dma_start3A_199 = arith.constant 0 : i32
      %dma_start3A_200 = tpu.memref_slice %arg11[%add3A_198, %dma_start3A_199] : memref<768x64xf32, #tpu.memory_space<vmem>> -> memref<32x64xf32, #tpu.memory_space<vmem>>
      %dma_start3A_201 = tpu.memref_slice %arg9[%add3A_194] : memref<768xi32, #tpu.memory_space<vmem>> -> memref<32xi32, #tpu.memory_space<vmem>>
      %dma_start3A_202 = arith.constant 0 : i32
      %dma_start3A_203 = arith.constant 0 : i32
      %dma_start3A_204 = tpu.memref_slice %arg3[%dma_start3A_202, %dma_start3A_203] : memref<32768x64xf32, #tpu.memory_space<hbm>> -> memref<32768x64xf32, #tpu.memory_space<hbm>>
      tpu.enqueue_indirect_dma source(%dma_start3A_204 : memref<32768x64xf32, #tpu.memory_space<hbm>>) target(%dma_start3A_200 : memref<32x64xf32, #tpu.memory_space<vmem>>) offsets(%dma_start3A_201 : memref<32xi32, #tpu.memory_space<vmem>>) semaphore(%arg15 : memref<!tpu.dma_semaphore, #tpu.memory_space<semaphore_mem>>)
    }
    %scan3A_152 = arith.constant 0 : i32
    %scan3A_153 = arith.constant 32 : i32
    %scan3A_154 = arith.addi %scan3A_152, %scan3A_153 : i32
    %scan3A_155 = arith.constant 1 : i32
    scf.for %scan3A_188 = %scan3A_152 to %scan3A_154 step %scan3A_155  : i32 {
      %mul3A_189 = arith.constant 1 : i32
      %mul3A_190 = arith.muli %scan3A_188, %mul3A_189 : i32
      %add3A_191 = arith.constant 0 : i32
      %add3A_192 = arith.addi %add3A_191, %mul3A_190 : i32
      %rem3A_193 = arith.constant 3 : i32
      %rem3A_194 = arith.remsi %add3A_192, %rem3A_193 : i32
      %rem3A_195 = arith.constant 2 : i32
      %rem3A_196 = arith.remsi %add3A_192, %rem3A_195 : i32
      %mul3A_197 = arith.constant 64 : i32
      %mul3A_198 = arith.muli %rem3A_196, %mul3A_197 : i32
      %mul3A_199 = arith.constant 256 : i32
      %mul3A_200 = arith.muli %rem3A_194, %mul3A_199 : i32
      %get3A = arith.index_cast %add3A_192 : i32 to index
      %get3A_201 = memref.load %arg13[%get3A] : memref<32xi32, #tpu.memory_space<smem>>
      "tpu.trace_start"() <{level = 10 : i32, message = "wait_gathers"}> : () -> ()
      %sub3A_202 = arith.constant 0 : i32
      %sub3A_203 = arith.subi %get3A_201, %sub3A_202 : i32
      %sub3A_204 = arith.constant 1 : i32
      %sub3A_205 = arith.constant 1 : i32
      %sub3A_206 = arith.subi %sub3A_204, %sub3A_205 : i32
      %add3A_207 = arith.addi %sub3A_203, %sub3A_206 : i32
      %div3A_208 = arith.constant 1 : i32
      %div3A_209 = arith.divsi %add3A_207, %div3A_208 : i32
      %while3A_210 = arith.constant 1 : i32
      %while3A_211 = arith.constant 0 : i32
      %while3A_212 = arith.constant 0 : i32
      %while3A_213 = arith.subi %div3A_209, %while3A_212 : i32
      %while3A_214 = arith.addi %while3A_212, %while3A_213 : i32
      %while3A_215 = arith.constant 1 : i32
      %while3A_216 = arith.divsi %while3A_213, %while3A_215 : i32
      %while3A_217 = arith.muli %while3A_216, %while3A_215 : i32
      %while3A_218 = arith.addi %while3A_212, %while3A_217 : i32
      %while3A_219 = arith.constant 1 : i32
      scf.for %while3A_321 = %while3A_212 to %while3A_218 step %while3A_219  : i32 {
        %mul3A_322 = arith.muli %while3A_321, %while3A_210 : i32
        %add3A_323 = arith.addi %while3A_211, %mul3A_322 : i32
        %mul3A_324 = arith.constant 32 : i32
        %mul3A_325 = arith.muli %add3A_323, %mul3A_324 : i32
        %dma_wait3A_326 = arith.constant 0 : i32
        %dma_wait3A_327 = tpu.memref_slice %arg11[%mul3A_325, %dma_wait3A_326] : memref<768x64xf32, #tpu.memory_space<vmem>> -> memref<32x64xf32, #tpu.memory_space<vmem>>
        %dma_wait3A_328 = arith.constant 0 : i32
        %dma_wait3A_329 = tpu.memref_slice %arg9[%dma_wait3A_328] : memref<768xi32, #tpu.memory_space<vmem>> -> memref<32xi32, #tpu.memory_space<vmem>>
        %dma_wait3A_330 = arith.constant 0 : i32
        %dma_wait3A_331 = arith.constant 0 : i32
        %dma_wait3A_332 = tpu.memref_slice %arg3[%dma_wait3A_330, %dma_wait3A_331] : memref<32768x64xf32, #tpu.memory_space<hbm>> -> memref<32768x64xf32, #tpu.memory_space<hbm>>
        tpu.wait_indirect_dma semaphore(%arg15 : memref<!tpu.dma_semaphore, #tpu.memory_space<semaphore_mem>>) src(%dma_wait3A_332 : memref<32768x64xf32, #tpu.memory_space<hbm>>) dst(%dma_wait3A_327 : memref<32x64xf32, #tpu.memory_space<vmem>>)
      }
      %while3A_220 = arith.constant 1 : i32
      scf.for %while3A_321 = %while3A_218 to %while3A_214 step %while3A_220  : i32 {
        %mul3A_322 = arith.muli %while3A_321, %while3A_210 : i32
        %add3A_323 = arith.addi %while3A_211, %mul3A_322 : i32
        %mul3A_324 = arith.constant 32 : i32
        %mul3A_325 = arith.muli %add3A_323, %mul3A_324 : i32
        %dma_wait3A_326 = arith.constant 0 : i32
        %dma_wait3A_327 = tpu.memref_slice %arg11[%mul3A_325, %dma_wait3A_326] : memref<768x64xf32, #tpu.memory_space<vmem>> -> memref<32x64xf32, #tpu.memory_space<vmem>>
        %dma_wait3A_328 = arith.constant 0 : i32
        %dma_wait3A_329 = tpu.memref_slice %arg9[%dma_wait3A_328] : memref<768xi32, #tpu.memory_space<vmem>> -> memref<32xi32, #tpu.memory_space<vmem>>
        %dma_wait3A_330 = arith.constant 0 : i32
        %dma_wait3A_331 = arith.constant 0 : i32
        %dma_wait3A_332 = tpu.memref_slice %arg3[%dma_wait3A_330, %dma_wait3A_331] : memref<32768x64xf32, #tpu.memory_space<hbm>> -> memref<32768x64xf32, #tpu.memory_space<hbm>>
        tpu.wait_indirect_dma semaphore(%arg15 : memref<!tpu.dma_semaphore, #tpu.memory_space<semaphore_mem>>) src(%dma_wait3A_332 : memref<32768x64xf32, #tpu.memory_space<hbm>>) dst(%dma_wait3A_327 : memref<32x64xf32, #tpu.memory_space<vmem>>)
      }
      "tpu.trace_stop"() : () -> ()
      "tpu.trace_start"() <{level = 10 : i32, message = "build_fire_gathers"}> : () -> ()
      %add3A_221 = arith.constant 3 : i32
      %add3A_222 = arith.addi %add3A_192, %add3A_221 : i32
      %sub3A_223 = arith.constant 1 : i32
      %sub3A_224 = arith.subi %add3A_222, %sub3A_223 : i32
      %lt3A = arith.constant 32 : i32
      %lt3A_225 = arith.cmpi slt, %sub3A_224, %lt3A : i32
      %convert_element_type3A = arith.extui %lt3A_225 : i1 to i32
      %cond3A = arith.constant 0 : i32
      %cond3A_226 = arith.cmpi ne, %convert_element_type3A, %cond3A : i32
      scf.if %cond3A_226 {
        %add3A_321 = arith.constant 3 : i32
        %add3A_322 = arith.addi %add3A_192, %add3A_321 : i32
        %sub3A_323 = arith.constant 1 : i32
        %sub3A_324 = arith.subi %add3A_322, %sub3A_323 : i32
        %add3A_325 = arith.constant 3 : i32
        %add3A_326 = arith.addi %add3A_192, %add3A_325 : i32
        %sub3A_327 = arith.constant 1 : i32
        %sub3A_328 = arith.subi %add3A_326, %sub3A_327 : i32
        %rem3A_329 = arith.constant 3 : i32
        %rem3A_330 = arith.remsi %sub3A_328, %rem3A_329 : i32
        %mul3A_331 = arith.constant 256 : i32
        %mul3A_332 = arith.muli %rem3A_330, %mul3A_331 : i32
        %scan3A_333 = arith.constant 0 : i32
        %scan3A_334 = arith.constant 16 : i32
        %scan3A_335 = arith.addi %scan3A_333, %scan3A_334 : i32
        %scan3A_336 = arith.constant 4 : i32
        scf.for %scan3A_392 = %scan3A_333 to %scan3A_335 step %scan3A_336  : i32 {
          %mul3A_393 = arith.constant 1 : i32
          %mul3A_394 = arith.muli %scan3A_392, %mul3A_393 : i32
          %add3A_395 = arith.constant 0 : i32
          %add3A_396 = arith.addi %add3A_395, %mul3A_394 : i32
          %mul3A_397 = arith.constant 256 : i32
          %mul3A_398 = arith.muli %sub3A_324, %mul3A_397 : i32
          %mul3A_399 = arith.constant 16 : i32
          %mul3A_400 = arith.muli %add3A_396, %mul3A_399 : i32
          %add3A_401 = arith.addi %mul3A_398, %mul3A_400 : i32
          %add3A_402 = vector.broadcast %add3A_401 : i32 to vector<16xi32>
          %add3A_403 = arith.addi %add3A_402, %iota3A : vector<16xi32>
          %mul3A_404 = arith.constant 16 : i32
          %mul3A_405 = arith.muli %add3A, %mul3A_404 : i32
          %add3A_406 = vector.broadcast %mul3A_405 : i32 to vector<16xi32>
          %add3A_407 = arith.addi %add3A_403, %add3A_406 : vector<16xi32>
          %and3A_408 = arith.constant 32767 : i32
          %and3A_409 = vector.broadcast %and3A_408 : i32 to vector<16xi32>
          %and3A_410 = arith.andi %add3A_407, %and3A_409 : vector<16xi32>
          %mul3A_411 = arith.constant 16 : i32
          %mul3A_412 = arith.muli %add3A_396, %mul3A_411 : i32
          %add3A_413 = arith.addi %mul3A_332, %mul3A_412 : i32
          %swap3A_414 = arith.index_cast %add3A_413 : i32 to index
          %swap3A_415 = tpu.vector_load %arg9[%swap3A_414] {strides = array<i32>} : memref<768xi32, #tpu.memory_space<vmem>>, vector<16xi32>,
          tpu.vector_store %arg9[%swap3A_414], %and3A_410 {strides = array<i32>} : memref<768xi32, #tpu.memory_space<vmem>>, vector<16xi32>,
          %mul3A_416 = arith.constant 16 : i32
          %mul3A_417 = arith.muli %add3A_396, %mul3A_416 : i32
          %add3A_418 = arith.addi %mul3A_332, %mul3A_417 : i32
          %swap3A_419 = arith.index_cast %add3A_418 : i32 to index
          %swap3A_420 = tpu.vector_load %arg10[%swap3A_419] {strides = array<i32>} : memref<768xi32, #tpu.memory_space<vmem>>, vector<16xi32>,
          tpu.vector_store %arg10[%swap3A_419], %broadcast_in_dim3A_41 {strides = array<i32>} : memref<768xi32, #tpu.memory_space<vmem>>, vector<16xi32>,
          %scan3A_421 = arith.constant 1 : i32
          %scan3A_422 = arith.addi %scan3A_392, %scan3A_421 : i32
          %mul3A_423 = arith.constant 1 : i32
          %mul3A_424 = arith.muli %scan3A_422, %mul3A_423 : i32
          %add3A_425 = arith.constant 0 : i32
          %add3A_426 = arith.addi %add3A_425, %mul3A_424 : i32
          %mul3A_427 = arith.constant 256 : i32
          %mul3A_428 = arith.muli %sub3A_324, %mul3A_427 : i32
          %mul3A_429 = arith.constant 16 : i32
          %mul3A_430 = arith.muli %add3A_426, %mul3A_429 : i32
          %add3A_431 = arith.addi %mul3A_428, %mul3A_430 : i32
          %add3A_432 = vector.broadcast %add3A_431 : i32 to vector<16xi32>
          %add3A_433 = arith.addi %add3A_432, %iota3A : vector<16xi32>
          %mul3A_434 = arith.constant 16 : i32
          %mul3A_435 = arith.muli %add3A, %mul3A_434 : i32
          %add3A_436 = vector.broadcast %mul3A_435 : i32 to vector<16xi32>
          %add3A_437 = arith.addi %add3A_433, %add3A_436 : vector<16xi32>
          %and3A_438 = arith.constant 32767 : i32
          %and3A_439 = vector.broadcast %and3A_438 : i32 to vector<16xi32>
          %and3A_440 = arith.andi %add3A_437, %and3A_439 : vector<16xi32>
          %mul3A_441 = arith.constant 16 : i32
          %mul3A_442 = arith.muli %add3A_426, %mul3A_441 : i32
          %add3A_443 = arith.addi %mul3A_332, %mul3A_442 : i32
          %swap3A_444 = arith.index_cast %add3A_443 : i32 to index
          %swap3A_445 = tpu.vector_load %arg9[%swap3A_444] {strides = array<i32>} : memref<768xi32, #tpu.memory_space<vmem>>, vector<16xi32>,
          tpu.vector_store %arg9[%swap3A_444], %and3A_440 {strides = array<i32>} : memref<768xi32, #tpu.memory_space<vmem>>, vector<16xi32>,
          %mul3A_446 = arith.constant 16 : i32
          %mul3A_447 = arith.muli %add3A_426, %mul3A_446 : i32
          %add3A_448 = arith.addi %mul3A_332, %mul3A_447 : i32
          %swap3A_449 = arith.index_cast %add3A_448 : i32 to index
          %swap3A_450 = tpu.vector_load %arg10[%swap3A_449] {strides = array<i32>} : memref<768xi32, #tpu.memory_space<vmem>>, vector<16xi32>,
          tpu.vector_store %arg10[%swap3A_449], %broadcast_in_dim3A_41 {strides = array<i32>} : memref<768xi32, #tpu.memory_space<vmem>>, vector<16xi32>,
          %scan3A_451 = arith.constant 2 : i32
          %scan3A_452 = arith.addi %scan3A_392, %scan3A_451 : i32
          %mul3A_453 = arith.constant 1 : i32
          %mul3A_454 = arith.muli %scan3A_452, %mul3A_453 : i32
          %add3A_455 = arith.constant 0 : i32
          %add3A_456 = arith.addi %add3A_455, %mul3A_454 : i32
          %mul3A_457 = arith.constant 256 : i32
          %mul3A_458 = arith.muli %sub3A_324, %mul3A_457 : i32
          %mul3A_459 = arith.constant 16 : i32
          %mul3A_460 = arith.muli %add3A_456, %mul3A_459 : i32
          %add3A_461 = arith.addi %mul3A_458, %mul3A_460 : i32
          %add3A_462 = vector.broadcast %add3A_461 : i32 to vector<16xi32>
          %add3A_463 = arith.addi %add3A_462, %iota3A : vector<16xi32>
          %mul3A_464 = arith.constant 16 : i32
          %mul3A_465 = arith.muli %add3A, %mul3A_464 : i32
          %add3A_466 = vector.broadcast %mul3A_465 : i32 to vector<16xi32>
          %add3A_467 = arith.addi %add3A_463, %add3A_466 : vector<16xi32>
          %and3A_468 = arith.constant 32767 : i32
          %and3A_469 = vector.broadcast %and3A_468 : i32 to vector<16xi32>
          %and3A_470 = arith.andi %add3A_467, %and3A_469 : vector<16xi32>
          %mul3A_471 = arith.constant 16 : i32
          %mul3A_472 = arith.muli %add3A_456, %mul3A_471 : i32
          %add3A_473 = arith.addi %mul3A_332, %mul3A_472 : i32
          %swap3A_474 = arith.index_cast %add3A_473 : i32 to index
          %swap3A_475 = tpu.vector_load %arg9[%swap3A_474] {strides = array<i32>} : memref<768xi32, #tpu.memory_space<vmem>>, vector<16xi32>,
          tpu.vector_store %arg9[%swap3A_474], %and3A_470 {strides = array<i32>} : memref<768xi32, #tpu.memory_space<vmem>>, vector<16xi32>,
          %mul3A_476 = arith.constant 16 : i32
          %mul3A_477 = arith.muli %add3A_456, %mul3A_476 : i32
          %add3A_478 = arith.addi %mul3A_332, %mul3A_477 : i32
          %swap3A_479 = arith.index_cast %add3A_478 : i32 to index
          %swap3A_480 = tpu.vector_load %arg10[%swap3A_479] {strides = array<i32>} : memref<768xi32, #tpu.memory_space<vmem>>, vector<16xi32>,
          tpu.vector_store %arg10[%swap3A_479], %broadcast_in_dim3A_41 {strides = array<i32>} : memref<768xi32, #tpu.memory_space<vmem>>, vector<16xi32>,
          %scan3A_481 = arith.constant 3 : i32
          %scan3A_482 = arith.addi %scan3A_392, %scan3A_481 : i32
          %mul3A_483 = arith.constant 1 : i32
          %mul3A_484 = arith.muli %scan3A_482, %mul3A_483 : i32
          %add3A_485 = arith.constant 0 : i32
          %add3A_486 = arith.addi %add3A_485, %mul3A_484 : i32
          %mul3A_487 = arith.constant 256 : i32
          %mul3A_488 = arith.muli %sub3A_324, %mul3A_487 : i32
          %mul3A_489 = arith.constant 16 : i32
          %mul3A_490 = arith.muli %add3A_486, %mul3A_489 : i32
          %add3A_491 = arith.addi %mul3A_488, %mul3A_490 : i32
          %add3A_492 = vector.broadcast %add3A_491 : i32 to vector<16xi32>
          %add3A_493 = arith.addi %add3A_492, %iota3A : vector<16xi32>
          %mul3A_494 = arith.constant 16 : i32
          %mul3A_495 = arith.muli %add3A, %mul3A_494 : i32
          %add3A_496 = vector.broadcast %mul3A_495 : i32 to vector<16xi32>
          %add3A_497 = arith.addi %add3A_493, %add3A_496 : vector<16xi32>
          %and3A_498 = arith.constant 32767 : i32
          %and3A_499 = vector.broadcast %and3A_498 : i32 to vector<16xi32>
          %and3A_500 = arith.andi %add3A_497, %and3A_499 : vector<16xi32>
          %mul3A_501 = arith.constant 16 : i32
          %mul3A_502 = arith.muli %add3A_486, %mul3A_501 : i32
          %add3A_503 = arith.addi %mul3A_332, %mul3A_502 : i32
          %swap3A_504 = arith.index_cast %add3A_503 : i32 to index
          %swap3A_505 = tpu.vector_load %arg9[%swap3A_504] {strides = array<i32>} : memref<768xi32, #tpu.memory_space<vmem>>, vector<16xi32>,
          tpu.vector_store %arg9[%swap3A_504], %and3A_500 {strides = array<i32>} : memref<768xi32, #tpu.memory_space<vmem>>, vector<16xi32>,
          %mul3A_506 = arith.constant 16 : i32
          %mul3A_507 = arith.muli %add3A_486, %mul3A_506 : i32
          %add3A_508 = arith.addi %mul3A_332, %mul3A_507 : i32
          %swap3A_509 = arith.index_cast %add3A_508 : i32 to index
          %swap3A_510 = tpu.vector_load %arg10[%swap3A_509] {strides = array<i32>} : memref<768xi32, #tpu.memory_space<vmem>>, vector<16xi32>,
          tpu.vector_store %arg10[%swap3A_509], %broadcast_in_dim3A_41 {strides = array<i32>} : memref<768xi32, #tpu.memory_space<vmem>>, vector<16xi32>,
        }
        %scan3A_337 = arith.constant 16 : i32
        %scan3A_338 = arith.constant 0 : i32
        %scan3A_339 = arith.constant 0 : i32
        %scan3A_340 = arith.constant 16 : i32
        %scan3A_341 = arith.addi %scan3A_339, %scan3A_340 : i32
        %scan3A_342 = arith.constant 1 : i32
        %scan3A_343 = scf.for %scan3A_392 = %scan3A_339 to %scan3A_341 step %scan3A_342 iter_args(%scan3A_393 = %scan3A_338) -> (i32)  : i32 {
          %mul3A_394 = arith.constant 1 : i32
          %mul3A_395 = arith.muli %scan3A_392, %mul3A_394 : i32
          %add3A_396 = arith.constant 0 : i32
          %add3A_397 = arith.addi %add3A_396, %mul3A_395 : i32
          %mul3A_398 = arith.constant 256 : i32
          %mul3A_399 = arith.muli %sub3A_324, %mul3A_398 : i32
          %mul3A_400 = arith.constant 16 : i32
          %mul3A_401 = arith.muli %add3A_397, %mul3A_400 : i32
          %add3A_402 = arith.addi %mul3A_399, %mul3A_401 : i32
          %get3A_403 = arith.index_cast %add3A_402 : i32 to index
          %get3A_404 = tpu.vector_load %arg8[%get3A_403] {strides = array<i32>} : memref<8192xi32, #tpu.memory_space<vmem>>, vector<16xi32>,
          %ge3A_405 = arith.constant 0 : i32
          %ge3A_406 = vector.broadcast %ge3A_405 : i32 to vector<16xi32>
          %ge3A_407 = arith.cmpi sge, %get3A_404, %ge3A_406 : vector<16xi32>
          %convert_element_type3A_408 = arith.extui %ge3A_407 : vector<16xi1> to vector<16xi32>
          %add3A_409 = arith.addi %mul3A_332, %scan3A_393 : i32
          %broadcast_in_dim3A_410 = arith.constant true
          %broadcast_in_dim3A_411 = vector.broadcast %broadcast_in_dim3A_410 : i1 to vector<16xi1>
          %masked_cumsum3A = tpu.scan <sum>, %convert_element_type3A_408 masked %broadcast_in_dim3A_411 : vector<16xi32>, vector<16xi1> -> vector<16xi32>
          %add3A_412 = vector.broadcast %add3A_409 : i32 to vector<16xi32>
          %add3A_413 = arith.addi %add3A_412, %masked_cumsum3A : vector<16xi32>
          %sub3A_414 = arith.constant 1 : i32
          %sub3A_415 = vector.broadcast %sub3A_414 : i32 to vector<16xi32>
          %sub3A_416 = arith.subi %add3A_413, %sub3A_415 : vector<16xi32>
          tpu.vector_store_idx %arg9[%sub3A_416], %get3A_404 masked %ge3A_407 : memref<768xi32, #tpu.memory_space<vmem>>[vector<16xi32>], vector<16xi32>, vector<16xi1>
          %mul3A_417 = arith.constant 16 : i32
          %mul3A_418 = arith.muli %add3A_397, %mul3A_417 : i32
          %add3A_419 = vector.broadcast %mul3A_418 : i32 to vector<16xi32>
          %add3A_420 = arith.addi %add3A_419, %iota3A : vector<16xi32>
          tpu.vector_store_idx %arg10[%sub3A_416], %add3A_420 masked %ge3A_407 : memref<768xi32, #tpu.memory_space<vmem>>[vector<16xi32>], vector<16xi32>, vector<16xi1>
          %reduce_sum3A = arith.constant true
          %reduce_sum3A_421 = vector.broadcast %reduce_sum3A : i1 to vector<16xi1>
          %reduce_sum3A_422 = tpu.scan <sum>, %convert_element_type3A_408 masked %reduce_sum3A_421 : vector<16xi32>, vector<16xi1> -> vector<16xi32>
          %reduce_sum3A_423 = vector.extract %reduce_sum3A_422[15] : i32 from vector<16xi32>
          %add3A_424 = arith.addi %scan3A_393, %reduce_sum3A_423 : i32
          scf.yield %add3A_424 : i32
        }
        %scan3A_344 = arith.constant 16 : i32
        %add3A_345 = arith.constant 31 : i32
        %add3A_346 = arith.addi %scan3A_343, %add3A_345 : i32
        %jit3A_347 = arith.constant 32 : i32
        %div3A_348 = arith.divsi %add3A_346, %jit3A_347 : i32
        %sign3A_349 = arith.constant 0 : i32
        %sign3A_350 = arith.cmpi sgt, %add3A_346, %sign3A_349 : i32
        %sign3A_351 = arith.extui %sign3A_350 : i1 to i32
        %sign3A_352 = arith.constant 0 : i32
        %sign3A_353 = arith.cmpi slt, %add3A_346, %sign3A_352 : i32
        %sign3A_354 = arith.extui %sign3A_353 : i1 to i32
        %sign3A_355 = arith.subi %sign3A_351, %sign3A_354 : i32
        %sign3A_356 = arith.constant 0 : i32
        %sign3A_357 = arith.cmpi sgt, %jit3A_347, %sign3A_356 : i32
        %sign3A_358 = arith.extui %sign3A_357 : i1 to i32
        %sign3A_359 = arith.constant 0 : i32
        %sign3A_360 = arith.cmpi slt, %jit3A_347, %sign3A_359 : i32
        %sign3A_361 = arith.extui %sign3A_360 : i1 to i32
        %sign3A_362 = arith.subi %sign3A_358, %sign3A_361 : i32
        %ne3A_363 = arith.cmpi ne, %sign3A_355, %sign3A_362 : i32
        %rem3A_364 = arith.remsi %add3A_346, %jit3A_347 : i32
        %ne3A_365 = arith.constant 0 : i32
        %ne3A_366 = arith.cmpi ne, %rem3A_364, %ne3A_365 : i32
        %and3A_367 = arith.andi %ne3A_363, %ne3A_366 : i1
        %sub3A_368 = arith.constant 1 : i32
        %sub3A_369 = arith.subi %div3A_348, %sub3A_368 : i32
        %select_n3A_370 = arith.select %and3A_367, %sub3A_369, %div3A_348 : i32
        %swap3A_371 = arith.index_cast %sub3A_324 : i32 to index
        %swap3A_372 = memref.load %arg13[%swap3A_371] : memref<32xi32, #tpu.memory_space<smem>>
        memref.store %select_n3A_370, %arg13[%swap3A_371] : memref<32xi32, #tpu.memory_space<smem>>
        %sub3A_373 = arith.constant 0 : i32
        %sub3A_374 = arith.subi %select_n3A_370, %sub3A_373 : i32
        %sub3A_375 = arith.constant 1 : i32
        %sub3A_376 = arith.constant 1 : i32
        %sub3A_377 = arith.subi %sub3A_375, %sub3A_376 : i32
        %add3A_378 = arith.addi %sub3A_374, %sub3A_377 : i32
        %div3A_379 = arith.constant 1 : i32
        %div3A_380 = arith.divsi %add3A_378, %div3A_379 : i32
        %while3A_381 = arith.constant 1 : i32
        %while3A_382 = arith.constant 0 : i32
        %while3A_383 = arith.constant 0 : i32
        %while3A_384 = arith.subi %div3A_380, %while3A_383 : i32
        %while3A_385 = arith.addi %while3A_383, %while3A_384 : i32
        %while3A_386 = arith.constant 1 : i32
        %while3A_387 = arith.divsi %while3A_384, %while3A_386 : i32
        %while3A_388 = arith.muli %while3A_387, %while3A_386 : i32
        %while3A_389 = arith.addi %while3A_383, %while3A_388 : i32
        %while3A_390 = arith.constant 1 : i32
        scf.for %while3A_392 = %while3A_383 to %while3A_389 step %while3A_390  : i32 {
          %mul3A_393 = arith.muli %while3A_392, %while3A_381 : i32
          %add3A_394 = arith.addi %while3A_382, %mul3A_393 : i32
          %mul3A_395 = arith.constant 32 : i32
          %mul3A_396 = arith.muli %add3A_394, %mul3A_395 : i32
          %add3A_397 = arith.addi %mul3A_332, %mul3A_396 : i32
          %mul3A_398 = arith.constant 32 : i32
          %mul3A_399 = arith.muli %add3A_394, %mul3A_398 : i32
          %add3A_400 = arith.addi %mul3A_332, %mul3A_399 : i32
          %dma_start3A_401 = arith.constant 0 : i32
          %dma_start3A_402 = tpu.memref_slice %arg11[%add3A_400, %dma_start3A_401] : memref<768x64xf32, #tpu.memory_space<vmem>> -> memref<32x64xf32, #tpu.memory_space<vmem>>
          %dma_start3A_403 = tpu.memref_slice %arg9[%add3A_397] : memref<768xi32, #tpu.memory_space<vmem>> -> memref<32xi32, #tpu.memory_space<vmem>>
          %dma_start3A_404 = arith.constant 0 : i32
          %dma_start3A_405 = arith.constant 0 : i32
          %dma_start3A_406 = tpu.memref_slice %arg3[%dma_start3A_404, %dma_start3A_405] : memref<32768x64xf32, #tpu.memory_space<hbm>> -> memref<32768x64xf32, #tpu.memory_space<hbm>>
          tpu.enqueue_indirect_dma source(%dma_start3A_406 : memref<32768x64xf32, #tpu.memory_space<hbm>>) target(%dma_start3A_402 : memref<32x64xf32, #tpu.memory_space<vmem>>) offsets(%dma_start3A_403 : memref<32xi32, #tpu.memory_space<vmem>>) semaphore(%arg15 : memref<!tpu.dma_semaphore, #tpu.memory_space<semaphore_mem>>)
        }
        %while3A_391 = arith.constant 1 : i32
        scf.for %while3A_392 = %while3A_389 to %while3A_385 step %while3A_391  : i32 {
          %mul3A_393 = arith.muli %while3A_392, %while3A_381 : i32
          %add3A_394 = arith.addi %while3A_382, %mul3A_393 : i32
          %mul3A_395 = arith.constant 32 : i32
          %mul3A_396 = arith.muli %add3A_394, %mul3A_395 : i32
          %add3A_397 = arith.addi %mul3A_332, %mul3A_396 : i32
          %mul3A_398 = arith.constant 32 : i32
          %mul3A_399 = arith.muli %add3A_394, %mul3A_398 : i32
          %add3A_400 = arith.addi %mul3A_332, %mul3A_399 : i32
          %dma_start3A_401 = arith.constant 0 : i32
          %dma_start3A_402 = tpu.memref_slice %arg11[%add3A_400, %dma_start3A_401] : memref<768x64xf32, #tpu.memory_space<vmem>> -> memref<32x64xf32, #tpu.memory_space<vmem>>
          %dma_start3A_403 = tpu.memref_slice %arg9[%add3A_397] : memref<768xi32, #tpu.memory_space<vmem>> -> memref<32xi32, #tpu.memory_space<vmem>>
          %dma_start3A_404 = arith.constant 0 : i32
          %dma_start3A_405 = arith.constant 0 : i32
          %dma_start3A_406 = tpu.memref_slice %arg3[%dma_start3A_404, %dma_start3A_405] : memref<32768x64xf32, #tpu.memory_space<hbm>> -> memref<32768x64xf32, #tpu.memory_space<hbm>>
          tpu.enqueue_indirect_dma source(%dma_start3A_406 : memref<32768x64xf32, #tpu.memory_space<hbm>>) target(%dma_start3A_402 : memref<32x64xf32, #tpu.memory_space<vmem>>) offsets(%dma_start3A_403 : memref<32xi32, #tpu.memory_space<vmem>>) semaphore(%arg15 : memref<!tpu.dma_semaphore, #tpu.memory_space<semaphore_mem>>)
        }
      } else {
      }
      %ge3A = arith.constant 2 : i32
      "tpu.trace_stop"() : () -> ()
      "tpu.trace_start"() <{level = 10 : i32, message = "drain_out"}> : () -> ()
      %ge3A_227 = arith.cmpi sge, %add3A_192, %ge3A : i32
      %convert_element_type3A_228 = arith.extui %ge3A_227 : i1 to i32
      %cond3A_229 = arith.constant 0 : i32
      %cond3A_230 = arith.cmpi ne, %convert_element_type3A_228, %cond3A_229 : i32
      scf.if %cond3A_230 {
        %dma_wait3A_321 = arith.constant 0 : i32
        %dma_wait3A_322 = arith.constant 0 : i32
        %dma_wait3A_323 = arith.constant 0 : i32
        %dma_wait3A_324 = arith.constant 0 : i32
        %dma_wait3A_325 = tpu.memref_slice %arg12[%dma_wait3A_323, %dma_wait3A_324] : memref<128x272xf32, #tpu.memory_space<vmem>> -> memref<64x256xf32, #tpu.memory_space<vmem>>
        %dma_wait3A_326 = arith.constant 0 : i32
        %dma_wait3A_327 = arith.constant 0 : i32
        %dma_wait3A_328 = tpu.memref_slice %arg4[%dma_wait3A_321, %dma_wait3A_326, %dma_wait3A_322, %dma_wait3A_327] : memref<4x64x256x256xf32, #tpu.memory_space<hbm>> -> memref<1x64x1x256xf32, #tpu.memory_space<hbm>>
        %dma_wait3A_329 = tpu.memref_squeeze %dma_wait3A_328 : memref<1x64x1x256xf32, #tpu.memory_space<hbm>> -> memref<64x256xf32, #tpu.memory_space<hbm>>
        %dma_wait3A_330 = arith.constant 0 : i32
        %dma_wait3A_331 = arith.constant 0 : i32
        %dma_wait3A_332 = tpu.memref_slice %arg4[%dma_wait3A_321, %dma_wait3A_330, %dma_wait3A_322, %dma_wait3A_331] : memref<4x64x256x256xf32, #tpu.memory_space<hbm>> -> memref<1x64x1x256xf32, #tpu.memory_space<hbm>>
        %dma_wait3A_333 = tpu.memref_squeeze %dma_wait3A_332 : memref<1x64x1x256xf32, #tpu.memory_space<hbm>> -> memref<64x256xf32, #tpu.memory_space<hbm>>
        %dma_wait3A_334 = arith.constant 0 : i32
        %dma_wait3A_335 = arith.constant 0 : i32
        %dma_wait3A_336 = tpu.memref_slice %arg12[%dma_wait3A_334, %dma_wait3A_335] : memref<128x272xf32, #tpu.memory_space<vmem>> -> memref<64x256xf32, #tpu.memory_space<vmem>>
        tpu.wait_dma2 semaphore(%arg16 : memref<!tpu.dma_semaphore, #tpu.memory_space<semaphore_mem>>) src(%dma_wait3A_336 : memref<64x256xf32, #tpu.memory_space<vmem>>) dst(%dma_wait3A_333 : memref<64x256xf32, #tpu.memory_space<hbm>>)
      } else {
      }
      "tpu.trace_stop"() : () -> ()
      "tpu.trace_start"() <{level = 10 : i32, message = "zero_stage"}> : () -> ()
      %scan3A_231 = arith.constant 0 : i32
      %scan3A_232 = arith.constant 64 : i32
      %scan3A_233 = arith.addi %scan3A_231, %scan3A_232 : i32
      %scan3A_234 = arith.constant 1 : i32
      scf.for %scan3A_321 = %scan3A_231 to %scan3A_233 step %scan3A_234  : i32 {
        %mul3A_322 = arith.constant 1 : i32
        %mul3A_323 = arith.muli %scan3A_321, %mul3A_322 : i32
        %add3A_324 = arith.constant 0 : i32
        %add3A_325 = arith.addi %add3A_324, %mul3A_323 : i32
        %scan3A_326 = arith.constant 0 : i32
        %scan3A_327 = arith.constant 16 : i32
        %scan3A_328 = arith.addi %scan3A_326, %scan3A_327 : i32
        %scan3A_329 = arith.constant 8 : i32
        scf.for %scan3A_331 = %scan3A_326 to %scan3A_328 step %scan3A_329  : i32 {
          %mul3A_332 = arith.constant 1 : i32
          %mul3A_333 = arith.muli %scan3A_331, %mul3A_332 : i32
          %add3A_334 = arith.constant 0 : i32
          %add3A_335 = arith.addi %add3A_334, %mul3A_333 : i32
          %add3A_336 = arith.addi %mul3A_198, %add3A_325 : i32
          %mul3A_337 = arith.constant 16 : i32
          %mul3A_338 = arith.muli %add3A_335, %mul3A_337 : i32
          %swap3A_339 = arith.index_cast %add3A_336 : i32 to index
          %swap3A_340 = arith.index_cast %mul3A_338 : i32 to index
          %swap3A_341 = tpu.vector_load %arg12[%swap3A_339, %swap3A_340] {strides = array<i32>} : memref<128x272xf32, #tpu.memory_space<vmem>>, vector<16xf32>,
          tpu.vector_store %arg12[%swap3A_339, %swap3A_340], %broadcast_in_dim3A_3 {strides = array<i32>} : memref<128x272xf32, #tpu.memory_space<vmem>>, vector<16xf32>,
          %scan3A_342 = arith.constant 1 : i32
          %scan3A_343 = arith.addi %scan3A_331, %scan3A_342 : i32
          %mul3A_344 = arith.constant 1 : i32
          %mul3A_345 = arith.muli %scan3A_343, %mul3A_344 : i32
          %add3A_346 = arith.constant 0 : i32
          %add3A_347 = arith.addi %add3A_346, %mul3A_345 : i32
          %add3A_348 = arith.addi %mul3A_198, %add3A_325 : i32
          %mul3A_349 = arith.constant 16 : i32
          %mul3A_350 = arith.muli %add3A_347, %mul3A_349 : i32
          %swap3A_351 = arith.index_cast %add3A_348 : i32 to index
          %swap3A_352 = arith.index_cast %mul3A_350 : i32 to index
          %swap3A_353 = tpu.vector_load %arg12[%swap3A_351, %swap3A_352] {strides = array<i32>} : memref<128x272xf32, #tpu.memory_space<vmem>>, vector<16xf32>,
          tpu.vector_store %arg12[%swap3A_351, %swap3A_352], %broadcast_in_dim3A_3 {strides = array<i32>} : memref<128x272xf32, #tpu.memory_space<vmem>>, vector<16xf32>,
          %scan3A_354 = arith.constant 2 : i32
          %scan3A_355 = arith.addi %scan3A_331, %scan3A_354 : i32
          %mul3A_356 = arith.constant 1 : i32
          %mul3A_357 = arith.muli %scan3A_355, %mul3A_356 : i32
          %add3A_358 = arith.constant 0 : i32
          %add3A_359 = arith.addi %add3A_358, %mul3A_357 : i32
          %add3A_360 = arith.addi %mul3A_198, %add3A_325 : i32
          %mul3A_361 = arith.constant 16 : i32
          %mul3A_362 = arith.muli %add3A_359, %mul3A_361 : i32
          %swap3A_363 = arith.index_cast %add3A_360 : i32 to index
          %swap3A_364 = arith.index_cast %mul3A_362 : i32 to index
          %swap3A_365 = tpu.vector_load %arg12[%swap3A_363, %swap3A_364] {strides = array<i32>} : memref<128x272xf32, #tpu.memory_space<vmem>>, vector<16xf32>,
          tpu.vector_store %arg12[%swap3A_363, %swap3A_364], %broadcast_in_dim3A_3 {strides = array<i32>} : memref<128x272xf32, #tpu.memory_space<vmem>>, vector<16xf32>,
          %scan3A_366 = arith.constant 3 : i32
          %scan3A_367 = arith.addi %scan3A_331, %scan3A_366 : i32
          %mul3A_368 = arith.constant 1 : i32
          %mul3A_369 = arith.muli %scan3A_367, %mul3A_368 : i32
          %add3A_370 = arith.constant 0 : i32
          %add3A_371 = arith.addi %add3A_370, %mul3A_369 : i32
          %add3A_372 = arith.addi %mul3A_198, %add3A_325 : i32
          %mul3A_373 = arith.constant 16 : i32
          %mul3A_374 = arith.muli %add3A_371, %mul3A_373 : i32
          %swap3A_375 = arith.index_cast %add3A_372 : i32 to index
          %swap3A_376 = arith.index_cast %mul3A_374 : i32 to index
          %swap3A_377 = tpu.vector_load %arg12[%swap3A_375, %swap3A_376] {strides = array<i32>} : memref<128x272xf32, #tpu.memory_space<vmem>>, vector<16xf32>,
          tpu.vector_store %arg12[%swap3A_375, %swap3A_376], %broadcast_in_dim3A_3 {strides = array<i32>} : memref<128x272xf32, #tpu.memory_space<vmem>>, vector<16xf32>,
          %scan3A_378 = arith.constant 4 : i32
          %scan3A_379 = arith.addi %scan3A_331, %scan3A_378 : i32
          %mul3A_380 = arith.constant 1 : i32
          %mul3A_381 = arith.muli %scan3A_379, %mul3A_380 : i32
          %add3A_382 = arith.constant 0 : i32
          %add3A_383 = arith.addi %add3A_382, %mul3A_381 : i32
          %add3A_384 = arith.addi %mul3A_198, %add3A_325 : i32
          %mul3A_385 = arith.constant 16 : i32
          %mul3A_386 = arith.muli %add3A_383, %mul3A_385 : i32
          %swap3A_387 = arith.index_cast %add3A_384 : i32 to index
          %swap3A_388 = arith.index_cast %mul3A_386 : i32 to index
          %swap3A_389 = tpu.vector_load %arg12[%swap3A_387, %swap3A_388] {strides = array<i32>} : memref<128x272xf32, #tpu.memory_space<vmem>>, vector<16xf32>,
          tpu.vector_store %arg12[%swap3A_387, %swap3A_388], %broadcast_in_dim3A_3 {strides = array<i32>} : memref<128x272xf32, #tpu.memory_space<vmem>>, vector<16xf32>,
          %scan3A_390 = arith.constant 5 : i32
          %scan3A_391 = arith.addi %scan3A_331, %scan3A_390 : i32
          %mul3A_392 = arith.constant 1 : i32
          %mul3A_393 = arith.muli %scan3A_391, %mul3A_392 : i32
          %add3A_394 = arith.constant 0 : i32
          %add3A_395 = arith.addi %add3A_394, %mul3A_393 : i32
          %add3A_396 = arith.addi %mul3A_198, %add3A_325 : i32
          %mul3A_397 = arith.constant 16 : i32
          %mul3A_398 = arith.muli %add3A_395, %mul3A_397 : i32
          %swap3A_399 = arith.index_cast %add3A_396 : i32 to index
          %swap3A_400 = arith.index_cast %mul3A_398 : i32 to index
          %swap3A_401 = tpu.vector_load %arg12[%swap3A_399, %swap3A_400] {strides = array<i32>} : memref<128x272xf32, #tpu.memory_space<vmem>>, vector<16xf32>,
          tpu.vector_store %arg12[%swap3A_399, %swap3A_400], %broadcast_in_dim3A_3 {strides = array<i32>} : memref<128x272xf32, #tpu.memory_space<vmem>>, vector<16xf32>,
          %scan3A_402 = arith.constant 6 : i32
          %scan3A_403 = arith.addi %scan3A_331, %scan3A_402 : i32
          %mul3A_404 = arith.constant 1 : i32
          %mul3A_405 = arith.muli %scan3A_403, %mul3A_404 : i32
          %add3A_406 = arith.constant 0 : i32
          %add3A_407 = arith.addi %add3A_406, %mul3A_405 : i32
          %add3A_408 = arith.addi %mul3A_198, %add3A_325 : i32
          %mul3A_409 = arith.constant 16 : i32
          %mul3A_410 = arith.muli %add3A_407, %mul3A_409 : i32
          %swap3A_411 = arith.index_cast %add3A_408 : i32 to index
          %swap3A_412 = arith.index_cast %mul3A_410 : i32 to index
          %swap3A_413 = tpu.vector_load %arg12[%swap3A_411, %swap3A_412] {strides = array<i32>} : memref<128x272xf32, #tpu.memory_space<vmem>>, vector<16xf32>,
          tpu.vector_store %arg12[%swap3A_411, %swap3A_412], %broadcast_in_dim3A_3 {strides = array<i32>} : memref<128x272xf32, #tpu.memory_space<vmem>>, vector<16xf32>,
          %scan3A_414 = arith.constant 7 : i32
          %scan3A_415 = arith.addi %scan3A_331, %scan3A_414 : i32
          %mul3A_416 = arith.constant 1 : i32
          %mul3A_417 = arith.muli %scan3A_415, %mul3A_416 : i32
          %add3A_418 = arith.constant 0 : i32
          %add3A_419 = arith.addi %add3A_418, %mul3A_417 : i32
          %add3A_420 = arith.addi %mul3A_198, %add3A_325 : i32
          %mul3A_421 = arith.constant 16 : i32
          %mul3A_422 = arith.muli %add3A_419, %mul3A_421 : i32
          %swap3A_423 = arith.index_cast %add3A_420 : i32 to index
          %swap3A_424 = arith.index_cast %mul3A_422 : i32 to index
          %swap3A_425 = tpu.vector_load %arg12[%swap3A_423, %swap3A_424] {strides = array<i32>} : memref<128x272xf32, #tpu.memory_space<vmem>>, vector<16xf32>,
          tpu.vector_store %arg12[%swap3A_423, %swap3A_424], %broadcast_in_dim3A_3 {strides = array<i32>} : memref<128x272xf32, #tpu.memory_space<vmem>>, vector<16xf32>,
        }
        %scan3A_330 = arith.constant 16 : i32
      }
      %scan3A_235 = arith.constant 64 : i32
      "tpu.trace_stop"() : () -> ()
      "tpu.trace_start"() <{level = 10 : i32, message = "transpose"}> : () -> ()
      %sub3A_236 = arith.constant 0 : i32
      %sub3A_237 = arith.subi %get3A_201, %sub3A_236 : i32
      %sub3A_238 = arith.constant 1 : i32
      %sub3A_239 = arith.constant 1 : i32
      %sub3A_240 = arith.subi %sub3A_238, %sub3A_239 : i32
      %add3A_241 = arith.addi %sub3A_237, %sub3A_240 : i32
      %div3A_242 = arith.constant 1 : i32
      %div3A_243 = arith.divsi %add3A_241, %div3A_242 : i32
      %while3A_244 = arith.constant 1 : i32
      %while3A_245 = arith.constant 0 : i32
      %while3A_246 = arith.constant 0 : i32
      %while3A_247 = arith.subi %div3A_243, %while3A_246 : i32
      %while3A_248 = arith.addi %while3A_246, %while3A_247 : i32
      %while3A_249 = arith.constant 1 : i32
      %while3A_250 = arith.divsi %while3A_247, %while3A_249 : i32
      %while3A_251 = arith.muli %while3A_250, %while3A_249 : i32
      %while3A_252 = arith.addi %while3A_246, %while3A_251 : i32
      %while3A_253 = arith.constant 1 : i32
      scf.for %while3A_321 = %while3A_246 to %while3A_252 step %while3A_253  : i32 {
        %mul3A_322 = arith.muli %while3A_321, %while3A_244 : i32
        %add3A_323 = arith.addi %while3A_245, %mul3A_322 : i32
        %scan3A_324 = arith.constant 0 : i32
        %scan3A_325 = arith.constant 2 : i32
        %scan3A_326 = arith.addi %scan3A_324, %scan3A_325 : i32
        %scan3A_327 = arith.constant 1 : i32
        scf.for %scan3A_329 = %scan3A_324 to %scan3A_326 step %scan3A_327  : i32 {
          %mul3A_330 = arith.constant 1 : i32
          %mul3A_331 = arith.muli %scan3A_329, %mul3A_330 : i32
          %add3A_332 = arith.constant 0 : i32
          %add3A_333 = arith.addi %add3A_332, %mul3A_331 : i32
          %mul3A_334 = arith.constant 32 : i32
          %mul3A_335 = arith.muli %add3A_323, %mul3A_334 : i32
          %add3A_336 = arith.addi %mul3A_200, %mul3A_335 : i32
          %mul3A_337 = arith.constant 16 : i32
          %mul3A_338 = arith.muli %add3A_333, %mul3A_337 : i32
          %add3A_339 = arith.addi %add3A_336, %mul3A_338 : i32
          %get3A_340 = arith.index_cast %add3A_339 : i32 to index
          %get3A_341 = tpu.vector_load %arg10[%get3A_340] {strides = array<i32>} : memref<768xi32, #tpu.memory_space<vmem>>, vector<16xi32>,
          %mul3A_342 = arith.constant 32 : i32
          %mul3A_343 = arith.muli %add3A_323, %mul3A_342 : i32
          %add3A_344 = arith.addi %mul3A_200, %mul3A_343 : i32
          %mul3A_345 = arith.constant 16 : i32
          %mul3A_346 = arith.muli %add3A_333, %mul3A_345 : i32
          %add3A_347 = arith.addi %add3A_344, %mul3A_346 : i32
          %add3A_348 = vector.broadcast %add3A_347 : i32 to vector<16xi32>
          %add3A_349 = arith.addi %add3A_348, %iota3A : vector<16xi32>
          %scan3A_350 = arith.constant 0 : i32
          %scan3A_351 = arith.constant 64 : i32
          %scan3A_352 = arith.addi %scan3A_350, %scan3A_351 : i32
          %scan3A_353 = arith.constant 4 : i32
          scf.for %scan3A_355 = %scan3A_350 to %scan3A_352 step %scan3A_353  : i32 {
            %mul3A_356 = arith.constant 1 : i32
            %mul3A_357 = arith.muli %scan3A_355, %mul3A_356 : i32
            %add3A_358 = arith.constant 0 : i32
            %add3A_359 = arith.addi %add3A_358, %mul3A_357 : i32
            %broadcast_in_dim3A_360 = vector.broadcast %add3A_359 : i32 to vector<16xi32>
            %gather3A = tpu.vector_load_idx %arg11[%add3A_349, %broadcast_in_dim3A_360] : memref<768x64xf32, #tpu.memory_space<vmem>>[vector<16xi32>, vector<16xi32>], vector<16xf32>,
            %add3A_361 = arith.addi %mul3A_198, %add3A_359 : i32
            %broadcast_in_dim3A_362 = vector.broadcast %add3A_361 : i32 to vector<16xi32>
            tpu.vector_store_idx %arg12[%broadcast_in_dim3A_362, %get3A_341], %gather3A : memref<128x272xf32, #tpu.memory_space<vmem>>[vector<16xi32>, vector<16xi32>], vector<16xf32>,
            %scan3A_363 = arith.constant 1 : i32
            %scan3A_364 = arith.addi %scan3A_355, %scan3A_363 : i32
            %mul3A_365 = arith.constant 1 : i32
            %mul3A_366 = arith.muli %scan3A_364, %mul3A_365 : i32
            %add3A_367 = arith.constant 0 : i32
            %add3A_368 = arith.addi %add3A_367, %mul3A_366 : i32
            %broadcast_in_dim3A_369 = vector.broadcast %add3A_368 : i32 to vector<16xi32>
            %gather3A_370 = tpu.vector_load_idx %arg11[%add3A_349, %broadcast_in_dim3A_369] : memref<768x64xf32, #tpu.memory_space<vmem>>[vector<16xi32>, vector<16xi32>], vector<16xf32>,
            %add3A_371 = arith.addi %mul3A_198, %add3A_368 : i32
            %broadcast_in_dim3A_372 = vector.broadcast %add3A_371 : i32 to vector<16xi32>
            tpu.vector_store_idx %arg12[%broadcast_in_dim3A_372, %get3A_341], %gather3A_370 : memref<128x272xf32, #tpu.memory_space<vmem>>[vector<16xi32>, vector<16xi32>], vector<16xf32>,
            %scan3A_373 = arith.constant 2 : i32
            %scan3A_374 = arith.addi %scan3A_355, %scan3A_373 : i32
            %mul3A_375 = arith.constant 1 : i32
            %mul3A_376 = arith.muli %scan3A_374, %mul3A_375 : i32
            %add3A_377 = arith.constant 0 : i32
            %add3A_378 = arith.addi %add3A_377, %mul3A_376 : i32
            %broadcast_in_dim3A_379 = vector.broadcast %add3A_378 : i32 to vector<16xi32>
            %gather3A_380 = tpu.vector_load_idx %arg11[%add3A_349, %broadcast_in_dim3A_379] : memref<768x64xf32, #tpu.memory_space<vmem>>[vector<16xi32>, vector<16xi32>], vector<16xf32>,
            %add3A_381 = arith.addi %mul3A_198, %add3A_378 : i32
            %broadcast_in_dim3A_382 = vector.broadcast %add3A_381 : i32 to vector<16xi32>
            tpu.vector_store_idx %arg12[%broadcast_in_dim3A_382, %get3A_341], %gather3A_380 : memref<128x272xf32, #tpu.memory_space<vmem>>[vector<16xi32>, vector<16xi32>], vector<16xf32>,
            %scan3A_383 = arith.constant 3 : i32
            %scan3A_384 = arith.addi %scan3A_355, %scan3A_383 : i32
            %mul3A_385 = arith.constant 1 : i32
            %mul3A_386 = arith.muli %scan3A_384, %mul3A_385 : i32
            %add3A_387 = arith.constant 0 : i32
            %add3A_388 = arith.addi %add3A_387, %mul3A_386 : i32
            %broadcast_in_dim3A_389 = vector.broadcast %add3A_388 : i32 to vector<16xi32>
            %gather3A_390 = tpu.vector_load_idx %arg11[%add3A_349, %broadcast_in_dim3A_389] : memref<768x64xf32, #tpu.memory_space<vmem>>[vector<16xi32>, vector<16xi32>], vector<16xf32>,
            %add3A_391 = arith.addi %mul3A_198, %add3A_388 : i32
            %broadcast_in_dim3A_392 = vector.broadcast %add3A_391 : i32 to vector<16xi32>
            tpu.vector_store_idx %arg12[%broadcast_in_dim3A_392, %get3A_341], %gather3A_390 : memref<128x272xf32, #tpu.memory_space<vmem>>[vector<16xi32>, vector<16xi32>], vector<16xf32>,
          }
          %scan3A_354 = arith.constant 64 : i32
        }
        %scan3A_328 = arith.constant 2 : i32
      }
      %while3A_254 = arith.constant 1 : i32
      scf.for %while3A_321 = %while3A_252 to %while3A_248 step %while3A_254  : i32 {
        %mul3A_322 = arith.muli %while3A_321, %while3A_244 : i32
        %add3A_323 = arith.addi %while3A_245, %mul3A_322 : i32
        %scan3A_324 = arith.constant 0 : i32
        %scan3A_325 = arith.constant 2 : i32
        %scan3A_326 = arith.addi %scan3A_324, %scan3A_325 : i32
        %scan3A_327 = arith.constant 1 : i32
        scf.for %scan3A_329 = %scan3A_324 to %scan3A_326 step %scan3A_327  : i32 {
          %mul3A_330 = arith.constant 1 : i32
          %mul3A_331 = arith.muli %scan3A_329, %mul3A_330 : i32
          %add3A_332 = arith.constant 0 : i32
          %add3A_333 = arith.addi %add3A_332, %mul3A_331 : i32
          %mul3A_334 = arith.constant 32 : i32
          %mul3A_335 = arith.muli %add3A_323, %mul3A_334 : i32
          %add3A_336 = arith.addi %mul3A_200, %mul3A_335 : i32
          %mul3A_337 = arith.constant 16 : i32
          %mul3A_338 = arith.muli %add3A_333, %mul3A_337 : i32
          %add3A_339 = arith.addi %add3A_336, %mul3A_338 : i32
          %get3A_340 = arith.index_cast %add3A_339 : i32 to index
          %get3A_341 = tpu.vector_load %arg10[%get3A_340] {strides = array<i32>} : memref<768xi32, #tpu.memory_space<vmem>>, vector<16xi32>,
          %mul3A_342 = arith.constant 32 : i32
          %mul3A_343 = arith.muli %add3A_323, %mul3A_342 : i32
          %add3A_344 = arith.addi %mul3A_200, %mul3A_343 : i32
          %mul3A_345 = arith.constant 16 : i32
          %mul3A_346 = arith.muli %add3A_333, %mul3A_345 : i32
          %add3A_347 = arith.addi %add3A_344, %mul3A_346 : i32
          %add3A_348 = vector.broadcast %add3A_347 : i32 to vector<16xi32>
          %add3A_349 = arith.addi %add3A_348, %iota3A : vector<16xi32>
          %scan3A_350 = arith.constant 0 : i32
          %scan3A_351 = arith.constant 64 : i32
          %scan3A_352 = arith.addi %scan3A_350, %scan3A_351 : i32
          %scan3A_353 = arith.constant 4 : i32
          scf.for %scan3A_355 = %scan3A_350 to %scan3A_352 step %scan3A_353  : i32 {
            %mul3A_356 = arith.constant 1 : i32
            %mul3A_357 = arith.muli %scan3A_355, %mul3A_356 : i32
            %add3A_358 = arith.constant 0 : i32
            %add3A_359 = arith.addi %add3A_358, %mul3A_357 : i32
            %broadcast_in_dim3A_360 = vector.broadcast %add3A_359 : i32 to vector<16xi32>
            %gather3A = tpu.vector_load_idx %arg11[%add3A_349, %broadcast_in_dim3A_360] : memref<768x64xf32, #tpu.memory_space<vmem>>[vector<16xi32>, vector<16xi32>], vector<16xf32>,
            %add3A_361 = arith.addi %mul3A_198, %add3A_359 : i32
            %broadcast_in_dim3A_362 = vector.broadcast %add3A_361 : i32 to vector<16xi32>
            tpu.vector_store_idx %arg12[%broadcast_in_dim3A_362, %get3A_341], %gather3A : memref<128x272xf32, #tpu.memory_space<vmem>>[vector<16xi32>, vector<16xi32>], vector<16xf32>,
            %scan3A_363 = arith.constant 1 : i32
            %scan3A_364 = arith.addi %scan3A_355, %scan3A_363 : i32
            %mul3A_365 = arith.constant 1 : i32
            %mul3A_366 = arith.muli %scan3A_364, %mul3A_365 : i32
            %add3A_367 = arith.constant 0 : i32
            %add3A_368 = arith.addi %add3A_367, %mul3A_366 : i32
            %broadcast_in_dim3A_369 = vector.broadcast %add3A_368 : i32 to vector<16xi32>
            %gather3A_370 = tpu.vector_load_idx %arg11[%add3A_349, %broadcast_in_dim3A_369] : memref<768x64xf32, #tpu.memory_space<vmem>>[vector<16xi32>, vector<16xi32>], vector<16xf32>,
            %add3A_371 = arith.addi %mul3A_198, %add3A_368 : i32
            %broadcast_in_dim3A_372 = vector.broadcast %add3A_371 : i32 to vector<16xi32>
            tpu.vector_store_idx %arg12[%broadcast_in_dim3A_372, %get3A_341], %gather3A_370 : memref<128x272xf32, #tpu.memory_space<vmem>>[vector<16xi32>, vector<16xi32>], vector<16xf32>,
            %scan3A_373 = arith.constant 2 : i32
            %scan3A_374 = arith.addi %scan3A_355, %scan3A_373 : i32
            %mul3A_375 = arith.constant 1 : i32
            %mul3A_376 = arith.muli %scan3A_374, %mul3A_375 : i32
            %add3A_377 = arith.constant 0 : i32
            %add3A_378 = arith.addi %add3A_377, %mul3A_376 : i32
            %broadcast_in_dim3A_379 = vector.broadcast %add3A_378 : i32 to vector<16xi32>
            %gather3A_380 = tpu.vector_load_idx %arg11[%add3A_349, %broadcast_in_dim3A_379] : memref<768x64xf32, #tpu.memory_space<vmem>>[vector<16xi32>, vector<16xi32>], vector<16xf32>,
            %add3A_381 = arith.addi %mul3A_198, %add3A_378 : i32
            %broadcast_in_dim3A_382 = vector.broadcast %add3A_381 : i32 to vector<16xi32>
            tpu.vector_store_idx %arg12[%broadcast_in_dim3A_382, %get3A_341], %gather3A_380 : memref<128x272xf32, #tpu.memory_space<vmem>>[vector<16xi32>, vector<16xi32>], vector<16xf32>,
            %scan3A_383 = arith.constant 3 : i32
            %scan3A_384 = arith.addi %scan3A_355, %scan3A_383 : i32
            %mul3A_385 = arith.constant 1 : i32
            %mul3A_386 = arith.muli %scan3A_384, %mul3A_385 : i32
            %add3A_387 = arith.constant 0 : i32
            %add3A_388 = arith.addi %add3A_387, %mul3A_386 : i32
            %broadcast_in_dim3A_389 = vector.broadcast %add3A_388 : i32 to vector<16xi32>
            %gather3A_390 = tpu.vector_load_idx %arg11[%add3A_349, %broadcast_in_dim3A_389] : memref<768x64xf32, #tpu.memory_space<vmem>>[vector<16xi32>, vector<16xi32>], vector<16xf32>,
            %add3A_391 = arith.addi %mul3A_198, %add3A_388 : i32
            %broadcast_in_dim3A_392 = vector.broadcast %add3A_391 : i32 to vector<16xi32>
            tpu.vector_store_idx %arg12[%broadcast_in_dim3A_392, %get3A_341], %gather3A_390 : memref<128x272xf32, #tpu.memory_space<vmem>>[vector<16xi32>, vector<16xi32>], vector<16xf32>,
          }
          %scan3A_354 = arith.constant 64 : i32
        }
        %scan3A_328 = arith.constant 2 : i32
      }
      "tpu.trace_stop"() : () -> ()
      %mul3A_255 = arith.constant 256 : i32
      %mul3A_256 = arith.muli %add3A_192, %mul3A_255 : i32
      %add3A_257 = arith.addi %mul3A_2, %mul3A_256 : i32
      %jit3A_258 = arith.constant 65536 : i32
      %div3A_259 = arith.divsi %add3A_257, %jit3A_258 : i32
      %sign3A_260 = arith.constant 0 : i32
      %sign3A_261 = arith.cmpi sgt, %add3A_257, %sign3A_260 : i32
      %sign3A_262 = arith.extui %sign3A_261 : i1 to i32
      %sign3A_263 = arith.constant 0 : i32
      %sign3A_264 = arith.cmpi slt, %add3A_257, %sign3A_263 : i32
      %sign3A_265 = arith.extui %sign3A_264 : i1 to i32
      %sign3A_266 = arith.subi %sign3A_262, %sign3A_265 : i32
      %sign3A_267 = arith.constant 0 : i32
      %sign3A_268 = arith.cmpi sgt, %jit3A_258, %sign3A_267 : i32
      %sign3A_269 = arith.extui %sign3A_268 : i1 to i32
      %sign3A_270 = arith.constant 0 : i32
      %sign3A_271 = arith.cmpi slt, %jit3A_258, %sign3A_270 : i32
      %sign3A_272 = arith.extui %sign3A_271 : i1 to i32
      %sign3A_273 = arith.subi %sign3A_269, %sign3A_272 : i32
      %ne3A_274 = arith.cmpi ne, %sign3A_266, %sign3A_273 : i32
      %rem3A_275 = arith.remsi %add3A_257, %jit3A_258 : i32
      %ne3A_276 = arith.constant 0 : i32
      %ne3A_277 = arith.cmpi ne, %rem3A_275, %ne3A_276 : i32
      %and3A_278 = arith.andi %ne3A_274, %ne3A_277 : i1
      %sub3A_279 = arith.constant 1 : i32
      %sub3A_280 = arith.subi %div3A_259, %sub3A_279 : i32
      %select_n3A_281 = arith.select %and3A_278, %sub3A_280, %div3A_259 : i32
      %mul3A_282 = arith.constant 65536 : i32
      %mul3A_283 = arith.muli %select_n3A_281, %mul3A_282 : i32
      %sub3A_284 = arith.subi %add3A_257, %mul3A_283 : i32
      %jit3A_285 = arith.constant 256 : i32
      %div3A_286 = arith.divsi %sub3A_284, %jit3A_285 : i32
      %sign3A_287 = arith.constant 0 : i32
      %sign3A_288 = arith.cmpi sgt, %sub3A_284, %sign3A_287 : i32
      %sign3A_289 = arith.extui %sign3A_288 : i1 to i32
      %sign3A_290 = arith.constant 0 : i32
      %sign3A_291 = arith.cmpi slt, %sub3A_284, %sign3A_290 : i32
      %sign3A_292 = arith.extui %sign3A_291 : i1 to i32
      %sign3A_293 = arith.subi %sign3A_289, %sign3A_292 : i32
      %sign3A_294 = arith.constant 0 : i32
      %sign3A_295 = arith.cmpi sgt, %jit3A_285, %sign3A_294 : i32
      %sign3A_296 = arith.extui %sign3A_295 : i1 to i32
      %sign3A_297 = arith.constant 0 : i32
      %sign3A_298 = arith.cmpi slt, %jit3A_285, %sign3A_297 : i32
      %sign3A_299 = arith.extui %sign3A_298 : i1 to i32
      %sign3A_300 = arith.subi %sign3A_296, %sign3A_299 : i32
      %ne3A_301 = arith.cmpi ne, %sign3A_293, %sign3A_300 : i32
      %rem3A_302 = arith.remsi %sub3A_284, %jit3A_285 : i32
      %ne3A_303 = arith.constant 0 : i32
      %ne3A_304 = arith.cmpi ne, %rem3A_302, %ne3A_303 : i32
      %and3A_305 = arith.andi %ne3A_301, %ne3A_304 : i1
      %sub3A_306 = arith.constant 1 : i32
      %sub3A_307 = arith.subi %div3A_286, %sub3A_306 : i32
      %select_n3A_308 = arith.select %and3A_305, %sub3A_307, %div3A_286 : i32
      "tpu.trace_start"() <{level = 10 : i32, message = "fire_out"}> : () -> ()
      %dma_start3A_309 = arith.constant 0 : i32
      %dma_start3A_310 = tpu.memref_slice %arg12[%mul3A_198, %dma_start3A_309] : memref<128x272xf32, #tpu.memory_space<vmem>> -> memref<64x256xf32, #tpu.memory_space<vmem>>
      %dma_start3A_311 = arith.constant 0 : i32
      %dma_start3A_312 = arith.constant 0 : i32
      %dma_start3A_313 = tpu.memref_slice %arg4[%select_n3A_281, %dma_start3A_311, %select_n3A_308, %dma_start3A_312] : memref<4x64x256x256xf32, #tpu.memory_space<hbm>> -> memref<1x64x1x256xf32, #tpu.memory_space<hbm>>
      %dma_start3A_314 = tpu.memref_squeeze %dma_start3A_313 : memref<1x64x1x256xf32, #tpu.memory_space<hbm>> -> memref<64x256xf32, #tpu.memory_space<hbm>>
      %dma_start3A_315 = arith.constant 0 : i32
      %dma_start3A_316 = arith.constant 0 : i32
      %dma_start3A_317 = tpu.memref_slice %arg4[%select_n3A_281, %dma_start3A_315, %select_n3A_308, %dma_start3A_316] : memref<4x64x256x256xf32, #tpu.memory_space<hbm>> -> memref<1x64x1x256xf32, #tpu.memory_space<hbm>>
      %dma_start3A_318 = tpu.memref_squeeze %dma_start3A_317 : memref<1x64x1x256xf32, #tpu.memory_space<hbm>> -> memref<64x256xf32, #tpu.memory_space<hbm>>
      %dma_start3A_319 = arith.constant 0 : i32
      %dma_start3A_320 = tpu.memref_slice %arg12[%mul3A_198, %dma_start3A_319] : memref<128x272xf32, #tpu.memory_space<vmem>> -> memref<64x256xf32, #tpu.memory_space<vmem>>
      tpu.enqueue_dma source(%dma_start3A_320 : memref<64x256xf32, #tpu.memory_space<vmem>>) target(%dma_start3A_318 : memref<64x256xf32, #tpu.memory_space<hbm>>) target_semaphore(%arg16 : memref<!tpu.dma_semaphore, #tpu.memory_space<semaphore_mem>>)
      "tpu.trace_stop"() : () -> ()
    }
    %scan3A_156 = arith.constant 32 : i32
    %dma_wait3A = arith.constant 0 : i32
    %dma_wait3A_157 = arith.constant 0 : i32
    %dma_wait3A_158 = arith.constant 0 : i32
    %dma_wait3A_159 = arith.constant 0 : i32
    %dma_wait3A_160 = tpu.memref_slice %arg12[%dma_wait3A_158, %dma_wait3A_159] : memref<128x272xf32, #tpu.memory_space<vmem>> -> memref<64x256xf32, #tpu.memory_space<vmem>>
    %dma_wait3A_161 = arith.constant 0 : i32
    %dma_wait3A_162 = arith.constant 0 : i32
    %dma_wait3A_163 = tpu.memref_slice %arg4[%dma_wait3A, %dma_wait3A_161, %dma_wait3A_157, %dma_wait3A_162] : memref<4x64x256x256xf32, #tpu.memory_space<hbm>> -> memref<1x64x1x256xf32, #tpu.memory_space<hbm>>
    %dma_wait3A_164 = tpu.memref_squeeze %dma_wait3A_163 : memref<1x64x1x256xf32, #tpu.memory_space<hbm>> -> memref<64x256xf32, #tpu.memory_space<hbm>>
    %dma_wait3A_165 = arith.constant 0 : i32
    %dma_wait3A_166 = arith.constant 0 : i32
    %dma_wait3A_167 = tpu.memref_slice %arg4[%dma_wait3A, %dma_wait3A_165, %dma_wait3A_157, %dma_wait3A_166] : memref<4x64x256x256xf32, #tpu.memory_space<hbm>> -> memref<1x64x1x256xf32, #tpu.memory_space<hbm>>
    %dma_wait3A_168 = tpu.memref_squeeze %dma_wait3A_167 : memref<1x64x1x256xf32, #tpu.memory_space<hbm>> -> memref<64x256xf32, #tpu.memory_space<hbm>>
    %dma_wait3A_169 = arith.constant 0 : i32
    %dma_wait3A_170 = arith.constant 0 : i32
    %dma_wait3A_171 = tpu.memref_slice %arg12[%dma_wait3A_169, %dma_wait3A_170] : memref<128x272xf32, #tpu.memory_space<vmem>> -> memref<64x256xf32, #tpu.memory_space<vmem>>
    tpu.wait_dma2 semaphore(%arg16 : memref<!tpu.dma_semaphore, #tpu.memory_space<semaphore_mem>>) src(%dma_wait3A_171 : memref<64x256xf32, #tpu.memory_space<vmem>>) dst(%dma_wait3A_168 : memref<64x256xf32, #tpu.memory_space<hbm>>)
    %dma_wait3A_172 = arith.constant 0 : i32
    %dma_wait3A_173 = arith.constant 0 : i32
    %dma_wait3A_174 = arith.constant 0 : i32
    %dma_wait3A_175 = arith.constant 0 : i32
    %dma_wait3A_176 = tpu.memref_slice %arg12[%dma_wait3A_174, %dma_wait3A_175] : memref<128x272xf32, #tpu.memory_space<vmem>> -> memref<64x256xf32, #tpu.memory_space<vmem>>
    %dma_wait3A_177 = arith.constant 0 : i32
    %dma_wait3A_178 = arith.constant 0 : i32
    %dma_wait3A_179 = tpu.memref_slice %arg4[%dma_wait3A_172, %dma_wait3A_177, %dma_wait3A_173, %dma_wait3A_178] : memref<4x64x256x256xf32, #tpu.memory_space<hbm>> -> memref<1x64x1x256xf32, #tpu.memory_space<hbm>>
    %dma_wait3A_180 = tpu.memref_squeeze %dma_wait3A_179 : memref<1x64x1x256xf32, #tpu.memory_space<hbm>> -> memref<64x256xf32, #tpu.memory_space<hbm>>
    %dma_wait3A_181 = arith.constant 0 : i32
    %dma_wait3A_182 = arith.constant 0 : i32
    %dma_wait3A_183 = tpu.memref_slice %arg4[%dma_wait3A_172, %dma_wait3A_181, %dma_wait3A_173, %dma_wait3A_182] : memref<4x64x256x256xf32, #tpu.memory_space<hbm>> -> memref<1x64x1x256xf32, #tpu.memory_space<hbm>>
    %dma_wait3A_184 = tpu.memref_squeeze %dma_wait3A_183 : memref<1x64x1x256xf32, #tpu.memory_space<hbm>> -> memref<64x256xf32, #tpu.memory_space<hbm>>
    %dma_wait3A_185 = arith.constant 0 : i32
    %dma_wait3A_186 = arith.constant 0 : i32
    %dma_wait3A_187 = tpu.memref_slice %arg12[%dma_wait3A_185, %dma_wait3A_186] : memref<128x272xf32, #tpu.memory_space<vmem>> -> memref<64x256xf32, #tpu.memory_space<vmem>>
    tpu.wait_dma2 semaphore(%arg16 : memref<!tpu.dma_semaphore, #tpu.memory_space<semaphore_mem>>) src(%dma_wait3A_187 : memref<64x256xf32, #tpu.memory_space<vmem>>) dst(%dma_wait3A_184 : memref<64x256xf32, #tpu.memory_space<hbm>>)
    return
  }
}

</mosaic_0001>

<sc_bundles>
// kernel: _scatter_bev.3.cloned.1.call-start
scs
__scs_entry_jumppad:
0x0: {  	(pc) =	sbr.rel $0x88, $3  }
0x1: {  	(tag) =	ssettag $0x0;
	lr =	simm.s32 $0x1  }
0x2: {  	[smem:$0x3F9F] =	sst lr;
	_ =	strace $0xD0000000  }
0x3: {  	_ = 	snop  }
0x4: {  	_ = 	snop  }
0x5: {  	_ = 	snop  }
0x6: {  	_ = 	snop  }
0x7: {  	_ = 	snop  }
__scs_overlays_trampoline_lowered:
0x8: {  	[smem:$0x3FAE] =	sst s0  }
0x9: {  	[smem:$0x3FAF] =	sst s1  }
0xa: {  	[smem:$0x3FB0] =	sst s2  }
0xb: {  	[smem:$0x3FB1] =	sst s3  }
0xc: {  	[smem:$0x3FB2] =	sst s4  }
0xd: {  	[smem:$0x3FB3] =	sst s5  }
0xe: {  	[smem:$0x3FB4] =	sst s6  }
0xf: {  	[smem:$0x3FB5] =	sst s7  }
0x10: {  	[smem:$0x3FB6] =	sst s8  }
0x11: {  	[smem:$0x3FB7] =	sst s9;
	s0 =	simm.s32 @!p0 $0x0  }
0x12: {  	s1 =	sld [smem:$0x3F9D];
	s0 =	simm.s32 @p0 $0x1  }
0x13: {  	[smem:$0x3FB8] =	sst s0;
	s0 =	simm.s32 @!p1 $0x0  }
0x14: {  	s2 =	sld [smem:$0x3F9C];
	s0 =	simm.s32 @p1 $0x1  }
0x15: {  	[smem:$0x3FB9] =	sst s0;
	s0 =	simm.s32 @!p2 $0x0  }
0x16: {  	s3 =	sld [smem:$0x3FDB];
	s0 =	simm.s32 @p2 $0x1  }
0x17: {  	s4 =	simm.s32 $0x1BF5;
	[smem:$0x3FBB] =	sst s0  }
0x18: {  	s0 =	sld [smem:$0x3F9E];
	_ =	swait.ge [sflag:s4], $0x0  }
0x19: {  	s7 =	sld [smem:$0x3F9F]  }
0x1a: {  	s8 =	sadd.s32 $0xFFFFE003, lr  }
0x1b: {  	s9 =	sadd.s32 $0xFFFFFEF7, lr;
	s5 =	simm.s32 $0xFFFFFFFF;
	p2 =	slt.u32 s8, $0xFFFFF086  }
0x1c: {  	p1 =	slt.u32 s9, $0xF7A;
	s5 =	simm.s32 @!p2 $0x0  }
0x1d: {  	s5 =	simm.s32 @p1 $0x1;
	p0 =	seq.s32 s7, s2  }
0x1e: {  	s7 =	smul.u32 @!p0 $0xF7A, s2;
	p2 =	seq.s32 @!p0 s5, $0x0  }
0x1f: {  	s9 =	smul.u32 $0xF7A, s1;
	s8 =	simm.s32 @!p0 $0x1BF5;
	p2 =	por !p2, p0  }
0x20: {  	[sflag:s8] =	ssyncset.s32 @!p0 $0xFFFFF086;
	s6 =	sadd.s32 @!p0 s3, s7;
	s7 =	simm.s32 @!p0 $0x108  }
0x21: {  	s3 =	sadd.s32 s3, s9;
	s6 =	sadd.s32 @!p0 $0x88, s6;
	s7 =	simm.s32 @p2 $0x1082  }
0x22: {  	[simem:s7], [sflag:s8] =	dma.local @!p0 [hbm:s6], $0xF7A  }
0x23: {  	s9 =	sor.u32 $0xD0000000, s2;
	s6 =	simm.s32 $0x108;
	_ =	swait.ge @!p0 [sflag:s8], $0x0  }
0x24: {  	s3 =	sadd.s32 $0x88, s3;
	s6 =	simm.s32 @!p1 $0x1082;
	[sflag:s4] =	ssyncset.s32 $0xFFFFF086  }
0x25: {  	[simem:s6], [sflag:s4] =	dma.local [hbm:s3], $0xF7A  }
0x26: {  	[smem:$0x3F9F] =	sst s1;
	(tag) =	ssettag s2;
	_ =	strace s9  }
0x27: {  	s1 =	sld [smem:$0x3FAF]  }
0x28: {  	s2 =	sld [smem:$0x3FB0]  }
0x29: {  	s4 =	sld [smem:$0x3FB2]  }
0x2a: {  	p0 =	seq.s32 s5, $0x0;
	s5 =	sld [smem:$0x3FB3]  }
0x2b: {  	s6 =	sld [smem:$0x3FB4]  }
0x2c: {  	s7 =	sld [smem:$0x3FB5]  }
0x2d: {  	s3 =	simm.s32 $0x108;
	s8 =	sld [smem:$0x3FB6]  }
0x2e: {  	s3 =	simm.s32 @!p0 $0x1082;
	s9 =	sld [smem:$0x3FB7]  }
0x2f: {  	lr =	sadd.s32 s0, s3;
	s0 =	sld [smem:$0x3FAE]  }
0x30: {  	s3 =	sld [smem:$0x3FB1]  }
0x31: {  	[smem:$0x3FBA] =	sst s10  }
0x32: {  	s10 =	sld [smem:$0x3FB8];
	_ =	sdelay $0x3  }
0x33: {  	p0 =	seq.s32 s10, $0x1;
	s10 =	sld [smem:$0x3FBA];
	_ =	sdelay $0x3  }
0x34: {  	[smem:$0x3FBA] =	sst s10  }
0x35: {  	s10 =	sld [smem:$0x3FB9];
	_ =	sdelay $0x3  }
0x36: {  	p1 =	seq.s32 s10, $0x1;
	s10 =	sld [smem:$0x3FBA];
	_ =	sdelay $0x3  }
0x37: {  	[smem:$0x3FBA] =	sst s10  }
0x38: {  	s10 =	sld [smem:$0x3FBB]  }
0x39: {  	_ = 	snop;
	(pc) =	sbr.ind lr, $3  }
0x3a: {  	_ = 	snop  }
0x3b: {  	_ = 	snop  }
0x3c: {  	p2 =	seq.s32 s10, $0x1;
	s10 =	sld [smem:$0x3FBA]  }
0x3d: {  	_ =	shalt  }
0x3e: {  	_ =	shalt  }
0x3f: {  	_ =	shalt  }
0x40: {  	_ =	shalt  }
0x41: {  	_ =	shalt  }
0x42: {  	_ =	shalt  }
0x43: {  	_ =	shalt  }
0x44: {  	_ =	shalt  }
0x45: {  	_ =	shalt  }
0x46: {  	_ =	shalt  }
0x47: {  	_ =	shalt  }
0x48: {  	_ =	shalt  }
0x49: {  	_ =	shalt  }
0x4a: {  	_ =	shalt  }
0x4b: {  	_ =	shalt  }
0x4c: {  	_ =	shalt  }
0x4d: {  	_ =	shalt  }
0x4e: {  	_ =	shalt  }
0x4f: {  	_ =	shalt  }
0x50: {  	_ =	shalt  }
0x51: {  	_ =	shalt  }
0x52: {  	_ =	shalt  }
0x53: {  	_ =	shalt  }
0x54: {  	_ =	shalt  }
0x55: {  	_ =	shalt  }
0x56: {  	_ =	shalt  }
0x57: {  	_ =	shalt  }
0x58: {  	_ =	shalt  }
0x59: {  	_ =	shalt  }
0x5a: {  	_ =	shalt  }
0x5b: {  	_ =	shalt  }
0x5c: {  	_ =	shalt  }
0x5d: {  	_ =	shalt  }
0x5e: {  	_ =	shalt  }
0x5f: {  	_ =	shalt  }
0x60: {  	_ =	shalt  }
0x61: {  	_ =	shalt  }
0x62: {  	_ =	shalt  }
0x63: {  	_ =	shalt  }
0x64: {  	_ =	shalt  }
0x65: {  	_ =	shalt  }
0x66: {  	_ =	shalt  }
0x67: {  	_ =	shalt  }
0x68: {  	_ =	shalt  }
0x69: {  	_ =	shalt  }
0x6a: {  	_ =	shalt  }
0x6b: {  	_ =	shalt  }
0x6c: {  	_ =	shalt  }
0x6d: {  	_ =	shalt  }
0x6e: {  	_ =	shalt  }
0x6f: {  	_ =	shalt  }
0x70: {  	_ =	shalt  }
0x71: {  	_ =	shalt  }
0x72: {  	_ =	shalt  }
0x73: {  	_ =	shalt  }
0x74: {  	_ =	shalt  }
0x75: {  	_ =	shalt  }
0x76: {  	_ =	shalt  }
0x77: {  	_ =	shalt  }
0x78: {  	_ =	shalt  }
0x79: {  	_ =	shalt  }
0x7a: {  	_ =	shalt  }
0x7b: {  	_ =	shalt  }
0x7c: {  	_ =	shalt  }
0x7d: {  	_ =	shalt  }
0x7e: {  	_ =	shalt  }
0x7f: {  	_ =	shalt  }
0x80: {  	_ =	shalt  }
0x81: {  	_ =	shalt  }
0x82: {  	_ =	shalt  }
0x83: {  	_ =	shalt  }
0x84: {  	_ =	shalt  }
0x85: {  	_ =	shalt  }
0x86: {  	_ =	shalt  }
0x87: {  	_ =	shalt  }
.Lfunc_end0:
.L_simem_size_0:
called_computation_lowered:
.L_overlay_start_0:
0x88: {  	s2 =	sld [smem:$0x3FD9]  }
0x89: {  	s3 =	sld [smem:$0x3FFE];
	_ =	sdelay $0x1  }
0x8a: {  	s1 =	srdreg.scid  }
0x8b: {  	s0 =	sand.u32 $0x1, s1  }
0x8c: {  	s17 =	sshll.u32 s0, $0xA;
	s2 =	sadd.s32 s3, s2  }
0x8d: {  	s2 =	sadd.s32 s2, s17  }
0x8e: {  	[smem:$0x3FC6] =	sst s2  }
0x8f: {  	_ = 	snop  }
0x90: {  	s2 =	sld [smem:$0x3FD0];
	(tm) =	ssettm $0x1  }
0x91: {  	s18 =	sld [smem:$0x3FFB];
	_ =	sdelay $0x3  }
0x92: {  	_ =	strace s18  }
0x93: {  	s3 =	sld [smem:$0x3FFC];
	_ =	sdelay $0x3  }
0x94: {  	_ =	strace s3  }
0x95: {  	s3 =	sld [smem:$0x3FFD];
	_ =	sdelay $0x3  }
0x96: {  	_ =	strace s3  }
0x97: {  	_ =	strace $0x8FFFFFFF  }
0x98: {  	s19 =	sld [smem:$0x3FDB];
	_ =	sdelay $0x1  }
0x99: {  	s4 =	simm.s32 $_scs_section_size  }
0x9a: {  	s5 =	simm.s32 $_size__tile_overlayer_lowered;
	s6 =	simm.s32 $_tile_overlayer_lowered  }
0x9b: {  	s22 =	simm.s32 $0x1BFF;
	s21 =	sshll.u32 s6, $0x1;
	s3 =	sadd.s32 s4, s19  }
0x9c: {  	s7 =	simm.s32 $0x0;
	s20 =	sshll.u32 s5, $0x1;
	s5 =	sadd.s32 s21, s3  }
0x9d: {  	[timem:s7], [sflag:s22] =	dma.local [hbm:s5], s20  }
0x9e: {  	_ =	swait.ge [sflag:s22], s20  }
0x9f: {  	s4 =	ssub.s32 $0x0, s20;
	[sflag:s22] =	ssyncset.done $0x0  }
0xa0: {  	[sflag:s22] =	ssyncadd.s32 s4;
	_ =	sdelay $0x1  }
0xa1: {  	s23 =	simm.s32 $0x1B8B  }
0xa2: {  	_ =	swait.ge [sflag:s23], $0x1  }
0xa3: {  	[sflag:s23] =	ssyncset.done $0x0  }
0xa4: {  	s25 =	simm.s32 $0x1B8E;
	s24 =	sld [smem:$0x3FFE];
	[sflag:s23] =	ssyncadd.s32 $0xFFFFFFFF  }
0xa5: {  	s26 =	simm.s32 $execute0_lowered;
	[smem:$0x3FD2] =	sst s25  }
0xa6: {  	s5 =	sshll.u32 s26, $0x1;
	_ =	strace $0x80000046;
	[dreg:$0x1] =	wrdreg $0xFFFFFFFF  }
0xa7: {  	s28 =	simm.s32 $_size_execute0_lowered;
	s3 =	sadd.s32 s3, s5;
	[dreg:$0x0] =	wrdreg $0x0  }
0xa8: {  	s5 =	sshll.u32 s28, $0x1;
	[dreg:$0x2] =	wrdreg s3  }
0xa9: {  	[dreg:$0x3] =	wrdreg s5  }
0xaa: {  	[dreg:$0x4] =	wrdreg $0xC0  }
0xab: {  	_ =	task [dreg:s7], $0x5FFFF  }
0xac: {  	[dreg:$0x1] =	wrdreg $0xFFFFFFFF  }
0xad: {  	[dreg:$0x0] =	wrdreg $0x60  }
0xae: {  	[dreg:$0x2] =	wrdreg s24  }
0xaf: {  	[dreg:$0x3] =	wrdreg s2  }
0xb0: {  	[dreg:$0x4] =	wrdreg $0x28000  }
0xb1: {  	[dreg:$0x5] =	wrdreg $0x9  }
0xb2: {  	_ =	task.clear_ibuf [dreg:s7], $0x6FFFF;
	_ =	strace $0x90000046  }
0xb3: {  	s29 =	simm.s32 $0x9;
	_ =	strace $0x80000050  }
0xb4: {  	_ =	swait.ge [sflag:s29], $0x1  }
0xb5: {  	[sflag:s29] =	ssyncadd.s32 $0xFFFFFFFF  }
0xb6: {  	_ =	strace $0x90000050  }
0xb7: {  	_ =	sfence  }
0xb8: {  	s30 =	sld [smem:$0x0];
	_ =	sdelay $0x2  }
0xb9: {  	s31 =	sshll.u32 s1, $0xD;
	s1 =	sshrl.u32 s1, $0x2  }
0xba: {  	s3 =	sand.u32 $0x4000, s31;
	s1 =	sadd.s32 s1, s30  }
0xbb: {  	s0 =	sor.u32 s3, s0;
	s1 =	sshll.u32 s1, $0x11  }
0xbc: {  	s0 =	sor.u32 s1, s0  }
0xbd: {  	s0 =	sadd.s32 $0x8F2B, s0  }
0xbe: {  	[sflag:s0] =	ssyncadd.remote.s32 $0x1  }
0xbf: {  	_ =	sfence.sel $0xFFFF  }
0xc0: {  	[dreg:$0x0] =	wrdreg $0xFFFFFFFF;
	(pc) =	sbr.abs _section_cstart, $3  }
0xc1: {  	[dreg:$0x1] =	wrdreg $0xFFFFFFFF  }
0xc2: {  	_ =	task.clear_ibuf [dreg:s7], $0x2FFFF;
	_ =	strace $0x9FFFFFFF  }
0xc3: {  	(tm) =	ssettm $0x7FFFFFFF  }
tec
execute0_lowered:
.L_overlay_start_1:
0x0: {  	(tag) =	ssettag $0x1  }
0x1: {  	s0 =	rddreg [dreg:$0x0]  }
0x2: {  	s2 =	rddreg [dreg:$0x1]  }
0x3: {  	s11 =	rddreg [dreg:$0x2];
	s4 =	simm.s32 $0x0;
	s3 =	stileid.u32  }
0x4: {  	s1 =	srdreg.scid;
	s16 =	simm.s32 $0x1;
	s17 =	simm.s32 $0x3000  }
0x5: {  	s18 =	simm.s32 $0x5000;
	s19 =	simm.s32 $0x5300;
	s20 =	simm.s32 $0x20  }
0x6: {  	s21 =	simm.s32 $0x2;
	s22 =	simm.s32 $0x3;
	s23 =	simm.s32 $0x5600  }
0x7: {  	s24 =	simm.s32 $0x11600;
	[smem:$0x7FF] =	sst s4;
	s5 =	sshll.u32 s3, $0x8  }
0x8: {  	s1 =	sand.u32 $0x1, s1;
	s8 =	sshll.u32 s3, $0x1;
	s29 =	sshrl.u32 s3, $0x2  }
0x9: {  	s31 =	sshll.u32 s3, $0xB;
	_ =	strace $0x80000047;
	s6 =	sadd.s32 s5, s0  }
0xa: {  	s7 =	ssub.s32 $0x2, s1;
	s5 =	sadd.s32 $0x3400, s0;
	s1 =	sor.u32 s1, s8  }
0xb: {  	s3 =	sadd.s32 s31, s11;
	s28 =	sshrl.u32 s7, $0x1;
	s8 =	sshll.u32 s1, $0xD  }
0xc: {  	s9 =	sadd.s32 $0x400, s6;
	s30 =	sadd.s32 $0x1400, s6;
	[dreg:$0x7] =	wrdreg s3  }
0xd: {  	s6 =	sadd.s32 $0x2400, s6;
	s1 =	sshll.u32 s1, $0x4;
	[dreg:$0x4] =	wrdreg s9  }
0xe: {  	v1 =	vlaneseq.u32;
	v3 =	vimm.s32 $0xFFFFFFFF;
	s0 =	ssub.s32 s7, s28;
	s7 =	smul.u32 $0x3F0000, s29;
	[dreg:$0x5] =	wrdreg s30  }
0xf: {  	v4 =	vimm.s32 $0x100;
	v5 =	vimm.s32 $0x0;
	v6 =	vimm.f32 $0.0e+00;
	s3 =	simm.s32 $0x4;
	[dreg:$0x6] =	wrdreg s6;
	s0 =	smax.u32 s0, $0x1  }
0x10: {  	v7 =	vmul.u32 $0x40, v1;
	v0 =	vmov s8;
	v2 =	vor.u32 s1, v1;
	s1 =	simm.s32 $0x0;
	s10 =	sadd.s32 s8, s7;
	[dreg:$0x8] =	wrdreg s0  }
.LBB2_1:
0x11: {  	s0 =	simm.s32 $0x3040  }
0x12: {  	[tilespmem:s0+$0xFFFFFFC0] =	vst v3  }
0x13: {  	[tilespmem:s0+$0x30] =	vst v3  }
0x14: {  	[tilespmem:s0+$0x20] =	vst v3  }
0x15: {  	[tilespmem:s0+$0x10] =	vst v3  }
0x16: {  	[tilespmem:s0+$0x0] =	vst v3  }
0x17: {  	[tilespmem:s0+$0xFFFFFFF0] =	vst v3  }
0x18: {  	[dreg:$0x9] =	wrdreg s1;
	s1 =	simm.s32 $0x0;
	[tilespmem:s0+$0xFFFFFFE0] =	vst v3  }
.LBB2_2:
0x19: {  	s1 =	sadd.s32 $0x8, s1;
	[tilespmem:s0+$0xFFFFFFD0] =	vst v3;
	s0 =	sadd.s32 $0x80, s0  }
0x1a: {  	[tilespmem:s0+$0xFFFFFFC0] =	vst v3;
	p0 =	slt.u32 s1, $0x1F8  }
0x1b: {  	[tilespmem:s0+$0x30] =	vst v3  }
.Ltmp0:
0x1c: {  	[tilespmem:s0+$0x20] =	vst v3;
	(pc) =	sbr.rel @p0 .LBB2_2-.Ltmp0, $4  }
0x1d: {  	[tilespmem:s0+$0x10] =	vst v3  }
0x1e: {  	[tilespmem:s0+$0x0] =	vst v3  }
0x1f: {  	[tilespmem:s0+$0xFFFFFFF0] =	vst v3  }
0x20: {  	[tilespmem:s0+$0xFFFFFFE0] =	vst v3  }
0x21: {  	[tilespmem:s0+$0xFFFFFFD0] =	vst v3  }
0x22: {  	_ =	strace $0x80000048  }
0x23: {  	s28 =	rddreg [dreg:$0x4]  }
0x24: {  	[tilespmem:s4], [sflag:$0x4] =	stream.linear.gather [hbm4b:s28+s4], $0x800, $0x200038;
	[tilespmem:$0x19E00] =	vst v63  }
0x25: {  	_ =	swait.ge [sflag:s3], $0x800  }
0x26: {  	[sflag:s3] =	ssyncset.done $0x0  }
0x27: {  	s1 =	simm.s32 $0x800;
	s29 =	rddreg [dreg:$0x5];
	[sflag:s3] =	ssyncadd.s32 $0xFFFFF800  }
0x28: {  	[tilespmem:s1], [sflag:$0x4] =	stream.linear.gather [hbm4b:s29+s4], $0x800, $0x200038;
	[tilespmem:$0x19E00] =	vst v63  }
0x29: {  	_ =	swait.ge [sflag:s3], $0x800  }
0x2a: {  	[sflag:s3] =	ssyncset.done $0x0  }
0x2b: {  	s31 =	simm.s32 $0x1000;
	s30 =	rddreg [dreg:$0x6];
	[sflag:s3] =	ssyncadd.s32 $0xFFFFF800  }
0x2c: {  	[tilespmem:s31], [sflag:$0x4] =	stream.linear.gather [hbm4b:s30+s4], $0x800, $0x200038;
	[tilespmem:$0x19E00] =	vst v63  }
0x2d: {  	_ =	swait.ge [sflag:s3], $0x800  }
0x2e: {  	[sflag:s3] =	ssyncset.done $0x0  }
0x2f: {  	s0 =	simm.s32 $0x820;
	[sflag:s3] =	ssyncadd.s32 $0xFFFFF800  }
0x30: {  	v8 =	vld [tilespmem:s0+$0xFFFFFFE0]  }
0x31: {  	v9 =	vld [tilespmem:s0+$0xFFFFF7E0];
	_ =	sdelay $0x1  }
0x32: {  	v10 =	vld [tilespmem:s0+$0x7E0];
	_ =	sdelay $0x2  }
0x33: {  	v9 =	vshll.u32 v9, $0x10;
	v8 =	vshll.u32 v8, $0x8  }
0x34: {  	v8 =	vadd.s32 v9, v8  }
0x35: {  	s1 =	simm.s32 $0x1820;
	v8 =	vadd.s32 v10, v8  }
0x36: {  	[tilespmem:s1+$0xFFFFFFE0] =	vst v8  }
0x37: {  	v8 =	vld [tilespmem:s0+$0xFFFFF7F0]  }
0x38: {  	v9 =	vld [tilespmem:s0+$0xFFFFFFF0];
	_ =	sdelay $0x1  }
0x39: {  	v10 =	vld [tilespmem:s0+$0x7F0];
	_ =	sdelay $0x2  }
0x3a: {  	v8 =	vshll.u32 v8, $0x10;
	v9 =	vshll.u32 v9, $0x8  }
0x3b: {  	v8 =	vadd.s32 v8, v9  }
0x3c: {  	v8 =	vadd.s32 v10, v8  }
0x3d: {  	[tilespmem:s1+$0xFFFFFFF0] =	vst v8  }
0x3e: {  	v8 =	vld [tilespmem:s0+$0xFFFFF800]  }
0x3f: {  	v9 =	vld [tilespmem:s0+$0x0];
	_ =	sdelay $0x1  }
0x40: {  	v10 =	vld [tilespmem:s0+$0x800];
	_ =	sdelay $0x2  }
0x41: {  	v8 =	vshll.u32 v8, $0x10;
	v9 =	vshll.u32 v9, $0x8  }
0x42: {  	v8 =	vadd.s32 v8, v9  }
0x43: {  	v8 =	vadd.s32 v10, v8  }
0x44: {  	[tilespmem:s1+$0x0] =	vst v8  }
0x45: {  	v9 =	vld [tilespmem:s0+$0xFFFFF810]  }
0x46: {  	v10 =	vld [tilespmem:s0+$0x10]  }
0x47: {  	s7 =	simm.s32 $0x0;
	s6 =	simm.s32 $0x1820;
	v8 =	vld [tilespmem:s0+$0x810]  }
.LBB2_4:
0x48: {  	_ =	sdelay $0x1  }
0x49: {  	s7 =	sadd.s32 $0x4, s7;
	s0 =	sadd.s32 $0x40, s0;
	s1 =	sadd.s32 $0x40, s1  }
0x4a: {  	p0 =	slt.u32 s7, $0x7C;
	v9 =	vshll.u32 v9, $0x10;
	v10 =	vshll.u32 v10, $0x8  }
0x4b: {  	v9 =	vadd.s32 v9, v10  }
0x4c: {  	v8 =	vadd.s32 v8, v9  }
0x4d: {  	[tilespmem:s6+$0x10] =	vst v8;
	s6 =	smov.u32 s1  }
0x4e: {  	v8 =	vld [tilespmem:s0+$0xFFFFFFE0]  }
0x4f: {  	v9 =	vld [tilespmem:s0+$0xFFFFF7E0];
	_ =	sdelay $0x1  }
0x50: {  	v10 =	vld [tilespmem:s0+$0x7E0];
	_ =	sdelay $0x2  }
0x51: {  	v8 =	vshll.u32 v8, $0x8;
	v9 =	vshll.u32 v9, $0x10  }
0x52: {  	v8 =	vadd.s32 v9, v8  }
0x53: {  	v8 =	vadd.s32 v10, v8  }
0x54: {  	[tilespmem:s1+$0xFFFFFFE0] =	vst v8  }
0x55: {  	v8 =	vld [tilespmem:s0+$0xFFFFF7F0]  }
0x56: {  	v9 =	vld [tilespmem:s0+$0xFFFFFFF0];
	_ =	sdelay $0x1  }
0x57: {  	v10 =	vld [tilespmem:s0+$0x7F0];
	_ =	sdelay $0x2  }
0x58: {  	v8 =	vshll.u32 v8, $0x10;
	v9 =	vshll.u32 v9, $0x8  }
0x59: {  	v8 =	vadd.s32 v8, v9  }
0x5a: {  	v8 =	vadd.s32 v10, v8  }
0x5b: {  	[tilespmem:s1+$0xFFFFFFF0] =	vst v8  }
0x5c: {  	v8 =	vld [tilespmem:s0+$0xFFFFF800]  }
0x5d: {  	v9 =	vld [tilespmem:s0+$0x0];
	_ =	sdelay $0x1  }
0x5e: {  	v10 =	vld [tilespmem:s0+$0x800];
	_ =	sdelay $0x1  }
0x5f: {  	v8 =	vshll.u32 v8, $0x10  }
0x60: {  	v9 =	vshll.u32 v9, $0x8  }
0x61: {  	v8 =	vadd.s32 v8, v9  }
.Ltmp1:
0x62: {  	v8 =	vadd.s32 v10, v8;
	(pc) =	sbr.rel @p0 .LBB2_4-.Ltmp1, $4  }
0x63: {  	[tilespmem:s1+$0x0] =	vst v8  }
0x64: {  	v9 =	vld [tilespmem:s0+$0xFFFFF810]  }
0x65: {  	v10 =	vld [tilespmem:s0+$0x10]  }
0x66: {  	v8 =	vld [tilespmem:s0+$0x810]  }
0x67: {  	_ =	sdelay $0x2  }
0x68: {  	v9 =	vshll.u32 v9, $0x10;
	v10 =	vshll.u32 v10, $0x8  }
0x69: {  	v9 =	vadd.s32 v9, v10  }
0x6a: {  	v8 =	vadd.s32 v8, v9  }
0x6b: {  	s0 =	rddreg [dreg:$0x7];
	s1 =	simm.s32 $0x1800;
	[tilespmem:s6+$0x10] =	vst v8  }
0x6c: {  	[spmem:s0] =	stream.linear.scatter [tilespmem:s1], [sflag:$0x4], $0x800, $0x200038;
	[tilespmem:$0x19E00] =	vst v63  }
0x6d: {  	_ =	swait.ge [sflag:s3], $0x800  }
0x6e: {  	[sflag:s3] =	ssyncset.done $0x0  }
0x6f: {  	[sflag:s3] =	ssyncadd.s32 $0xFFFFF800  }
0x70: {  	[bflag:$0x0] =	sbarrier.arrive $0xFFFF  }
0x71: {  	p0 =	por $0x0, $0x0;
	_ =	strace $0x90000048  }
0x72: {  	[tilespmem:s1], [sflag:$0x1] =	stream.linear.gather [spmem:s11], $0x800, $0x38;
	[tilespmem:$0x19E00] =	vst v63  }
0x73: {  	s0 =	simm.s32 $0x70;
	s1 =	simm.s32 $0x0;
	_ =	strace $0x80000049  }
.LBB2_7:
0x74: {  	s6 =	smov.u32 s1;
	s7 =	simm.s32 $0x1;
	s1 =	sadd.s32 $0x1, s1  }
0x75: {  	_ =	swait.ge [sflag:s16], $0x800;
	s7 =	simm.s32 @!p0 $0x0;
	p1 =	seq.s32 s6, $0xF  }
0x76: {  	s6 =	sand.u32 $0x1, s6;
	[sflag:s16] =	ssyncset.done $0x0;
	s8 =	sshll.u32 @!p1 s1, $0xB  }
0x77: {  	s6 =	sshll.u32 @!p1 s6, $0xB;
	[sflag:s16] =	ssyncadd.s32 $0xFFFFF800;
	s8 =	sand.u32 @!p1 $0x3FFFF800, s8  }
0x78: {  	s31 =	sshll.u32 s7, $0xB;
	s6 =	ssub.s32 @!p1 $0x2000, s6;
	s8 =	sadd.s32 @!p1 s8, s11  }
0x79: {  	[tilespmem:s6], [sflag:$0x1] =	stream.linear.gather @!p1 [spmem:s8], $0x800, $0x200038;
	[tilespmem:$0x19E00] =	vst v63  }
0x7a: {  	s7 =	simm.s32 $0xFFFFFFF8;
	s6 =	sadd.s32 $0x1840, s31;
	s8 =	smov.u32 s0  }
.LBB2_8:
0x7b: {  	v8 =	vld [tilespmem:s6+$0xFFFFFFC0];
	_ =	sdelay $0x4  }
0x7c: {  	v8 =	vsub.s32 v8, v0  }
0x7d: {  	vm0 =	vgt.s32 v8, $0x0  }
0x7e: {  	vm1 =	vlt.u32 v8, $0x2000;
	v8 =	vnsel vm0, $0x0, v8  }
0x7f: {  	v8 =	vmin.u32 v8, $0x1FFF;
	_ =	sdelay $0x2  }
0x80: {  	s9 =	sadd.s32 $0xFFFFFF90, s8  }
0x81: {  	v9 =	vor.u32 s9, v1  }
0x82: {  	[tilespmem:v8+s17+$0x0] =	vst.idx.msk vm1, v9  }
0x83: {  	v8 =	vld [tilespmem:s6+$0xFFFFFFD0];
	_ =	sdelay $0x4  }
0x84: {  	v8 =	vsub.s32 v8, v0  }
0x85: {  	vm14 =	vgt.s32 v8, $0x0  }
0x86: {  	vm15 =	vlt.u32 v8, $0x2000;
	v8 =	vnsel vm14, $0x0, v8  }
0x87: {  	v8 =	vmin.u32 v8, $0x1FFF;
	_ =	sdelay $0x2  }
0x88: {  	s25 =	sadd.s32 $0xFFFFFFA0, s8  }
0x89: {  	v57 =	vor.u32 s25, v1  }
0x8a: {  	[tilespmem:v8+s17+$0x0] =	vst.idx.msk vm15, v57  }
0x8b: {  	v8 =	vld [tilespmem:s6+$0xFFFFFFE0];
	_ =	sdelay $0x4  }
0x8c: {  	v8 =	vsub.s32 v8, v0  }
0x8d: {  	vm4 =	vgt.s32 v8, $0x0  }
0x8e: {  	vm5 =	vlt.u32 v8, $0x2000;
	v8 =	vnsel vm4, $0x0, v8  }
0x8f: {  	v8 =	vmin.u32 v8, $0x1FFF;
	_ =	sdelay $0x2  }
0x90: {  	s26 =	sadd.s32 $0xFFFFFFB0, s8  }
0x91: {  	v58 =	vor.u32 s26, v1  }
0x92: {  	[tilespmem:v8+s17+$0x0] =	vst.idx.msk vm5, v58  }
0x93: {  	v8 =	vld [tilespmem:s6+$0xFFFFFFF0];
	_ =	sdelay $0x4  }
0x94: {  	v8 =	vsub.s32 v8, v0  }
0x95: {  	vm6 =	vgt.s32 v8, $0x0  }
0x96: {  	vm7 =	vlt.u32 v8, $0x2000;
	v8 =	vnsel vm6, $0x0, v8  }
0x97: {  	v8 =	vmin.u32 v8, $0x1FFF;
	_ =	sdelay $0x2  }
0x98: {  	s28 =	sadd.s32 $0xFFFFFFC0, s8  }
0x99: {  	v59 =	vor.u32 s28, v1  }
0x9a: {  	[tilespmem:v8+s17+$0x0] =	vst.idx.msk vm7, v59  }
0x9b: {  	v8 =	vld [tilespmem:s6+$0x0];
	_ =	sdelay $0x4  }
0x9c: {  	v8 =	vsub.s32 v8, v0  }
0x9d: {  	vm8 =	vgt.s32 v8, $0x0  }
0x9e: {  	vm9 =	vlt.u32 v8, $0x2000;
	v8 =	vnsel vm8, $0x0, v8  }
0x9f: {  	v8 =	vmin.u32 v8, $0x1FFF;
	_ =	sdelay $0x2  }
0xa0: {  	s29 =	sadd.s32 $0xFFFFFFD0, s8  }
0xa1: {  	v60 =	vor.u32 s29, v1  }
0xa2: {  	[tilespmem:v8+s17+$0x0] =	vst.idx.msk vm9, v60  }
0xa3: {  	v8 =	vld [tilespmem:s6+$0x10];
	_ =	sdelay $0x4  }
0xa4: {  	v8 =	vsub.s32 v8, v0  }
0xa5: {  	vm10 =	vgt.s32 v8, $0x0  }
0xa6: {  	vm11 =	vlt.u32 v8, $0x2000;
	v8 =	vnsel vm10, $0x0, v8  }
0xa7: {  	v8 =	vmin.u32 v8, $0x1FFF;
	_ =	sdelay $0x2  }
0xa8: {  	s30 =	sadd.s32 $0xFFFFFFE0, s8  }
0xa9: {  	v61 =	vor.u32 s30, v1  }
0xaa: {  	[tilespmem:v8+s17+$0x0] =	vst.idx.msk vm11, v61  }
0xab: {  	v8 =	vld [tilespmem:s6+$0x20];
	_ =	sdelay $0x4  }
0xac: {  	v8 =	vsub.s32 v8, v0  }
0xad: {  	vm12 =	vgt.s32 v8, $0x0  }
0xae: {  	vm13 =	vlt.u32 v8, $0x2000;
	v8 =	vnsel vm12, $0x0, v8  }
0xaf: {  	v8 =	vmin.u32 v8, $0x1FFF;
	_ =	sdelay $0x2  }
0xb0: {  	s31 =	sadd.s32 $0xFFFFFFF0, s8  }
0xb1: {  	v62 =	vor.u32 s31, v1  }
0xb2: {  	[tilespmem:v8+s17+$0x0] =	vst.idx.msk vm13, v62  }
0xb3: {  	v8 =	vld [tilespmem:s6+$0x30];
	_ =	sdelay $0x4  }
0xb4: {  	v8 =	vsub.s32 v8, v0  }
0xb5: {  	vm14 =	vgt.s32 v8, $0x0  }
0xb6: {  	s7 =	sadd.s32 $0x8, s7;
	vm15 =	vlt.u32 v8, $0x2000;
	v8 =	vnsel vm14, $0x0, v8  }
0xb7: {  	p1 =	slt.u32 s7, $0x78;
	v8 =	vmin.u32 v8, $0x1FFF  }
.Ltmp2:
0xb8: {  	_ = 	snop;
	(pc) =	sbr.rel @p1 .LBB2_8-.Ltmp2, $3  }
0xb9: {  	_ =	sdelay $0x1  }
0xba: {  	v63 =	vor.u32 s8, v1  }
0xbb: {  	s8 =	sadd.s32 $0x80, s8;
	s6 =	sadd.s32 $0x80, s6;
	[tilespmem:v8+s17+$0x0] =	vst.idx.msk vm15, v63  }
0xbc: {  	p1 =	seq.s32 s1, $0x10  }
.Ltmp3:
0xbd: {  	_ = 	snop;
	(pc) =	sbr.rel @!p1 .LBB2_7-.Ltmp3, $2  }
0xbe: {  	_ =	sdelay $0x2  }
0xbf: {  	s0 =	sadd.s32 $0x800, s0;
	p0 =	por !p0, !p0  }
0xc0: {  	s1 =	simm.s32 $0x0  }
0xc1: {  	v8 =	vadd.s32 s1, v2  }
0xc2: {  	s6 =	simm.s32 $0x5020;
	s0 =	simm.s32 $0x10;
	v8 =	vand.u32 $0x7FFF, v8  }
0xc3: {  	_ =	strace $0x90000049;
	s7 =	simm.s32 $0x5320;
	[tilespmem:s6+$0xFFFFFFE0] =	vst v8;
	v8 =	vadd.s32 s0, v2  }
0xc4: {  	s8 =	simm.s32 $0x20;
	[tilespmem:s7+$0xFFFFFFE0] =	vst v4;
	v8 =	vand.u32 $0x7FFF, v8  }
0xc5: {  	[tilespmem:s6+$0xFFFFFFF0] =	vst v8;
	v8 =	vadd.s32 s8, v2  }
0xc6: {  	s31 =	simm.s32 $0x30;
	[tilespmem:s7+$0xFFFFFFF0] =	vst v4;
	v8 =	vand.u32 $0x7FFF, v8  }
0xc7: {  	[tilespmem:s6+$0x0] =	vst v8;
	v8 =	vadd.s32 s31, v2  }
0xc8: {  	s9 =	simm.s32 $0x40;
	s8 =	simm.s32 $0x0;
	[tilespmem:s7+$0x0] =	vst v4;
	v8 =	vand.u32 $0x7FFF, v8  }
.LBB2_10:
0xc9: {  	v9 =	vadd.s32 s9, v2;
	[tilespmem:s6+$0x10] =	vst v8  }
0xca: {  	s11 =	sadd.s32 $0x10, s9;
	s6 =	sadd.s32 $0x40, s6;
	s8 =	sadd.s32 $0x4, s8;
	v8 =	vand.u32 $0x7FFF, v9;
	[tilespmem:s7+$0x10] =	vst v4  }
0xcb: {  	s7 =	sadd.s32 $0x40, s7;
	p0 =	slt.u32 s8, $0xC;
	[tilespmem:s6+$0xFFFFFFE0] =	vst v8;
	v8 =	vadd.s32 s11, v2  }
.Ltmp4:
0xcc: {  	s11 =	sadd.s32 $0x20, s9;
	[tilespmem:s7+$0xFFFFFFE0] =	vst v4;
	v8 =	vand.u32 $0x7FFF, v8;
	(pc) =	sbr.rel @p0 .LBB2_10-.Ltmp4, $4  }
0xcd: {  	[tilespmem:s6+$0xFFFFFFF0] =	vst v8;
	v8 =	vadd.s32 s11, v2  }
0xce: {  	s11 =	sadd.s32 $0x30, s9;
	[tilespmem:s7+$0xFFFFFFF0] =	vst v4;
	v8 =	vand.u32 $0x7FFF, v8  }
0xcf: {  	[tilespmem:s6+$0x0] =	vst v8;
	v8 =	vadd.s32 s11, v2  }
0xd0: {  	s9 =	sadd.s32 $0x40, s9;
	[tilespmem:s7+$0x0] =	vst v4;
	v8 =	vand.u32 $0x7FFF, v8  }
0xd1: {  	[tilespmem:s6+$0x10] =	vst v8  }
0xd2: {  	s31 =	simm.s32 $0x3000;
	[tilespmem:s7+$0x10] =	vst v4  }
0xd3: {  	v8 =	vld [tilespmem:s31+$0x0];
	_ =	sdelay $0x4  }
0xd4: {  	vm0 =	vgt.s32 v8, $0xFFFFFFFF  }
0xd5: {  	v9 =	vsel vm0, $0x1, v5  }
0xd6: {  	(xrf0) =	vadd.scan.msk.s32 $0xffff, v9;
	_ =	sdelay $0x2  }
0xd7: {  	v9 =	vmov s1  }
0xd8: {  	v9 =	vadd.s32 $0xFFFFFFFF, v9  }
0xd9: {  	v9 =	vbroadcast v9, $0x0  }
0xda: {  	v10, _, _ =	vpop (xrf0)  }
0xdb: {  	v9 =	vadd.s32 v10, v9;
	(v2sf) =	vpush v10, $0xF;
	_ =	sdelay $0x4  }
0xdc: {  	[tilespmem:v9+s18+$0x0] =	vst.idx.msk vm0, v8;
	v8 =	vor.u32 s1, v1  }
0xdd: {  	s6 =	simm.s32 $0x3010;
	[tilespmem:v9+s19+$0x0] =	vst.idx.msk vm0, v8  }
0xde: {  	s7 =	simm.s32 $0x20;
	v8 =	vld [tilespmem:s6+$0x0]  }
.LBB2_12:
0xdf: {  	p0 =	sne.s32 s7, $0xF0;
	_ =	sdelay $0x3  }
0xe0: {  	vm0 =	vgt.s32 v8, $0xFFFFFFFF  }
0xe1: {  	v9 =	vsel vm0, $0x1, v5  }
0xe2: {  	(xrf0) =	vadd.scan.msk.s32 $0xffff, v9  }
0xe3: {  	s8 =	spop (v2sf)  }
0xe4: {  	s1 =	sadd.s32 s1, s8  }
0xe5: {  	v9 =	vmov s1  }
0xe6: {  	v9 =	vadd.s32 $0xFFFFFFFF, v9  }
0xe7: {  	v9 =	vbroadcast v9, $0x0  }
0xe8: {  	v10, _, _ =	vpop (xrf0)  }
0xe9: {  	v9 =	vadd.s32 v10, v9;
	(v2sf) =	vpush v10, $0xF;
	_ =	sdelay $0x2  }
.Ltmp5:
0xea: {  	(pc) =	sbr.rel @p0 .LBB2_12-.Ltmp5, $4  }
0xeb: {  	_ = 	snop  }
0xec: {  	[tilespmem:v9+s18+$0x0] =	vst.idx.msk vm0, v8;
	v8 =	vor.u32 s0, v1;
	s0 =	smov.u32 s7  }
0xed: {  	s6 =	sadd.s32 $0x10, s6;
	[tilespmem:v9+s19+$0x0] =	vst.idx.msk vm0, v8  }
0xee: {  	s7 =	sadd.s32 $0x10, s7;
	v8 =	vld [tilespmem:s6+$0x0]  }
0xef: {  	_ =	sdelay $0x3  }
0xf0: {  	vm0 =	vgt.s32 v8, $0xFFFFFFFF  }
0xf1: {  	v9 =	vsel vm0, $0x1, v5  }
0xf2: {  	(xrf0) =	vadd.scan.msk.s32 $0xffff, v9;
	_ =	sdelay $0x5  }
0xf3: {  	v9, _, _ =	vpop (xrf0)  }
0xf4: {  	(v2sf) =	vpush v9, $0xF;
	_ =	sdelay $0xd  }
0xf5: {  	s6 =	spop (v2sf)  }
0xf6: {  	s1 =	sadd.s32 s1, s6;
	s29 =	spop (v2sf)  }
0xf7: {  	v10 =	vmov s1;
	s1 =	sadd.s32 s1, s29  }
0xf8: {  	s1 =	sadd.s32 $0x1F, s1  }
0xf9: {  	s30 =	sand.u32 $0x1F, s1  }
0xfa: {  	s31 =	sshra.s32 s1, $0x1F;
	p1 =	slt.s32 s1, $0x1;
	p0 =	sne.s32 s30, $0x0  }
0xfb: {  	v10 =	vadd.s32 $0xFFFFFFFF, v10;
	s6 =	sshrl.u32 s31, $0x1B;
	p0 =	por !p1, !p0  }
0xfc: {  	v10 =	vbroadcast v10, $0x0;
	s1 =	sadd.s32 s6, s1;
	s6 =	simm.s32 $0x1;
	p0 =	por !p0, !p0  }
0xfd: {  	s1 =	sshra.s32 s1, $0x5;
	s6 =	simm.s32 @!p0 $0x0  }
0xfe: {  	v9 =	vadd.s32 v9, v10;
	s6 =	ssub.s32 s1, s6  }
0xff: {  	p0 =	slt.s32 s6, $0x1  }
.Ltmp6:
0x100: {  	_ = 	snop;
	(pc) =	sbr.rel @p0 .LBB2_16-.Ltmp6, $3  }
0x101: {  	_ =	sdelay $0x1  }
0x102: {  	[tilespmem:v9+s18+$0x0] =	vst.idx.msk vm0, v8;
	v8 =	vor.u32 s0, v1  }
0x103: {  	[tilespmem:v9+s19+$0x0] =	vst.idx.msk vm0, v8;
	[smem:$0x0] =	sst s6  }
0x104: {  	p0 =	sne.s32 s6, $0x1  }
.Ltmp7:
0x105: {  	_ = 	snop;
	(pc) =	sbr.rel @!p0 .LBB2_16-.Ltmp7, $3  }
0x106: {  	_ =	sdelay $0x1  }
0x107: {  	s0 =	simm.s32 $0x5000;
	s1 =	simm.s32 $0x5600;
	s6 =	sadd.s32 $0xFFFFFFFF, s6  }
0x108: {  	[tilespmem:s1], [sflag:$0x2] =	stream.indirect.gather [hbm4b:s2+s20], $0x40, s0, s20, $0xb8;
	[tilespmem:$0x19E00] =	vst v63  }
.LBB2_15:
0x109: {  	p0 =	sne.s32 s6, $0x1  }
.Ltmp8:
0x10a: {  	_ = 	snop;
	(pc) =	sbr.rel @p0 .LBB2_15-.Ltmp8, $4  }
0x10b: {  	_ = 	snop  }
0x10c: {  	s0 =	sadd.s32 $0x20, s0;
	s1 =	sadd.s32 $0x800, s1  }
0x10d: {  	s6 =	sadd.s32 $0xFFFFFFFF, s6  }
0x10e: {  	[tilespmem:s1], [sflag:$0x2] =	stream.indirect.gather [hbm4b:s2+s20], $0x40, s0, s20, $0xb8;
	[tilespmem:$0x19E00] =	vst v63  }
.LBB2_16:
0x10f: {  	s0 =	simm.s32 $0x100  }
0x110: {  	v8 =	vadd.s32 s0, v2  }
0x111: {  	s25 =	simm.s32 $0x5130;
	s1 =	simm.s32 $0x110;
	v8 =	vand.u32 $0x7FFF, v8  }
0x112: {  	s6 =	simm.s32 $0x5430;
	[tilespmem:s25+$0xFFFFFFD0] =	vst v8;
	v8 =	vadd.s32 s1, v2  }
0x113: {  	s26 =	simm.s32 $0x120;
	[tilespmem:s6+$0xFFFFFFD0] =	vst v4;
	v8 =	vand.u32 $0x7FFF, v8  }
0x114: {  	[tilespmem:s25+$0xFFFFFFE0] =	vst v8;
	v8 =	vadd.s32 s26, v2  }
0x115: {  	s28 =	simm.s32 $0x130;
	[tilespmem:s6+$0xFFFFFFE0] =	vst v4;
	v8 =	vand.u32 $0x7FFF, v8  }
0x116: {  	[tilespmem:s25+$0xFFFFFFF0] =	vst v8;
	v8 =	vadd.s32 s28, v2  }
0x117: {  	s29 =	simm.s32 $0x140;
	[tilespmem:s6+$0xFFFFFFF0] =	vst v4;
	v8 =	vand.u32 $0x7FFF, v8  }
0x118: {  	v9 =	vadd.s32 s29, v2;
	[tilespmem:s25+$0x0] =	vst v8  }
0x119: {  	s30 =	simm.s32 $0x150;
	s0 =	simm.s32 $0x5170;
	v8 =	vand.u32 $0x7FFF, v9;
	[tilespmem:s6+$0x0] =	vst v4  }
0x11a: {  	s1 =	simm.s32 $0x5470;
	[tilespmem:s0+$0xFFFFFFD0] =	vst v8;
	v8 =	vadd.s32 s30, v2  }
0x11b: {  	s31 =	simm.s32 $0x160;
	[tilespmem:s1+$0xFFFFFFD0] =	vst v4;
	v8 =	vand.u32 $0x7FFF, v8  }
0x11c: {  	[tilespmem:s0+$0xFFFFFFE0] =	vst v8;
	v8 =	vadd.s32 s31, v2  }
0x11d: {  	s7 =	simm.s32 $0x170;
	[tilespmem:s1+$0xFFFFFFE0] =	vst v4;
	v8 =	vand.u32 $0x7FFF, v8  }
0x11e: {  	s6 =	simm.s32 $0x4;
	[tilespmem:s0+$0xFFFFFFF0] =	vst v8;
	v8 =	vadd.s32 s7, v2;
	s7 =	simm.s32 $0x1B0  }
.LBB2_17:
0x11f: {  	s8 =	sadd.s32 $0xFFFFFFD0, s7;
	s6 =	sadd.s32 $0x4, s6;
	[tilespmem:s1+$0xFFFFFFF0] =	vst v4;
	v8 =	vand.u32 $0x7FFF, v8  }
0x120: {  	v9 =	vadd.s32 s8, v2;
	p0 =	slt.u32 s6, $0xC;
	[tilespmem:s0+$0x0] =	vst v8  }
0x121: {  	s8 =	sadd.s32 $0xFFFFFFE0, s7;
	s0 =	sadd.s32 $0x40, s0;
	v8 =	vand.u32 $0x7FFF, v9;
	[tilespmem:s1+$0x0] =	vst v4  }
.Ltmp9:
0x122: {  	s1 =	sadd.s32 $0x40, s1;
	[tilespmem:s0+$0xFFFFFFD0] =	vst v8;
	v8 =	vadd.s32 s8, v2;
	(pc) =	sbr.rel @p0 .LBB2_17-.Ltmp9, $4  }
0x123: {  	s8 =	sadd.s32 $0xFFFFFFF0, s7;
	[tilespmem:s1+$0xFFFFFFD0] =	vst v4;
	v8 =	vand.u32 $0x7FFF, v8  }
0x124: {  	[tilespmem:s0+$0xFFFFFFE0] =	vst v8;
	v8 =	vadd.s32 s8, v2  }
0x125: {  	[tilespmem:s1+$0xFFFFFFE0] =	vst v4;
	v8 =	vand.u32 $0x7FFF, v8  }
0x126: {  	[tilespmem:s0+$0xFFFFFFF0] =	vst v8;
	v8 =	vadd.s32 s7, v2;
	s7 =	sadd.s32 $0x40, s7  }
0x127: {  	[tilespmem:s1+$0xFFFFFFF0] =	vst v4;
	v8 =	vand.u32 $0x7FFF, v8  }
0x128: {  	[tilespmem:s0+$0x0] =	vst v8  }
0x129: {  	s30 =	simm.s32 $0x3100;
	[tilespmem:s1+$0x0] =	vst v4  }
0x12a: {  	v8 =	vld [tilespmem:s30+$0x0];
	_ =	sdelay $0x4  }
0x12b: {  	vm0 =	vgt.s32 v8, $0xFFFFFFFF  }
0x12c: {  	v9 =	vsel vm0, $0x1, v5  }
0x12d: {  	(xrf0) =	vadd.scan.msk.s32 $0xffff, v9;
	_ =	sdelay $0x2  }
0x12e: {  	s31 =	simm.s32 $0x100  }
0x12f: {  	v9 =	vmov s31  }
0x130: {  	v9 =	vadd.s32 $0xFFFFFFFF, v9  }
0x131: {  	v9 =	vbroadcast v9, $0x0;
	v10, _, _ =	vpop (xrf0)  }
0x132: {  	(v2sf) =	vpush v10, $0xF  }
0x133: {  	v9 =	vadd.s32 v10, v9;
	_ =	sdelay $0x3  }
0x134: {  	s1 =	simm.s32 $0x0  }
0x135: {  	[tilespmem:v9+s18+$0x0] =	vst.idx.msk vm0, v8;
	v8 =	vor.u32 s1, v1  }
0x136: {  	s6 =	simm.s32 $0x3110;
	[tilespmem:v9+s19+$0x0] =	vst.idx.msk vm0, v8  }
0x137: {  	s7 =	simm.s32 $0x20;
	s0 =	simm.s32 $0x10;
	v8 =	vld [tilespmem:s6+$0x0]  }
.LBB2_19:
0x138: {  	p0 =	sne.s32 s7, $0xF0;
	_ =	sdelay $0x3  }
0x139: {  	vm0 =	vgt.s32 v8, $0xFFFFFFFF  }
0x13a: {  	v9 =	vsel vm0, $0x1, v5  }
0x13b: {  	(xrf0) =	vadd.scan.msk.s32 $0xffff, v9;
	s8 =	spop (v2sf)  }
0x13c: {  	s1 =	sadd.s32 s1, s8  }
0x13d: {  	s8 =	sadd.s32 $0x100, s1  }
0x13e: {  	v9 =	vmov s8  }
0x13f: {  	v9 =	vadd.s32 $0xFFFFFFFF, v9  }
0x140: {  	v9 =	vbroadcast v9, $0x0  }
0x141: {  	v10, _, _ =	vpop (xrf0)  }
0x142: {  	v9 =	vadd.s32 v10, v9;
	(v2sf) =	vpush v10, $0xF;
	_ =	sdelay $0x3  }
.Ltmp10:
0x143: {  	(pc) =	sbr.rel @p0 .LBB2_19-.Ltmp10, $4  }
0x144: {  	[tilespmem:v9+s18+$0x0] =	vst.idx.msk vm0, v8;
	v8 =	vor.u32 s0, v1;
	s0 =	smov.u32 s7  }
0x145: {  	[tilespmem:v9+s19+$0x0] =	vst.idx.msk vm0, v8  }
0x146: {  	s6 =	sadd.s32 $0x10, s6  }
0x147: {  	s7 =	sadd.s32 $0x10, s7;
	v8 =	vld [tilespmem:s6+$0x0]  }
0x148: {  	_ =	sdelay $0x3  }
0x149: {  	vm0 =	vgt.s32 v8, $0xFFFFFFFF  }
0x14a: {  	v9 =	vsel vm0, $0x1, v5  }
0x14b: {  	(xrf0) =	vadd.scan.msk.s32 $0xffff, v9;
	_ =	sdelay $0x5  }
0x14c: {  	v9, _, _ =	vpop (xrf0)  }
0x14d: {  	(v2sf) =	vpush v9, $0xF;
	_ =	sdelay $0xd  }
0x14e: {  	s6 =	spop (v2sf)  }
0x14f: {  	s1 =	sadd.s32 s1, s6;
	s29 =	spop (v2sf)  }
0x150: {  	s6 =	sadd.s32 $0x100, s1;
	s1 =	sadd.s32 s1, s29  }
0x151: {  	s1 =	sadd.s32 $0x1F, s1  }
0x152: {  	s30 =	sand.u32 $0x1F, s1  }
0x153: {  	v10 =	vmov s6;
	s31 =	sshra.s32 s1, $0x1F;
	p1 =	slt.s32 s1, $0x1;
	p0 =	sne.s32 s30, $0x0  }
0x154: {  	v10 =	vadd.s32 $0xFFFFFFFF, v10;
	s6 =	sshrl.u32 s31, $0x1B;
	p0 =	por !p1, !p0  }
0x155: {  	v10 =	vbroadcast v10, $0x0;
	s1 =	sadd.s32 s6, s1;
	s6 =	simm.s32 $0x1;
	p0 =	por !p0, !p0  }
0x156: {  	s1 =	sshra.s32 s1, $0x5;
	s6 =	simm.s32 @!p0 $0x0  }
0x157: {  	v9 =	vadd.s32 v9, v10;
	s6 =	ssub.s32 s1, s6  }
0x158: {  	p0 =	slt.s32 s6, $0x1  }
.Ltmp11:
0x159: {  	_ = 	snop;
	(pc) =	sbr.rel @p0 .LBB2_23-.Ltmp11, $3  }
0x15a: {  	_ =	sdelay $0x1  }
0x15b: {  	[tilespmem:v9+s18+$0x0] =	vst.idx.msk vm0, v8;
	v8 =	vor.u32 s0, v1  }
0x15c: {  	[tilespmem:v9+s19+$0x0] =	vst.idx.msk vm0, v8;
	[smem:$0x1] =	sst s6  }
0x15d: {  	p0 =	sne.s32 s6, $0x1  }
.Ltmp12:
0x15e: {  	_ = 	snop;
	(pc) =	sbr.rel @!p0 .LBB2_23-.Ltmp12, $3  }
0x15f: {  	_ =	sdelay $0x1  }
0x160: {  	s0 =	simm.s32 $0x5100;
	s1 =	simm.s32 $0x9600;
	s6 =	sadd.s32 $0xFFFFFFFF, s6  }
0x161: {  	[tilespmem:s1], [sflag:$0x2] =	stream.indirect.gather [hbm4b:s2+s20], $0x40, s0, s20, $0xb8;
	[tilespmem:$0x19E00] =	vst v63  }
.LBB2_22:
0x162: {  	p0 =	sne.s32 s6, $0x1  }
.Ltmp13:
0x163: {  	_ = 	snop;
	(pc) =	sbr.rel @p0 .LBB2_22-.Ltmp13, $4  }
0x164: {  	_ = 	snop  }
0x165: {  	s0 =	sadd.s32 $0x20, s0;
	s1 =	sadd.s32 $0x800, s1  }
0x166: {  	s6 =	sadd.s32 $0xFFFFFFFF, s6  }
0x167: {  	[tilespmem:s1], [sflag:$0x2] =	stream.indirect.gather [hbm4b:s2+s20], $0x40, s0, s20, $0xb8;
	[tilespmem:$0x19E00] =	vst v63  }
.LBB2_23:
0x168: {  	s26 =	simm.s32 $0x0;
	s28 =	simm.s32 $0x2;
	s29 =	simm.s32 $0x5300  }
0x169: {  	s30 =	simm.s32 $0x5000;
	s31 =	simm.s32 $0x230;
	s0 =	simm.s32 $0x3200  }
0x16a: {  	s1 =	simm.s32 $0x5200;
	s13 =	simm.s32 $0xD600;
	p0 =	por $0x0, $0x0  }
.LBB2_24:
0x16b: {  	s14 =	sld [smem:s26+$0x0];
	_ =	sdelay $0x2  }
0x16c: {  	p1 =	slt.s32 s14, $0x1  }
.Ltmp14:
0x16d: {  	_ = 	snop;
	(pc) =	sbr.rel @p1 .LBB2_28-.Ltmp14, $2  }
0x16e: {  	_ =	sdelay $0x2  }
0x16f: {  	_ =	strace $0x8000004A  }
0x170: {  	p2 =	sne.s32 s14, $0x1  }
.Ltmp15:
0x171: {  	_ = 	snop;
	(pc) =	sbr.rel @!p2 .LBB2_27-.Ltmp15, $3  }
0x172: {  	_ =	sdelay $0x1  }
0x173: {  	_ =	swait.ge [sflag:s21], $0x800  }
0x174: {  	s6 =	sadd.s32 $0xFFFFFFFF, s14;
	[sflag:s21] =	ssyncset.done $0x0  }
.LBB2_26:
0x175: {  	p2 =	sne.s32 s6, $0x1;
	s6 =	sadd.s32 $0xFFFFFFFF, s6;
	[sflag:s21] =	ssyncadd.s32 $0xFFFFF800  }
.Ltmp16:
0x176: {  	(pc) =	sbr.rel @p2 .LBB2_26-.Ltmp16, $3  }
0x177: {  	_ =	sdelay $0x1  }
0x178: {  	_ =	swait.ge [sflag:s21], $0x800  }
0x179: {  	[sflag:s21] =	ssyncset.done $0x0  }
.LBB2_27:
0x17a: {  	[sflag:s21] =	ssyncadd.s32 $0xFFFFF800  }
.LBB2_28:
0x17b: {  	p2 =	slt.u32 s26, $0x1E  }
.Ltmp17:
0x17c: {  	_ = 	snop;
	(pc) =	sbr.rel @!p2 .LBB2_29-.Ltmp17, $3  }
0x17d: {  	_ =	sdelay $0x1  }
0x17e: {  	_ =	strace $0x9000004A  }
0x17f: {  	_ =	strace $0x8000004B  }
0x180: {  	s6 =	smulhi.u32 $0xAAAAAAAB, s28;
	_ =	sdelay $0x1  }
0x181: {  	s7 =	sshrl.u32 s6, $0x1  }
0x182: {  	s6 =	smul.u32 $0xFFFFF400, s7;
	_ =	sdelay $0x1  }
0x183: {  	s8 =	sshra.s32 s6, $0x2  }
0x184: {  	v8 =	vmov s8;
	_ =	sdelay $0x1  }
0x185: {  	s9 =	sadd.s32 $0xFFFFFFD0, s31  }
0x186: {  	v9 =	vadd.s32 s9, v2  }
0x187: {  	s11 =	sadd.s32 $0xFFFFFFE0, s31;
	v9 =	vand.u32 $0x7FFF, v9  }
0x188: {  	[tilespmem:v8+s30+$0x200 ss:$0x1] =	vst.idx.msk $0xffff, v9;
	v9 =	vadd.s32 s11, v2  }
0x189: {  	s12 =	sadd.s32 $0xFFFFFFF0, s31;
	[tilespmem:v8+s29+$0x200 ss:$0x1] =	vst.idx.msk $0xffff, v4;
	v9 =	vand.u32 $0x7FFF, v9  }
0x18a: {  	[tilespmem:v8+s30+$0x210 ss:$0x1] =	vst.idx.msk $0xffff, v9;
	v9 =	vadd.s32 s12, v2  }
0x18b: {  	s6 =	sadd.s32 $0x2, s26;
	[tilespmem:v8+s29+$0x210 ss:$0x1] =	vst.idx.msk $0xffff, v4;
	v9 =	vand.u32 $0x7FFF, v9  }
0x18c: {  	s25 =	sadd.s32 $0x40, s31;
	s9 =	smul.u32 $0xAB, s6;
	[tilespmem:v8+s30+$0x220 ss:$0x1] =	vst.idx.msk $0xffff, v9;
	v9 =	vadd.s32 s31, v2  }
0x18d: {  	s11 =	sadd.s32 $0xFFFFFFD0, s25;
	[tilespmem:v8+s29+$0x220 ss:$0x1] =	vst.idx.msk $0xffff, v4;
	v9 =	vand.u32 $0x7FFF, v9  }
0x18e: {  	s7 =	smul.u32 $0xFFFD0000, s7;
	s9 =	sshrl.u32 s9, $0x9;
	v10 =	vadd.s32 s11, v2;
	[tilespmem:v8+s30+$0x230 ss:$0x1] =	vst.idx.msk $0xffff, v9  }
0x18f: {  	s9 =	sand.u32 $0x7F, s9;
	s11 =	sadd.s32 $0x40, s30;
	s12 =	sadd.s32 $0xFFFFFFE0, s25;
	v9 =	vand.u32 $0x7FFF, v10;
	[tilespmem:v8+s29+$0x230 ss:$0x1] =	vst.idx.msk $0xffff, v4  }
0x190: {  	s9 =	smul.u32 $0x3, s9;
	[tilespmem:v8+s11+$0x200 ss:$0x1] =	vst.idx.msk $0xffff, v9;
	v9 =	vadd.s32 s12, v2;
	s12 =	sadd.s32 $0x40, s29  }
0x191: {  	s15 =	sadd.s32 $0xFFFFFFF0, s25;
	[tilespmem:v8+s12+$0x200 ss:$0x1] =	vst.idx.msk $0xffff, v4;
	v9 =	vand.u32 $0x7FFF, v9  }
0x192: {  	s3 =	sshra.s32 s7, $0x2;
	s9 =	ssub.s32 s6, s9;
	[tilespmem:v8+s11+$0x210 ss:$0x1] =	vst.idx.msk $0xffff, v9;
	v9 =	vadd.s32 s15, v2  }
0x193: {  	s7 =	sadd.s32 s8, s1;
	s8 =	sadd.s32 s3, s13;
	s15 =	sand.u32 $0xFF, s9;
	[tilespmem:v8+s12+$0x210 ss:$0x1] =	vst.idx.msk $0xffff, v4;
	v9 =	vand.u32 $0x7FFF, v9  }
0x194: {  	s9 =	sshll.u32 s15, $0x8;
	s15 =	simm.s32 $0x4;
	[tilespmem:v8+s11+$0x220 ss:$0x1] =	vst.idx.msk $0xffff, v9;
	v9 =	vadd.s32 s25, v2;
	s25 =	sadd.s32 $0x40, s25  }
.LBB2_31:
0x195: {  	s3 =	sadd.s32 $0xFFFFFFD0, s25;
	s15 =	sadd.s32 $0x4, s15;
	[tilespmem:v8+s12+$0x220 ss:$0x1] =	vst.idx.msk $0xffff, v4;
	v9 =	vand.u32 $0x7FFF, v9  }
0x196: {  	v10 =	vadd.s32 s3, v2;
	p2 =	slt.u32 s15, $0xC;
	[tilespmem:v8+s11+$0x230 ss:$0x1] =	vst.idx.msk $0xffff, v9  }
0x197: {  	s3 =	sadd.s32 $0xFFFFFFE0, s25;
	s11 =	sadd.s32 $0x40, s11;
	v9 =	vand.u32 $0x7FFF, v10;
	[tilespmem:v8+s12+$0x230 ss:$0x1] =	vst.idx.msk $0xffff, v4  }
.Ltmp18:
0x198: {  	s12 =	sadd.s32 $0x40, s12;
	[tilespmem:v8+s11+$0x200 ss:$0x1] =	vst.idx.msk $0xffff, v9;
	v9 =	vadd.s32 s3, v2;
	(pc) =	sbr.rel @p2 .LBB2_31-.Ltmp18, $4  }
0x199: {  	s3 =	sadd.s32 $0xFFFFFFF0, s25;
	[tilespmem:v8+s12+$0x200 ss:$0x1] =	vst.idx.msk $0xffff, v4;
	v9 =	vand.u32 $0x7FFF, v9  }
0x19a: {  	[tilespmem:v8+s11+$0x210 ss:$0x1] =	vst.idx.msk $0xffff, v9;
	v9 =	vadd.s32 s3, v2  }
0x19b: {  	[tilespmem:v8+s12+$0x210 ss:$0x1] =	vst.idx.msk $0xffff, v4;
	v9 =	vand.u32 $0x7FFF, v9  }
0x19c: {  	[tilespmem:v8+s11+$0x220 ss:$0x1] =	vst.idx.msk $0xffff, v9;
	v9 =	vadd.s32 s25, v2;
	s25 =	sadd.s32 $0x40, s25  }
0x19d: {  	_ =	sdelay $0x3  }
0x19e: {  	[tilespmem:v8+s12+$0x220 ss:$0x1] =	vst.idx.msk $0xffff, v4;
	v9 =	vand.u32 $0x7FFF, v9  }
0x19f: {  	[tilespmem:v8+s11+$0x230 ss:$0x1] =	vst.idx.msk $0xffff, v9  }
0x1a0: {  	[tilespmem:v8+s12+$0x230 ss:$0x1] =	vst.idx.msk $0xffff, v4  }
0x1a1: {  	v8 =	vld [tilespmem:s0+$0x0];
	_ =	sdelay $0x4  }
0x1a2: {  	vm0 =	vgt.s32 v8, $0xFFFFFFFF  }
0x1a3: {  	v9 =	vsel vm0, $0x1, v5  }
0x1a4: {  	(xrf0) =	vadd.scan.msk.s32 $0xffff, v9;
	_ =	sdelay $0x2  }
0x1a5: {  	s3 =	sadd.s32 $0x0, s9  }
0x1a6: {  	v9 =	vmov s3  }
0x1a7: {  	v9 =	vadd.s32 $0xFFFFFFFF, v9  }
0x1a8: {  	v9 =	vbroadcast v9, $0x0;
	v10, _, _ =	vpop (xrf0)  }
0x1a9: {  	(v2sf) =	vpush v10, $0xF  }
0x1aa: {  	v9 =	vadd.s32 v10, v9;
	_ =	sdelay $0x3  }
0x1ab: {  	s12 =	simm.s32 $0x0  }
0x1ac: {  	[tilespmem:v9+s18+$0x0] =	vst.idx.msk vm0, v8;
	v8 =	vor.u32 s12, v1  }
0x1ad: {  	s15 =	sadd.s32 $0x10, s0;
	[tilespmem:v9+s19+$0x0] =	vst.idx.msk vm0, v8  }
0x1ae: {  	s25 =	simm.s32 $0x20;
	s11 =	simm.s32 $0x10;
	v8 =	vld [tilespmem:s15+$0x0]  }
.LBB2_33:
0x1af: {  	p2 =	sne.s32 s25, $0xF0;
	_ =	sdelay $0x3  }
0x1b0: {  	vm0 =	vgt.s32 v8, $0xFFFFFFFF  }
0x1b1: {  	v9 =	vsel vm0, $0x1, v5  }
0x1b2: {  	(xrf0) =	vadd.scan.msk.s32 $0xffff, v9;
	s3 =	spop (v2sf)  }
0x1b3: {  	s12 =	sadd.s32 s12, s3  }
0x1b4: {  	s3 =	sadd.s32 s9, s12  }
0x1b5: {  	v9 =	vmov s3  }
0x1b6: {  	v9 =	vadd.s32 $0xFFFFFFFF, v9  }
0x1b7: {  	v9 =	vbroadcast v9, $0x0  }
0x1b8: {  	v10, _, _ =	vpop (xrf0)  }
0x1b9: {  	v9 =	vadd.s32 v10, v9;
	(v2sf) =	vpush v10, $0xF;
	_ =	sdelay $0x3  }
.Ltmp19:
0x1ba: {  	(pc) =	sbr.rel @p2 .LBB2_33-.Ltmp19, $4  }
0x1bb: {  	[tilespmem:v9+s18+$0x0] =	vst.idx.msk vm0, v8;
	v8 =	vor.u32 s11, v1;
	s11 =	smov.u32 s25  }
0x1bc: {  	[tilespmem:v9+s19+$0x0] =	vst.idx.msk vm0, v8  }
0x1bd: {  	s15 =	sadd.s32 $0x10, s15  }
0x1be: {  	s25 =	sadd.s32 $0x10, s25;
	v8 =	vld [tilespmem:s15+$0x0]  }
0x1bf: {  	_ =	sdelay $0x3  }
0x1c0: {  	vm0 =	vgt.s32 v8, $0xFFFFFFFF  }
0x1c1: {  	v9 =	vsel vm0, $0x1, v5  }
0x1c2: {  	(xrf0) =	vadd.scan.msk.s32 $0xffff, v9;
	_ =	sdelay $0x5  }
0x1c3: {  	v9, _, _ =	vpop (xrf0)  }
0x1c4: {  	(v2sf) =	vpush v9, $0xF;
	_ =	sdelay $0xd  }
0x1c5: {  	s3 =	spop (v2sf)  }
0x1c6: {  	s3 =	sadd.s32 s12, s3;
	s25 =	spop (v2sf)  }
0x1c7: {  	s9 =	sadd.s32 s9, s3;
	s3 =	sadd.s32 s3, s25  }
0x1c8: {  	s3 =	sadd.s32 $0x1F, s3  }
0x1c9: {  	s12 =	sand.u32 $0x1F, s3  }
0x1ca: {  	v10 =	vmov s9;
	s15 =	sshra.s32 s3, $0x1F;
	p2 =	slt.s32 s3, $0x1;
	p3 =	sne.s32 s12, $0x0  }
0x1cb: {  	v10 =	vadd.s32 $0xFFFFFFFF, v10;
	s25 =	sshrl.u32 s15, $0x1B;
	p2 =	por !p2, !p3  }
0x1cc: {  	s9 =	simm.s32 $0x1;
	v10 =	vbroadcast v10, $0x0;
	s3 =	sadd.s32 s25, s3;
	p2 =	por !p2, !p2  }
0x1cd: {  	s3 =	sshra.s32 s3, $0x5;
	s9 =	simm.s32 @!p2 $0x0  }
0x1ce: {  	v9 =	vadd.s32 v9, v10;
	s9 =	ssub.s32 s3, s9  }
0x1cf: {  	p2 =	slt.s32 s9, $0x1  }
.Ltmp20:
0x1d0: {  	_ = 	snop;
	(pc) =	sbr.rel @p2 .LBB2_37-.Ltmp20, $3  }
0x1d1: {  	_ =	sdelay $0x1  }
0x1d2: {  	[tilespmem:v9+s18+$0x0] =	vst.idx.msk vm0, v8;
	v8 =	vor.u32 s11, v1  }
0x1d3: {  	[tilespmem:v9+s19+$0x0] =	vst.idx.msk vm0, v8;
	[smem:s6] =	sst s9  }
0x1d4: {  	p2 =	sne.s32 s9, $0x1  }
.Ltmp21:
0x1d5: {  	_ = 	snop;
	(pc) =	sbr.rel @!p2 .LBB2_37-.Ltmp21, $3  }
0x1d6: {  	_ =	sdelay $0x1  }
0x1d7: {  	[tilespmem:s8], [sflag:$0x2] =	stream.indirect.gather [hbm4b:s2+s20], $0x40, s7, s20, $0x2000b8;
	[tilespmem:$0x19E00] =	vst v63  }
0x1d8: {  	s6 =	sadd.s32 $0xFFFFFFFF, s9  }
.LBB2_36:
0x1d9: {  	p2 =	sne.s32 s6, $0x1  }
.Ltmp22:
0x1da: {  	_ = 	snop;
	(pc) =	sbr.rel @p2 .LBB2_36-.Ltmp22, $4  }
0x1db: {  	_ = 	snop  }
0x1dc: {  	s7 =	sadd.s32 $0x20, s7;
	s8 =	sadd.s32 $0x800, s8  }
0x1dd: {  	s6 =	sadd.s32 $0xFFFFFFFF, s6  }
0x1de: {  	[tilespmem:s8], [sflag:$0x2] =	stream.indirect.gather [hbm4b:s2+s20], $0x40, s7, s20, $0x2000b8;
	[tilespmem:$0x19E00] =	vst v63  }
.LBB2_37:
0x1df: {  	p2 =	slt.u32 s26, $0x2  }
.Ltmp23:
0x1e0: {  	_ = 	snop;
	(pc) =	sbr.rel @p2 .LBB2_39-.Ltmp23, $4  }
.Ltmp24:
0x1e1: {  	_ = 	snop;
	(pc) =	sbr.rel @!p2 .LBB2_38-.Ltmp24, $4  }
0x1e2: {  	_ = 	snop  }
0x1e3: {  	_ =	strace $0x9000004B  }
0x1e4: {  	_ =	strace $0x8000004C  }
0x1e5: {  	_ = 	snop  }
.LBB2_29:
0x1e6: {  	_ =	strace $0x9000004B  }
0x1e7: {  	_ =	strace $0x8000004C  }
.LBB2_38:
0x1e8: {  	_ =	swait.ge [sflag:s22], $0x4000  }
0x1e9: {  	[sflag:s22] =	ssyncset.done $0x0  }
0x1ea: {  	[sflag:s22] =	ssyncadd.s32 $0xFFFFC000  }
.LBB2_39:
0x1eb: {  	s3 =	simm.s32 $0x1  }
0x1ec: {  	s3 =	simm.s32 @!p0 $0x0  }
0x1ed: {  	s6 =	smul.u32 $0x11000, s3;
	_ =	sdelay $0x1  }
0x1ee: {  	s6 =	sshrl.u32 s6, $0x2  }
0x1ef: {  	s15 =	sadd.s32 $0x11600, s6  }
0x1f0: {  	v8 =	vmov s15;
	_ =	sdelay $0x3  }
0x1f1: {  	_ =	strace $0x9000004C;
	s8 =	simm.s32 $0x0  }
0x1f2: {  	_ =	strace $0x8000004D;
	[tilespmem:v8+s8+$0x0 ss:$0x1] =	vst.idx.msk $0xffff, v6  }
0x1f3: {  	[tilespmem:v8+s8+$0x10 ss:$0x1] =	vst.idx.msk $0xffff, v6  }
0x1f4: {  	[tilespmem:v8+s8+$0x20 ss:$0x1] =	vst.idx.msk $0xffff, v6  }
0x1f5: {  	[tilespmem:v8+s8+$0x30 ss:$0x1] =	vst.idx.msk $0xffff, v6  }
0x1f6: {  	[tilespmem:v8+s8+$0x40 ss:$0x1] =	vst.idx.msk $0xffff, v6  }
0x1f7: {  	[tilespmem:v8+s8+$0x50 ss:$0x1] =	vst.idx.msk $0xffff, v6  }
0x1f8: {  	s25 =	smul.u32 $0xAB, s26;
	[tilespmem:v8+s8+$0x60 ss:$0x1] =	vst.idx.msk $0xffff, v6  }
0x1f9: {  	[tilespmem:v8+s8+$0x70 ss:$0x1] =	vst.idx.msk $0xffff, v6  }
0x1fa: {  	s6 =	sshrl.u32 s25, $0x9;
	[tilespmem:v8+s8+$0x80 ss:$0x1] =	vst.idx.msk $0xffff, v6  }
0x1fb: {  	s6 =	sand.u32 $0x7F, s6;
	[tilespmem:v8+s8+$0x90 ss:$0x1] =	vst.idx.msk $0xffff, v6  }
0x1fc: {  	s6 =	smul.u32 $0x3, s6;
	[tilespmem:v8+s8+$0xA0 ss:$0x1] =	vst.idx.msk $0xffff, v6  }
0x1fd: {  	[tilespmem:v8+s8+$0xB0 ss:$0x1] =	vst.idx.msk $0xffff, v6  }
0x1fe: {  	s6 =	ssub.s32 s26, s6;
	[tilespmem:v8+s8+$0xC0 ss:$0x1] =	vst.idx.msk $0xffff, v6  }
0x1ff: {  	s7 =	sand.u32 $0xFF, s6;
	[tilespmem:v8+s8+$0xD0 ss:$0x1] =	vst.idx.msk $0xffff, v6  }
0x200: {  	s9 =	simm.s32 $0x440;
	s6 =	sshll.u32 s3, $0x6;
	s7 =	sshll.u32 s7, $0x8;
	[tilespmem:v8+s8+$0xE0 ss:$0x1] =	vst.idx.msk $0xffff, v6  }
.LBB2_40:
0x201: {  	p2 =	sne.s32 s9, $0x10BC0;
	[tilespmem:v8+s8+$0xF0 ss:$0x1] =	vst.idx.msk $0xffff, v6;
	s8 =	sshra.s32 s9, $0x2;
	s9 =	sadd.s32 $0x440, s9  }
0x202: {  	[tilespmem:v8+s8+$0x0 ss:$0x1] =	vst.idx.msk $0xffff, v6  }
0x203: {  	[tilespmem:v8+s8+$0x10 ss:$0x1] =	vst.idx.msk $0xffff, v6  }
0x204: {  	[tilespmem:v8+s8+$0x20 ss:$0x1] =	vst.idx.msk $0xffff, v6  }
0x205: {  	[tilespmem:v8+s8+$0x30 ss:$0x1] =	vst.idx.msk $0xffff, v6  }
0x206: {  	[tilespmem:v8+s8+$0x40 ss:$0x1] =	vst.idx.msk $0xffff, v6  }
0x207: {  	[tilespmem:v8+s8+$0x50 ss:$0x1] =	vst.idx.msk $0xffff, v6  }
0x208: {  	[tilespmem:v8+s8+$0x60 ss:$0x1] =	vst.idx.msk $0xffff, v6  }
0x209: {  	[tilespmem:v8+s8+$0x70 ss:$0x1] =	vst.idx.msk $0xffff, v6  }
0x20a: {  	[tilespmem:v8+s8+$0x80 ss:$0x1] =	vst.idx.msk $0xffff, v6  }
0x20b: {  	[tilespmem:v8+s8+$0x90 ss:$0x1] =	vst.idx.msk $0xffff, v6  }
.Ltmp25:
0x20c: {  	[tilespmem:v8+s8+$0xA0 ss:$0x1] =	vst.idx.msk $0xffff, v6;
	(pc) =	sbr.rel @p2 .LBB2_40-.Ltmp25, $4  }
0x20d: {  	[tilespmem:v8+s8+$0xB0 ss:$0x1] =	vst.idx.msk $0xffff, v6  }
0x20e: {  	[tilespmem:v8+s8+$0xC0 ss:$0x1] =	vst.idx.msk $0xffff, v6  }
0x20f: {  	[tilespmem:v8+s8+$0xD0 ss:$0x1] =	vst.idx.msk $0xffff, v6  }
0x210: {  	[tilespmem:v8+s8+$0xE0 ss:$0x1] =	vst.idx.msk $0xffff, v6  }
0x211: {  	_ =	sdelay $0x1  }
.Ltmp26:
0x212: {  	_ = 	snop;
	(pc) =	sbr.rel @p1 .LBB2_47-.Ltmp26, $4  }
0x213: {  	_ = 	snop  }
0x214: {  	[tilespmem:v8+s8+$0xF0 ss:$0x1] =	vst.idx.msk $0xffff, v6  }
0x215: {  	_ =	strace $0x9000004D  }
0x216: {  	s8 =	simm.s32 $0x0;
	_ =	strace $0x8000004E  }
.LBB2_42:
0x217: {  	s3 =	sshll.u32 s8, $0x5  }
0x218: {  	p2 =	por $0x1, $0x1;
	s11 =	simm.s32 $0x0;
	s9 =	sadd.s32 s7, s3  }
.LBB2_43:
0x219: {  	s3 =	simm.s32 $0x0  }
0x21a: {  	s11 =	sor.u32 s9, s11;
	v8 =	vmov s3  }
0x21b: {  	v9 =	vmov s11;
	v8 =	vand.u32 $0x3C, v8  }
0x21c: {  	v9 =	vshll.u32 v9, $0x6;
	v10 =	vbroadcast v8, $0x0  }
0x21d: {  	s3 =	sadd.s32 $0x0, s6;
	v9 =	vor.u32 v7, v9  }
0x21e: {  	v11 =	vmov s3;
	v8 =	vld [tilespmem:s11+$0x5300];
	v10 =	vor.u32 v9, v10  }
0x21f: {  	s25 =	simm.s32 $0x1;
	v11 =	vmul.u32 $0x110, v11  }
0x220: {  	v12 =	vmov s25  }
0x221: {  	v12 =	vand.u32 $0x3D, v12;
	v11 =	vbroadcast v11, $0x0  }
0x222: {  	v12 =	vbroadcast v12, $0x0  }
0x223: {  	s12 =	sadd.s32 $0x1, s3;
	v11 =	vadd.s32 v8, v11;
	v10 =	vld.idx.msk [tilespmem:v10+s23+$0x0], $0xffff  }
0x224: {  	v13 =	vmov s12;
	v12 =	vor.u32 v9, v12  }
0x225: {  	s25 =	simm.s32 $0x2;
	v13 =	vmul.u32 $0x110, v13  }
0x226: {  	v14 =	vmov s25  }
0x227: {  	v14 =	vand.u32 $0x3E, v14;
	v13 =	vbroadcast v13, $0x0  }
0x228: {  	[tilespmem:v11+s24+$0x0] =	vst.idx.msk $0xffff, v10;
	v10 =	vbroadcast v14, $0x0  }
0x229: {  	s12 =	sadd.s32 $0x2, s3;
	v11 =	vld.idx.msk [tilespmem:v12+s23+$0x0], $0xffff;
	v12 =	vadd.s32 v8, v13  }
0x22a: {  	v13 =	vmov s12;
	v10 =	vor.u32 v9, v10  }
0x22b: {  	s25 =	simm.s32 $0x3;
	v13 =	vmul.u32 $0x110, v13  }
0x22c: {  	v14 =	vmov s25  }
0x22d: {  	v14 =	vand.u32 $0x3F, v14;
	v13 =	vbroadcast v13, $0x0  }
0x22e: {  	v14 =	vbroadcast v14, $0x0;
	[tilespmem:v12+s24+$0x0] =	vst.idx.msk $0xffff, v11  }
0x22f: {  	v11 =	vadd.s32 v8, v13;
	v10 =	vld.idx.msk [tilespmem:v10+s23+$0x0], $0xffff  }
0x230: {  	s3 =	sadd.s32 $0x3, s3;
	v12 =	vor.u32 v9, v14  }
0x231: {  	v13 =	vmov s3  }
0x232: {  	s11 =	simm.s32 $0x4;
	v13 =	vmul.u32 $0x110, v13  }
0x233: {  	p1 =	por p2, p2;
	s12 =	simm.s32 $0x8;
	v14 =	vmov s11  }
.LBB2_44:
0x234: {  	p2 =	slt.u32 s12, $0x3C;
	v14 =	vand.u32 $0x3C, v14;
	[tilespmem:v11+s24+$0x0] =	vst.idx.msk $0xffff, v10;
	v10 =	vbroadcast v13, $0x0  }
0x235: {  	v11 =	vbroadcast v14, $0x0;
	v12 =	vld.idx.msk [tilespmem:v12+s23+$0x0], $0xffff  }
0x236: {  	v10 =	vadd.s32 v8, v10  }
0x237: {  	s3 =	sadd.s32 s11, s6;
	v11 =	vor.u32 v9, v11  }
0x238: {  	v13 =	vmov s3  }
0x239: {  	s25 =	sadd.s32 $0x1, s11;
	v13 =	vmul.u32 $0x110, v13  }
0x23a: {  	v14 =	vmov s25  }
0x23b: {  	v14 =	vand.u32 $0x3D, v14;
	v13 =	vbroadcast v13, $0x0;
	[tilespmem:v10+s24+$0x0] =	vst.idx.msk $0xffff, v12  }
0x23c: {  	v10 =	vld.idx.msk [tilespmem:v11+s23+$0x0], $0xffff;
	v11 =	vbroadcast v14, $0x0  }
0x23d: {  	v12 =	vadd.s32 v8, v13  }
0x23e: {  	s25 =	sadd.s32 $0x1, s3;
	v11 =	vor.u32 v9, v11  }
0x23f: {  	v13 =	vmov s25  }
0x240: {  	s25 =	sadd.s32 $0x2, s11;
	v13 =	vmul.u32 $0x110, v13  }
0x241: {  	v14 =	vmov s25  }
0x242: {  	[tilespmem:v12+s24+$0x0] =	vst.idx.msk $0xffff, v10;
	v10 =	vbroadcast v13, $0x0;
	v12 =	vand.u32 $0x3E, v14  }
0x243: {  	v11 =	vld.idx.msk [tilespmem:v11+s23+$0x0], $0xffff;
	v12 =	vbroadcast v12, $0x0  }
0x244: {  	v10 =	vadd.s32 v8, v10  }
0x245: {  	s25 =	sadd.s32 $0x2, s3;
	v12 =	vor.u32 v9, v12  }
0x246: {  	v13 =	vmov s25  }
0x247: {  	s25 =	sadd.s32 $0x3, s11;
	s11 =	smov.u32 s12;
	v13 =	vmul.u32 $0x110, v13  }
0x248: {  	v14 =	vmov s25  }
0x249: {  	[tilespmem:v10+s24+$0x0] =	vst.idx.msk $0xffff, v11;
	v11 =	vbroadcast v13, $0x0;
	v13 =	vand.u32 $0x3F, v14  }
0x24a: {  	v10 =	vld.idx.msk [tilespmem:v12+s23+$0x0], $0xffff;
	v12 =	vbroadcast v13, $0x0  }
.Ltmp27:
0x24b: {  	v11 =	vadd.s32 v8, v11;
	(pc) =	sbr.rel @p2 .LBB2_44-.Ltmp27, $4  }
0x24c: {  	s3 =	sadd.s32 $0x3, s3;
	v12 =	vor.u32 v9, v12  }
0x24d: {  	v13 =	vmov s3  }
0x24e: {  	v13 =	vmul.u32 $0x110, v13  }
0x24f: {  	s12 =	sadd.s32 $0x4, s12;
	v14 =	vmov s11  }
0x250: {  	_ =	sdelay $0x2  }
0x251: {  	v14 =	vand.u32 $0x3C, v14;
	v13 =	vbroadcast v13, $0x0  }
0x252: {  	[tilespmem:v11+s24+$0x0] =	vst.idx.msk $0xffff, v10;
	v48 =	vbroadcast v14, $0x0  }
0x253: {  	s3 =	sadd.s32 s11, s6;
	v11 =	vld.idx.msk [tilespmem:v12+s23+$0x0], $0xffff;
	v49 =	vadd.s32 v8, v13  }
0x254: {  	v50 =	vmov s3;
	v10 =	vor.u32 v9, v48  }
0x255: {  	s12 =	sadd.s32 $0x1, s11;
	v13 =	vmul.u32 $0x110, v50  }
0x256: {  	v51 =	vmov s12  }
0x257: {  	v14 =	vand.u32 $0x3D, v51;
	v13 =	vbroadcast v13, $0x0  }
0x258: {  	v52 =	vbroadcast v14, $0x0;
	[tilespmem:v49+s24+$0x0] =	vst.idx.msk $0xffff, v11  }
0x259: {  	s25 =	sadd.s32 $0x1, s3;
	v53 =	vadd.s32 v8, v13;
	v10 =	vld.idx.msk [tilespmem:v10+s23+$0x0], $0xffff  }
0x25a: {  	v54 =	vmov s25;
	v11 =	vor.u32 v9, v52  }
0x25b: {  	s25 =	sadd.s32 $0x2, s11;
	v13 =	vmul.u32 $0x110, v54  }
0x25c: {  	v55 =	vmov s25  }
0x25d: {  	v14 =	vand.u32 $0x3E, v55;
	v13 =	vbroadcast v13, $0x0  }
0x25e: {  	v56 =	vbroadcast v14, $0x0;
	[tilespmem:v53+s24+$0x0] =	vst.idx.msk $0xffff, v10  }
0x25f: {  	s25 =	sadd.s32 $0x2, s3;
	v57 =	vadd.s32 v8, v13;
	v11 =	vld.idx.msk [tilespmem:v11+s23+$0x0], $0xffff  }
0x260: {  	v58 =	vmov s25;
	v10 =	vor.u32 v9, v56  }
0x261: {  	s25 =	sadd.s32 $0x3, s11;
	v13 =	vmul.u32 $0x110, v58  }
0x262: {  	v59 =	vmov s25  }
0x263: {  	v14 =	vand.u32 $0x3F, v59;
	v13 =	vbroadcast v13, $0x0  }
0x264: {  	v60 =	vbroadcast v14, $0x0;
	[tilespmem:v57+s24+$0x0] =	vst.idx.msk $0xffff, v11  }
0x265: {  	s3 =	sadd.s32 $0x3, s3;
	v61 =	vadd.s32 v8, v13;
	v10 =	vld.idx.msk [tilespmem:v10+s23+$0x0], $0xffff  }
0x266: {  	v63 =	vmov s3;
	v62 =	vor.u32 v9, v60  }
0x267: {  	v11 =	vmul.u32 $0x110, v63;
	_ =	sdelay $0x1  }
0x268: {  	v11 =	vbroadcast v11, $0x0  }
0x269: {  	[tilespmem:v61+s24+$0x0] =	vst.idx.msk $0xffff, v10  }
0x26a: {  	v8 =	vadd.s32 v8, v11;
	v9 =	vld.idx.msk [tilespmem:v62+s23+$0x0], $0xffff  }
.Ltmp28:
0x26b: {  	_ = 	snop;
	(pc) =	sbr.rel @p1 .LBB2_43-.Ltmp28, $2  }
0x26c: {  	_ =	sdelay $0x2  }
0x26d: {  	p2 =	por $0x0, $0x0;
	s11 =	simm.s32 $0x10;
	[tilespmem:v8+s24+$0x0] =	vst.idx.msk $0xffff, v9  }
0x26e: {  	s8 =	sadd.s32 $0x1, s8  }
0x26f: {  	p1 =	sne.s32 s8, s14  }
.Ltmp29:
0x270: {  	_ = 	snop;
	(pc) =	sbr.rel @p1 .LBB2_42-.Ltmp29, $1  }
0x271: {  	_ =	sdelay $0x3  }
.LBB2_47:
0x272: {  	s3 =	sshll.u32 s26, $0x8  }
0x273: {  	s3 =	sadd.s32 s3, s10  }
0x274: {  	_ =	strace $0x9000004E;
	s25 =	sadd.s32 $0x0, s15;
	s3 =	sshrl.u32 s3, $0x3  }
0x275: {  	s7 =	simm.s32 $0x440;
	_ =	strace $0x8000004F;
	s6 =	sadd.s32 s5, s3  }
0x276: {  	[hbm4b:s6+s4] =	stream.linear.scatter [tilespmem:s25], [sflag:$0x3], $0x100, $0x200038;
	[tilespmem:$0x19E00] =	vst v63  }
.LBB2_48:
0x277: {  	p1 =	sne.s32 s7, $0x10BC0  }
.Ltmp30:
0x278: {  	_ = 	snop;
	(pc) =	sbr.rel @p1 .LBB2_48-.Ltmp30, $4  }
0x279: {  	_ = 	snop  }
0x27a: {  	s3 =	sshra.s32 s7, $0x2;
	s7 =	sadd.s32 $0x440, s7  }
0x27b: {  	s6 =	sadd.s32 $0x2000, s6;
	s3 =	sadd.s32 s3, s15  }
0x27c: {  	[hbm4b:s6+s4] =	stream.linear.scatter [tilespmem:s3], [sflag:$0x3], $0x100, $0x200038;
	[tilespmem:$0x19E00] =	vst v63  }
0x27d: {  	s26 =	sadd.s32 $0x1, s26  }
0x27e: {  	p1 =	sne.s32 s26, $0x20  }
.Ltmp31:
0x27f: {  	_ = 	snop;
	(pc) =	sbr.rel @p1 .LBB2_24-.Ltmp31, $4  }
0x280: {  	_ = 	snop  }
0x281: {  	_ =	strace $0x9000004F;
	s28 =	sadd.s32 $0x1, s28;
	s29 =	sadd.s32 $0x100, s29  }
0x282: {  	s30 =	sadd.s32 $0x100, s30;
	s31 =	sadd.s32 $0x100, s31;
	s0 =	sadd.s32 $0x100, s0  }
0x283: {  	s1 =	sadd.s32 $0x100, s1;
	s13 =	sadd.s32 $0x4000, s13;
	p0 =	por !p0, !p0  }
0x284: {  	_ =	swait.ge [sflag:s22], $0x4000  }
0x285: {  	[sflag:s22] =	ssyncset.done $0x0  }
0x286: {  	[sflag:s22] =	ssyncadd.s32 $0xFFFFC000  }
0x287: {  	_ =	swait.ge [sflag:s22], $0x4000  }
0x288: {  	s1 =	rddreg [dreg:$0x9]  }
0x289: {  	s0 =	rddreg [dreg:$0x8];
	s1 =	sadd.s32 $0x1, s1  }
0x28a: {  	p0 =	sne.s32 s1, s0  }
.Ltmp32:
0x28b: {  	_ = 	snop;
	(pc) =	sbr.rel @p0 .LBB2_1-.Ltmp32, $4  }
0x28c: {  	_ = 	snop  }
0x28d: {  	[sflag:s22] =	ssyncset.done $0x0  }
0x28e: {  	[sflag:s22] =	ssyncadd.s32 $0xFFFFC000  }
0x28f: {  	s3 =	simm.s32 $0x4;
	s11 =	rddreg [dreg:$0x2]  }
0x290: {  	_ =	sfence.sel $0x180000  }
0x291: {  	[bflag:$0x0] =	sbarrier.arrive $0xFFFF  }
0x292: {  	_ =	strace $0x90000047  }
0x293: {  	s0 =	stileid.u32;
	[bflag:$0x2] =	sbarrier.arrive $0xFFFF  }
0x294: {  	p0 =	sne.s32 s0, $0x0;
	s0 =	rddreg [dreg:$0x3]  }
0x295: {  	s0 =	sadd.s32 @!p0 $0x100000, s0  }
0x296: {  	[sflag:s0] =	ssyncadd.tile.s32 @!p0 $0x1;
	_ =	shalt  }
.Lfunc_end2:
_tile_overlayer_lowered:
.L_overlay_start_2:
0x297: {  	(tag) =	ssettag $0x2  }
0x298: {  	s0 =	rddreg [dreg:$0x0];
	s2 =	stileid.u32  }
0x299: {  	s1 =	rddreg [dreg:$0x1];
	p0 =	sne.s32 s2, $0x0  }
0x29a: {  	s3 =	rddreg [dreg:$0x2];
	[bflag:$0x3] =	sbarrier.arrive $0xFFFF;
	s2 =	simm.s32 @!p0 $0x1C04  }
0x29b: {  	[timem:s3], [sflag:s2] =	dma.local @!p0 [hbm:s0], s1  }
0x29c: {  	s0 =	simm.s32 @!p0 $0x4  }
0x29d: {  	_ =	swait.ge @!p0 [sflag:s0], s1  }
0x29e: {  	s1 =	ssub.s32 @!p0 $0x0, s1;
	[sflag:s0] =	ssyncset.done @!p0 $0x0  }
0x29f: {  	[sflag:s0] =	ssyncadd.s32 @!p0 s1  }
0x2a0: {  	[bflag:$0x3] =	sbarrier.arrive $0xFFFF  }
0x2a1: {  	_ =	shalt  }

</sc_bundles>
